<compile_context>
chip_gen: v7x
topology: tpu7x:2x2x1
jax: 0.10.2.dev20260603
libtpu: 0.0.44.dev20260713+nightly
codegen_flags: <defaults>
</compile_context>

<pallas_src>
import jax
import jax.numpy as jnp
from jax import lax
from jax.experimental import pallas as pl
from jax.experimental.pallas import tpu as pltpu
from jax.experimental.pallas import tpu_sc as plsc

N, E, D, H, OUT = 10000, 320000, 128, 128, 128
NUM_BLOCKS = 3
NC, NS = 2, 16
NW = NC * NS
COLS = H // NC
CHUNK = 128
HALF = 80
HPW = 2
CPT = HALF * HPW
TOT_CHUNKS = NS * CPT
E_PAD = TOT_CHUNKS * CHUNK
ZROWS = 632
ACC_R = NS * ZROWS
EPS = 1e-5


def _agg_body(h2_hbm, src_hbm, dst_hbm, out_hbm,
              hs, acc, src_v, dst_v, rows0, rows1, sem0, sem1):
    c = lax.axis_index("c")
    s = lax.axis_index("s")

    pltpu.sync_copy(h2_hbm.at[c, pl.ds(s * ZROWS, ZROWS)],
                    hs.at[pl.ds(s * ZROWS, ZROWS)])

    zero16 = jnp.zeros((16,), jnp.float32)

    def zrow(r, carry):
        for k in range(COLS // 16):
            rows0[r, pl.ds(k * 16, 16)] = zero16
        return carry

    lax.fori_loop(0, CHUNK, zrow, 0)
    for j in range(4):
        pltpu.sync_copy(rows0, acc.at[pl.ds(s * ZROWS + j * CHUNK, CHUNK)])
    pltpu.sync_copy(rows0.at[pl.ds(0, ZROWS - 4 * CHUNK)],
                    acc.at[pl.ds(s * ZROWS + 4 * CHUNK, ZROWS - 4 * CHUNK)])
    plsc.subcore_barrier()

    hsrc = hs
    for half in range(HPW):
        base = s * CPT + half * HALF
        pltpu.sync_copy(src_hbm.at[pl.ds(base, HALF)], src_v)
        pltpu.sync_copy(dst_hbm.at[pl.ds(base, HALF)], dst_v)
        pltpu.async_copy(hsrc.at[src_v.at[0]], rows0, sem0)
        pltpu.async_copy(hsrc.at[src_v.at[1]], rows1, sem1)

        def step(i, carry2):
            j0 = 2 * i
            pltpu.make_async_copy(hsrc.at[src_v.at[j0]], rows0, sem0).wait()
            pltpu.sync_copy(rows0, acc.at[dst_v.at[j0]], add=True)
            pltpu.async_copy(hsrc.at[src_v.at[j0 + 2]], rows0, sem0)
            pltpu.make_async_copy(hsrc.at[src_v.at[j0 + 1]], rows1, sem1).wait()
            pltpu.sync_copy(rows1, acc.at[dst_v.at[j0 + 1]], add=True)
            pltpu.async_copy(hsrc.at[src_v.at[j0 + 3]], rows1, sem1)
            return carry2

        lax.fori_loop(0, HALF // 2 - 1, step, 0)
        pltpu.make_async_copy(hsrc.at[src_v.at[HALF - 2]], rows0, sem0).wait()
        pltpu.sync_copy(rows0, acc.at[dst_v.at[HALF - 2]], add=True)
        pltpu.make_async_copy(hsrc.at[src_v.at[HALF - 1]], rows1, sem1).wait()
        pltpu.sync_copy(rows1, acc.at[dst_v.at[HALF - 1]], add=True)
    plsc.subcore_barrier()
    pltpu.sync_copy(acc.at[pl.ds(s * ZROWS, ZROWS)],
                    out_hbm.at[c, pl.ds(s * ZROWS, ZROWS)])


_SC_AGG_CACHE = []


def _sc_agg_kernel():
    if not _SC_AGG_CACHE:
        _SC_AGG_CACHE.append(pl.kernel(
            _agg_body,
            out_type=jax.ShapeDtypeStruct((NC, ACC_R, COLS), jnp.float32),
            mesh=plsc.VectorSubcoreMesh(core_axis_name="c",
                                        subcore_axis_name="s",
                                        num_cores=NC, num_subcores=NS),
            compiler_params=pltpu.CompilerParams(use_tc_tiling_on_sc=False),
            scratch_types=[
                pltpu.VMEM_SHARED((ACC_R, COLS), jnp.float32),
                pltpu.VMEM_SHARED((ACC_R, COLS), jnp.float32),
                pltpu.VMEM((HALF, CHUNK), jnp.int32),
                pltpu.VMEM((HALF, CHUNK), jnp.int32),
                pltpu.VMEM((CHUNK, COLS), jnp.float32),
                pltpu.VMEM((CHUNK, COLS), jnp.float32),
                pltpu.SemaphoreType.DMA,
                pltpu.SemaphoreType.DMA,
            ],
        ))
    return _SC_AGG_CACHE[0]


def _split_halves(h2_ref, h):
    h2_ref[0, :N, :] = h[:, :COLS]
    h2_ref[1, :N, :] = h[:, COLS:]


def _tc_pre_body(x_ref, g_ref, b_ref, w_ref, wb_ref, out_ref, h2_ref):
    x = x_ref[...]
    mu = jnp.mean(x, axis=0, keepdims=True)
    xc = x - mu
    var = jnp.mean(xc * xc, axis=0, keepdims=True)
    xn = xc * lax.rsqrt(var + EPS) * g_ref[...] + b_ref[...]
    h = jnp.dot(xn, w_ref[...], preferred_element_type=jnp.float32) + wb_ref[...]
    h = jnp.maximum(h, 0.0)
    out_ref[...] = h
    _split_halves(h2_ref, h)


def _tc_block_body(h_ref, p_ref, w1_ref, b1_ref, w2_ref, b2_ref, g_ref, be_ref,
                   out_ref, h2_ref):
    h = h_ref[...]
    agg = jnp.concatenate([p_ref[0, :N, :], p_ref[1, :N, :]], axis=1)
    z = h + agg
    z = jnp.maximum(jnp.dot(z, w1_ref[...], preferred_element_type=jnp.float32)
                    + b1_ref[...], 0.0)
    z = jnp.dot(z, w2_ref[...], preferred_element_type=jnp.float32) + b2_ref[...]
    mu = jnp.mean(z, axis=0, keepdims=True)
    zc = z - mu
    var = jnp.mean(zc * zc, axis=0, keepdims=True)
    z = zc * lax.rsqrt(var + EPS) * g_ref[...] + be_ref[...]
    hn = jnp.maximum(z, 0.0) + h
    out_ref[...] = hn
    _split_halves(h2_ref, hn)


def _tc_post_body(h_ref, w_ref, b_ref, emb_ref, log_ref):
    pooled = jnp.mean(h_ref[...], axis=0, keepdims=True)
    pooled8 = jnp.broadcast_to(pooled, (8, H))
    emb_ref[...] = pooled8
    log_ref[...] = (jnp.dot(pooled8, w_ref[...],
                            preferred_element_type=jnp.float32) + b_ref[...])


_H_SHAPES = (jax.ShapeDtypeStruct((N, H), jnp.float32),
             jax.ShapeDtypeStruct((NC, ACC_R, COLS), jnp.float32))


def kernel(x, edge_index, fn_gamma, fn_beta, proj_w, proj_b, blk_w1, blk_b1,
           blk_w2, blk_b2, blk_gamma, blk_beta, pred_w, pred_b):
    f32 = jnp.float32
    src = edge_index[0]
    dst = edge_index[1]
    pad = E_PAD - E
    src_p = jnp.concatenate([src, jnp.zeros((pad,), jnp.int32)])
    dst_p = jnp.concatenate([dst, jnp.full((pad,), N, jnp.int32)])
    src_p = src_p.reshape(TOT_CHUNKS, CHUNK)
    dst_p = dst_p.reshape(TOT_CHUNKS, CHUNK)

    h, h2 = pl.pallas_call(
        _tc_pre_body,
        out_shape=_H_SHAPES,
    )(x, fn_gamma.reshape(1, D), fn_beta.reshape(1, D), proj_w,
      proj_b.reshape(1, H))

    for i in range(NUM_BLOCKS):
        parts = _sc_agg_kernel()(h2, src_p, dst_p)
        h, h2 = pl.pallas_call(
            _tc_block_body,
            out_shape=_H_SHAPES,
        )(h, parts, blk_w1[i], blk_b1[i].reshape(1, H), blk_w2[i],
          blk_b2[i].reshape(1, H), blk_gamma[i].reshape(1, H),
          blk_beta[i].reshape(1, H))

    emb8, log8 = pl.pallas_call(
        _tc_post_body,
        out_shape=(jax.ShapeDtypeStruct((8, H), f32),
                   jax.ShapeDtypeStruct((8, OUT), f32)),
    )(h, pred_w, pred_b.reshape(1, OUT))
    return emb8[:1], log8[:1]

# --- scband reference (transcript-rebuilt; emitter-appended) ---
"""Pipeline reference for scband-gcn-63780264345860 (READ-ONLY COPY).

The authoritative reference and input builder live on the scoring server;
editing this copy changes nothing except your own understanding.
"""

import jax, jax.numpy as jnp
import numpy as np

N, E, D, H, OUT = 10000, 320000, 128, 128, 128
NUM_BLOCKS = 3

def _batchnorm(x, gamma, beta, eps=1e-5):
    mu = jnp.mean(x, axis=0)
    var = jnp.var(x, axis=0)
    return (x - mu) / jnp.sqrt(var + eps) * gamma + beta

def setup_inputs(seed: int = 0):
    key = jax.random.key(seed)
    ks = jax.random.split(key, 20)
    inp = {}
    inp['x'] = jax.random.normal(ks[0], (N, D), dtype=jnp.float32)
    inp['edge_index'] = jax.random.randint(ks[1], (2, E), 0, N, dtype=jnp.int32)
    # feature norm (BatchNorm1d affine params)
    inp['fn_gamma'] = jnp.ones((D,), dtype=jnp.float32)
    inp['fn_beta'] = jnp.zeros((D,), dtype=jnp.float32)
    # projection Linear(in_features -> hidden_dim)
    inp['proj_w'] = jax.random.normal(ks[2], (D, H), dtype=jnp.float32) * (1.0 / np.sqrt(D))
    inp['proj_b'] = jnp.zeros((H,), dtype=jnp.float32)
    # GIN MLP per block: Linear(H,H) -> relu -> Linear(H,H); stacked over NUM_BLOCKS
    inp['blk_w1'] = jax.random.normal(ks[3], (NUM_BLOCKS, H, H), dtype=jnp.float32) * (1.0 / np.sqrt(H))
    inp['blk_b1'] = jnp.zeros((NUM_BLOCKS, H), dtype=jnp.float32)
    inp['blk_w2'] = jax.random.normal(ks[4], (NUM_BLOCKS, H, H), dtype=jnp.float32) * (1.0 / np.sqrt(H))
    inp['blk_b2'] = jnp.zeros((NUM_BLOCKS, H), dtype=jnp.float32)
    # per-block BatchNorm affine params
    inp['blk_gamma'] = jnp.ones((NUM_BLOCKS, H), dtype=jnp.float32)
    inp['blk_beta'] = jnp.zeros((NUM_BLOCKS, H), dtype=jnp.float32)
    # notes predictor Linear(H -> notes_dim)
    inp['pred_w'] = jax.random.normal(ks[5], (H, OUT), dtype=jnp.float32) * (1.0 / np.sqrt(H))
    inp['pred_b'] = jnp.zeros((OUT,), dtype=jnp.float32)
    return inp

def reference(x, edge_index, fn_gamma, fn_beta, proj_w, proj_b, blk_w1, blk_b1, blk_w2, blk_b2, blk_gamma, blk_beta, pred_w, pred_b):
    # feature norm (training-mode batch stats)
    h = _batchnorm(x, fn_gamma, fn_beta)
    # project node feats: Linear + ReLU (dropout=0)
    h = jax.nn.relu(h @ proj_w + proj_b)
    residual = h
    src = edge_index[0]
    dst = edge_index[1]
    for i in range(NUM_BLOCKS):
        # GINConv: MLP((1+eps)*x + sum_{j in N(i)} x_j), eps=0
        agg = jnp.zeros_like(h).at[dst].add(h[src])
        z = h + agg
        z = jax.nn.relu(z @ blk_w1[i] + blk_b1[i]) @ blk_w2[i] + blk_b2[i]
        z = _batchnorm(z, blk_gamma[i], blk_beta[i])
        z = jax.nn.relu(z)
        h = z + residual  # do_residual=True, dropout=0
        residual = h
    # readout: global mean pooling over the single graph (BlendAggregator surrogate)
    pooled = jnp.mean(h, axis=0, keepdims=True)
    embed = pooled
    logits = pooled @ pred_w + pred_b
    return (embed, logits)

if __name__ == "__main__":
    import jax
    _d = setup_inputs()
    print(jax.jit(kernel)(*tuple(_d.values())))

</pallas_src>

<mosaic_0001>
#map = affine_map<(d0, d1) -> (0, 0, 0)>
#map1 = affine_map<(d0, d1) -> (0, 0)>
module attributes {stable_mosaic.version = 14 : i64} {
  func.func @_agg_body(%arg0: i32, %arg1: i32, %arg2: memref<2x10112x64xf32, #tpu.memory_space<hbm>>, %arg3: memref<2560x128xi32, #tpu.memory_space<hbm>>, %arg4: memref<2560x128xi32, #tpu.memory_space<hbm>>, %arg5: memref<2x10112x64xf32, #tpu.memory_space<hbm>>, %arg6: memref<10112x64xf32, #tpu.memory_space<vmem_shared>>, %arg7: memref<10112x64xf32, #tpu.memory_space<vmem_shared>>, %arg8: memref<80x128xi32, #tpu.memory_space<vmem>>, %arg9: memref<80x128xi32, #tpu.memory_space<vmem>>, %arg10: memref<128x64xf32, #tpu.memory_space<vmem>>, %arg11: memref<128x64xf32, #tpu.memory_space<vmem>>, %arg12: memref<!tpu.dma_semaphore, #tpu.memory_space<semaphore_mem>>, %arg13: memref<!tpu.dma_semaphore, #tpu.memory_space<semaphore_mem>>) attributes {dimension_semantics = [#tpu.dimension_semantics<core_parallel>, #tpu.dimension_semantics<subcore_parallel>], iteration_bounds = array<i64: 2, 16>, scalar_prefetch = 0 : i64, scratch_operands = 8 : i64, tpu.core_type = #tpu.core_type<sc_vector_subcore>, window_params = [{transform_indices = #map}, {transform_indices = #map1}, {transform_indices = #map1}, {transform_indices = #map}]} {
    %mul3A = arith.constant 632 : i32
    %mul3A_0 = arith.muli %arg1, %mul3A : i32
    %mul3A_1 = arith.constant 632 : i32
    %mul3A_2 = arith.muli %arg1, %mul3A_1 : i32
    "tpu.region"() ({
      %run_scoped3A_110 = tpu.sem_alloc : memref<!tpu.dma_semaphore, #tpu.memory_space<semaphore_mem>>
      %dma_start3A_111 = arith.constant 0 : i32
      %dma_start3A_112 = tpu.memref_slice %arg6[%mul3A_2, %dma_start3A_111] : memref<10112x64xf32, #tpu.memory_space<vmem_shared>> -> memref<632x64xf32, #tpu.memory_space<vmem_shared>>
      %dma_start3A_113 = arith.constant 0 : i32
      %dma_start3A_114 = tpu.memref_slice %arg2[%arg0, %mul3A_0, %dma_start3A_113] : memref<2x10112x64xf32, #tpu.memory_space<hbm>> -> memref<1x632x64xf32, #tpu.memory_space<hbm>>
      %dma_start3A_115 = tpu.memref_squeeze %dma_start3A_114 : memref<1x632x64xf32, #tpu.memory_space<hbm>> -> memref<632x64xf32, #tpu.memory_space<hbm>>
      tpu.enqueue_dma source(%dma_start3A_115 : memref<632x64xf32, #tpu.memory_space<hbm>>) target(%dma_start3A_112 : memref<632x64xf32, #tpu.memory_space<vmem_shared>>) target_semaphore(%run_scoped3A_110 : memref<!tpu.dma_semaphore, #tpu.memory_space<semaphore_mem>>)
      %dma_wait3A_116 = arith.constant 0 : i32
      %dma_wait3A_117 = tpu.memref_slice %arg6[%mul3A_2, %dma_wait3A_116] : memref<10112x64xf32, #tpu.memory_space<vmem_shared>> -> memref<632x64xf32, #tpu.memory_space<vmem_shared>>
      %dma_wait3A_118 = arith.constant 0 : i32
      %dma_wait3A_119 = tpu.memref_slice %arg2[%arg0, %mul3A_0, %dma_wait3A_118] : memref<2x10112x64xf32, #tpu.memory_space<hbm>> -> memref<1x632x64xf32, #tpu.memory_space<hbm>>
      %dma_wait3A_120 = tpu.memref_squeeze %dma_wait3A_119 : memref<1x632x64xf32, #tpu.memory_space<hbm>> -> memref<632x64xf32, #tpu.memory_space<hbm>>
      tpu.wait_dma2 semaphore(%run_scoped3A_110 : memref<!tpu.dma_semaphore, #tpu.memory_space<semaphore_mem>>) src(%dma_wait3A_120 : memref<632x64xf32, #tpu.memory_space<hbm>>) dst(%dma_wait3A_117 : memref<632x64xf32, #tpu.memory_space<vmem_shared>>)
      tpu.yield
    }) : () -> ()
    %broadcast_in_dim3A = arith.constant 0.000000e+00 : f32
    %broadcast_in_dim3A_3 = vector.broadcast %broadcast_in_dim3A : f32 to vector<16xf32>
    %scan3A = arith.constant 0 : i32
    %scan3A_4 = arith.constant 0 : i32
    %scan3A_5 = arith.constant 128 : i32
    %scan3A_6 = arith.addi %scan3A_4, %scan3A_5 : i32
    %scan3A_7 = arith.constant 1 : i32
    scf.for %scan3A_110 = %scan3A_4 to %scan3A_6 step %scan3A_7  : i32 {
      %swap3A = arith.index_cast %scan3A_110 : i32 to index
      %swap3A_111 = arith.constant 0 : index
      %swap3A_112 = tpu.vector_load %arg10[%swap3A, %swap3A_111] {strides = array<i32>} : memref<128x64xf32, #tpu.memory_space<vmem>>, vector<1x16xf32>,
      %swap3A_113 = vector.shape_cast %swap3A_112 : vector<1x16xf32> to vector<16xf32>
      %swap3A_114 = vector.shape_cast %broadcast_in_dim3A_3 : vector<16xf32> to vector<1x16xf32>
      tpu.vector_store %arg10[%swap3A, %swap3A_111], %swap3A_114 {strides = array<i32>} : memref<128x64xf32, #tpu.memory_space<vmem>>, vector<1x16xf32>,
      %swap3A_115 = arith.index_cast %scan3A_110 : i32 to index
      %swap3A_116 = arith.constant 16 : index
      %swap3A_117 = tpu.vector_load %arg10[%swap3A_115, %swap3A_116] {strides = array<i32>} : memref<128x64xf32, #tpu.memory_space<vmem>>, vector<1x16xf32>,
      %swap3A_118 = vector.shape_cast %swap3A_117 : vector<1x16xf32> to vector<16xf32>
      %swap3A_119 = vector.shape_cast %broadcast_in_dim3A_3 : vector<16xf32> to vector<1x16xf32>
      tpu.vector_store %arg10[%swap3A_115, %swap3A_116], %swap3A_119 {strides = array<i32>} : memref<128x64xf32, #tpu.memory_space<vmem>>, vector<1x16xf32>,
      %swap3A_120 = arith.index_cast %scan3A_110 : i32 to index
      %swap3A_121 = arith.constant 32 : index
      %swap3A_122 = tpu.vector_load %arg10[%swap3A_120, %swap3A_121] {strides = array<i32>} : memref<128x64xf32, #tpu.memory_space<vmem>>, vector<1x16xf32>,
      %swap3A_123 = vector.shape_cast %swap3A_122 : vector<1x16xf32> to vector<16xf32>
      %swap3A_124 = vector.shape_cast %broadcast_in_dim3A_3 : vector<16xf32> to vector<1x16xf32>
      tpu.vector_store %arg10[%swap3A_120, %swap3A_121], %swap3A_124 {strides = array<i32>} : memref<128x64xf32, #tpu.memory_space<vmem>>, vector<1x16xf32>,
      %swap3A_125 = arith.index_cast %scan3A_110 : i32 to index
      %swap3A_126 = arith.constant 48 : index
      %swap3A_127 = tpu.vector_load %arg10[%swap3A_125, %swap3A_126] {strides = array<i32>} : memref<128x64xf32, #tpu.memory_space<vmem>>, vector<1x16xf32>,
      %swap3A_128 = vector.shape_cast %swap3A_127 : vector<1x16xf32> to vector<16xf32>
      %swap3A_129 = vector.shape_cast %broadcast_in_dim3A_3 : vector<16xf32> to vector<1x16xf32>
      tpu.vector_store %arg10[%swap3A_125, %swap3A_126], %swap3A_129 {strides = array<i32>} : memref<128x64xf32, #tpu.memory_space<vmem>>, vector<1x16xf32>,
    }
    %scan3A_8 = arith.constant 128 : i32
    %mul3A_9 = arith.constant 632 : i32
    %mul3A_10 = arith.muli %arg1, %mul3A_9 : i32
    %add3A = arith.constant 0 : i32
    %add3A_11 = arith.addi %mul3A_10, %add3A : i32
    "tpu.region"() ({
      %run_scoped3A_110 = tpu.sem_alloc : memref<!tpu.dma_semaphore, #tpu.memory_space<semaphore_mem>>
      %dma_start3A_111 = arith.constant 0 : i32
      %dma_start3A_112 = tpu.memref_slice %arg7[%add3A_11, %dma_start3A_111] : memref<10112x64xf32, #tpu.memory_space<vmem_shared>> -> memref<128x64xf32, #tpu.memory_space<vmem_shared>>
      %dma_start3A_113 = arith.constant 0 : i32
      %dma_start3A_114 = tpu.memref_slice %arg7[%add3A_11, %dma_start3A_113] : memref<10112x64xf32, #tpu.memory_space<vmem_shared>> -> memref<128x64xf32, #tpu.memory_space<vmem_shared>>
      tpu.enqueue_dma source(%arg10 : memref<128x64xf32, #tpu.memory_space<vmem>>) target(%dma_start3A_114 : memref<128x64xf32, #tpu.memory_space<vmem_shared>>) target_semaphore(%run_scoped3A_110 : memref<!tpu.dma_semaphore, #tpu.memory_space<semaphore_mem>>)
      %dma_wait3A_115 = arith.constant 0 : i32
      %dma_wait3A_116 = tpu.memref_slice %arg7[%add3A_11, %dma_wait3A_115] : memref<10112x64xf32, #tpu.memory_space<vmem_shared>> -> memref<128x64xf32, #tpu.memory_space<vmem_shared>>
      %dma_wait3A_117 = arith.constant 0 : i32
      %dma_wait3A_118 = tpu.memref_slice %arg7[%add3A_11, %dma_wait3A_117] : memref<10112x64xf32, #tpu.memory_space<vmem_shared>> -> memref<128x64xf32, #tpu.memory_space<vmem_shared>>
      tpu.wait_dma2 semaphore(%run_scoped3A_110 : memref<!tpu.dma_semaphore, #tpu.memory_space<semaphore_mem>>) src(%arg10 : memref<128x64xf32, #tpu.memory_space<vmem>>) dst(%dma_wait3A_118 : memref<128x64xf32, #tpu.memory_space<vmem_shared>>)
      tpu.yield
    }) : () -> ()
    %mul3A_12 = arith.constant 632 : i32
    %mul3A_13 = arith.muli %arg1, %mul3A_12 : i32
    %add3A_14 = arith.constant 128 : i32
    %add3A_15 = arith.addi %mul3A_13, %add3A_14 : i32
    "tpu.region"() ({
      %run_scoped3A_110 = tpu.sem_alloc : memref<!tpu.dma_semaphore, #tpu.memory_space<semaphore_mem>>
      %dma_start3A_111 = arith.constant 0 : i32
      %dma_start3A_112 = tpu.memref_slice %arg7[%add3A_15, %dma_start3A_111] : memref<10112x64xf32, #tpu.memory_space<vmem_shared>> -> memref<128x64xf32, #tpu.memory_space<vmem_shared>>
      %dma_start3A_113 = arith.constant 0 : i32
      %dma_start3A_114 = tpu.memref_slice %arg7[%add3A_15, %dma_start3A_113] : memref<10112x64xf32, #tpu.memory_space<vmem_shared>> -> memref<128x64xf32, #tpu.memory_space<vmem_shared>>
      tpu.enqueue_dma source(%arg10 : memref<128x64xf32, #tpu.memory_space<vmem>>) target(%dma_start3A_114 : memref<128x64xf32, #tpu.memory_space<vmem_shared>>) target_semaphore(%run_scoped3A_110 : memref<!tpu.dma_semaphore, #tpu.memory_space<semaphore_mem>>)
      %dma_wait3A_115 = arith.constant 0 : i32
      %dma_wait3A_116 = tpu.memref_slice %arg7[%add3A_15, %dma_wait3A_115] : memref<10112x64xf32, #tpu.memory_space<vmem_shared>> -> memref<128x64xf32, #tpu.memory_space<vmem_shared>>
      %dma_wait3A_117 = arith.constant 0 : i32
      %dma_wait3A_118 = tpu.memref_slice %arg7[%add3A_15, %dma_wait3A_117] : memref<10112x64xf32, #tpu.memory_space<vmem_shared>> -> memref<128x64xf32, #tpu.memory_space<vmem_shared>>
      tpu.wait_dma2 semaphore(%run_scoped3A_110 : memref<!tpu.dma_semaphore, #tpu.memory_space<semaphore_mem>>) src(%arg10 : memref<128x64xf32, #tpu.memory_space<vmem>>) dst(%dma_wait3A_118 : memref<128x64xf32, #tpu.memory_space<vmem_shared>>)
      tpu.yield
    }) : () -> ()
    %mul3A_16 = arith.constant 632 : i32
    %mul3A_17 = arith.muli %arg1, %mul3A_16 : i32
    %add3A_18 = arith.constant 256 : i32
    %add3A_19 = arith.addi %mul3A_17, %add3A_18 : i32
    "tpu.region"() ({
      %run_scoped3A_110 = tpu.sem_alloc : memref<!tpu.dma_semaphore, #tpu.memory_space<semaphore_mem>>
      %dma_start3A_111 = arith.constant 0 : i32
      %dma_start3A_112 = tpu.memref_slice %arg7[%add3A_19, %dma_start3A_111] : memref<10112x64xf32, #tpu.memory_space<vmem_shared>> -> memref<128x64xf32, #tpu.memory_space<vmem_shared>>
      %dma_start3A_113 = arith.constant 0 : i32
      %dma_start3A_114 = tpu.memref_slice %arg7[%add3A_19, %dma_start3A_113] : memref<10112x64xf32, #tpu.memory_space<vmem_shared>> -> memref<128x64xf32, #tpu.memory_space<vmem_shared>>
      tpu.enqueue_dma source(%arg10 : memref<128x64xf32, #tpu.memory_space<vmem>>) target(%dma_start3A_114 : memref<128x64xf32, #tpu.memory_space<vmem_shared>>) target_semaphore(%run_scoped3A_110 : memref<!tpu.dma_semaphore, #tpu.memory_space<semaphore_mem>>)
      %dma_wait3A_115 = arith.constant 0 : i32
      %dma_wait3A_116 = tpu.memref_slice %arg7[%add3A_19, %dma_wait3A_115] : memref<10112x64xf32, #tpu.memory_space<vmem_shared>> -> memref<128x64xf32, #tpu.memory_space<vmem_shared>>
      %dma_wait3A_117 = arith.constant 0 : i32
      %dma_wait3A_118 = tpu.memref_slice %arg7[%add3A_19, %dma_wait3A_117] : memref<10112x64xf32, #tpu.memory_space<vmem_shared>> -> memref<128x64xf32, #tpu.memory_space<vmem_shared>>
      tpu.wait_dma2 semaphore(%run_scoped3A_110 : memref<!tpu.dma_semaphore, #tpu.memory_space<semaphore_mem>>) src(%arg10 : memref<128x64xf32, #tpu.memory_space<vmem>>) dst(%dma_wait3A_118 : memref<128x64xf32, #tpu.memory_space<vmem_shared>>)
      tpu.yield
    }) : () -> ()
    %mul3A_20 = arith.constant 632 : i32
    %mul3A_21 = arith.muli %arg1, %mul3A_20 : i32
    %add3A_22 = arith.constant 384 : i32
    %add3A_23 = arith.addi %mul3A_21, %add3A_22 : i32
    "tpu.region"() ({
      %run_scoped3A_110 = tpu.sem_alloc : memref<!tpu.dma_semaphore, #tpu.memory_space<semaphore_mem>>
      %dma_start3A_111 = arith.constant 0 : i32
      %dma_start3A_112 = tpu.memref_slice %arg7[%add3A_23, %dma_start3A_111] : memref<10112x64xf32, #tpu.memory_space<vmem_shared>> -> memref<128x64xf32, #tpu.memory_space<vmem_shared>>
      %dma_start3A_113 = arith.constant 0 : i32
      %dma_start3A_114 = tpu.memref_slice %arg7[%add3A_23, %dma_start3A_113] : memref<10112x64xf32, #tpu.memory_space<vmem_shared>> -> memref<128x64xf32, #tpu.memory_space<vmem_shared>>
      tpu.enqueue_dma source(%arg10 : memref<128x64xf32, #tpu.memory_space<vmem>>) target(%dma_start3A_114 : memref<128x64xf32, #tpu.memory_space<vmem_shared>>) target_semaphore(%run_scoped3A_110 : memref<!tpu.dma_semaphore, #tpu.memory_space<semaphore_mem>>)
      %dma_wait3A_115 = arith.constant 0 : i32
      %dma_wait3A_116 = tpu.memref_slice %arg7[%add3A_23, %dma_wait3A_115] : memref<10112x64xf32, #tpu.memory_space<vmem_shared>> -> memref<128x64xf32, #tpu.memory_space<vmem_shared>>
      %dma_wait3A_117 = arith.constant 0 : i32
      %dma_wait3A_118 = tpu.memref_slice %arg7[%add3A_23, %dma_wait3A_117] : memref<10112x64xf32, #tpu.memory_space<vmem_shared>> -> memref<128x64xf32, #tpu.memory_space<vmem_shared>>
      tpu.wait_dma2 semaphore(%run_scoped3A_110 : memref<!tpu.dma_semaphore, #tpu.memory_space<semaphore_mem>>) src(%arg10 : memref<128x64xf32, #tpu.memory_space<vmem>>) dst(%dma_wait3A_118 : memref<128x64xf32, #tpu.memory_space<vmem_shared>>)
      tpu.yield
    }) : () -> ()
    %mul3A_24 = arith.constant 632 : i32
    %mul3A_25 = arith.muli %arg1, %mul3A_24 : i32
    %add3A_26 = arith.constant 512 : i32
    %add3A_27 = arith.addi %mul3A_25, %add3A_26 : i32
    "tpu.region"() ({
      %run_scoped3A_110 = tpu.sem_alloc : memref<!tpu.dma_semaphore, #tpu.memory_space<semaphore_mem>>
      %dma_start3A_111 = arith.constant 0 : i32
      %dma_start3A_112 = arith.constant 0 : i32
      %dma_start3A_113 = tpu.memref_slice %arg10[%dma_start3A_111, %dma_start3A_112] : memref<128x64xf32, #tpu.memory_space<vmem>> -> memref<120x64xf32, #tpu.memory_space<vmem>>
      %dma_start3A_114 = arith.constant 0 : i32
      %dma_start3A_115 = tpu.memref_slice %arg7[%add3A_27, %dma_start3A_114] : memref<10112x64xf32, #tpu.memory_space<vmem_shared>> -> memref<120x64xf32, #tpu.memory_space<vmem_shared>>
      %dma_start3A_116 = arith.constant 0 : i32
      %dma_start3A_117 = tpu.memref_slice %arg7[%add3A_27, %dma_start3A_116] : memref<10112x64xf32, #tpu.memory_space<vmem_shared>> -> memref<120x64xf32, #tpu.memory_space<vmem_shared>>
      %dma_start3A_118 = arith.constant 0 : i32
      %dma_start3A_119 = arith.constant 0 : i32
      %dma_start3A_120 = tpu.memref_slice %arg10[%dma_start3A_118, %dma_start3A_119] : memref<128x64xf32, #tpu.memory_space<vmem>> -> memref<120x64xf32, #tpu.memory_space<vmem>>
      tpu.enqueue_dma source(%dma_start3A_120 : memref<120x64xf32, #tpu.memory_space<vmem>>) target(%dma_start3A_117 : memref<120x64xf32, #tpu.memory_space<vmem_shared>>) target_semaphore(%run_scoped3A_110 : memref<!tpu.dma_semaphore, #tpu.memory_space<semaphore_mem>>)
      %dma_wait3A_121 = arith.constant 0 : i32
      %dma_wait3A_122 = arith.constant 0 : i32
      %dma_wait3A_123 = tpu.memref_slice %arg10[%dma_wait3A_121, %dma_wait3A_122] : memref<128x64xf32, #tpu.memory_space<vmem>> -> memref<120x64xf32, #tpu.memory_space<vmem>>
      %dma_wait3A_124 = arith.constant 0 : i32
      %dma_wait3A_125 = tpu.memref_slice %arg7[%add3A_27, %dma_wait3A_124] : memref<10112x64xf32, #tpu.memory_space<vmem_shared>> -> memref<120x64xf32, #tpu.memory_space<vmem_shared>>
      %dma_wait3A_126 = arith.constant 0 : i32
      %dma_wait3A_127 = tpu.memref_slice %arg7[%add3A_27, %dma_wait3A_126] : memref<10112x64xf32, #tpu.memory_space<vmem_shared>> -> memref<120x64xf32, #tpu.memory_space<vmem_shared>>
      %dma_wait3A_128 = arith.constant 0 : i32
      %dma_wait3A_129 = arith.constant 0 : i32
      %dma_wait3A_130 = tpu.memref_slice %arg10[%dma_wait3A_128, %dma_wait3A_129] : memref<128x64xf32, #tpu.memory_space<vmem>> -> memref<120x64xf32, #tpu.memory_space<vmem>>
      tpu.wait_dma2 semaphore(%run_scoped3A_110 : memref<!tpu.dma_semaphore, #tpu.memory_space<semaphore_mem>>) src(%dma_wait3A_130 : memref<120x64xf32, #tpu.memory_space<vmem>>) dst(%dma_wait3A_127 : memref<120x64xf32, #tpu.memory_space<vmem_shared>>)
      tpu.yield
    }) : () -> ()
    %barrier3A = arith.constant 0 : index
    tpu.barrier barrier_id(%barrier3A)
    %mul3A_28 = arith.constant 160 : i32
    %mul3A_29 = arith.muli %arg1, %mul3A_28 : i32
    %add3A_30 = arith.constant 0 : i32
    %add3A_31 = arith.addi %mul3A_29, %add3A_30 : i32
    "tpu.region"() ({
      %run_scoped3A_110 = tpu.sem_alloc : memref<!tpu.dma_semaphore, #tpu.memory_space<semaphore_mem>>
      %dma_start3A_111 = arith.constant 0 : i32
      %dma_start3A_112 = tpu.memref_slice %arg3[%add3A_31, %dma_start3A_111] : memref<2560x128xi32, #tpu.memory_space<hbm>> -> memref<80x128xi32, #tpu.memory_space<hbm>>
      %dma_start3A_113 = arith.constant 0 : i32
      %dma_start3A_114 = tpu.memref_slice %arg3[%add3A_31, %dma_start3A_113] : memref<2560x128xi32, #tpu.memory_space<hbm>> -> memref<80x128xi32, #tpu.memory_space<hbm>>
      tpu.enqueue_dma source(%dma_start3A_114 : memref<80x128xi32, #tpu.memory_space<hbm>>) target(%arg8 : memref<80x128xi32, #tpu.memory_space<vmem>>) target_semaphore(%run_scoped3A_110 : memref<!tpu.dma_semaphore, #tpu.memory_space<semaphore_mem>>)
      %dma_wait3A_115 = arith.constant 0 : i32
      %dma_wait3A_116 = tpu.memref_slice %arg3[%add3A_31, %dma_wait3A_115] : memref<2560x128xi32, #tpu.memory_space<hbm>> -> memref<80x128xi32, #tpu.memory_space<hbm>>
      %dma_wait3A_117 = arith.constant 0 : i32
      %dma_wait3A_118 = tpu.memref_slice %arg3[%add3A_31, %dma_wait3A_117] : memref<2560x128xi32, #tpu.memory_space<hbm>> -> memref<80x128xi32, #tpu.memory_space<hbm>>
      tpu.wait_dma2 semaphore(%run_scoped3A_110 : memref<!tpu.dma_semaphore, #tpu.memory_space<semaphore_mem>>) src(%dma_wait3A_118 : memref<80x128xi32, #tpu.memory_space<hbm>>) dst(%arg8 : memref<80x128xi32, #tpu.memory_space<vmem>>)
      tpu.yield
    }) : () -> ()
    "tpu.region"() ({
      %run_scoped3A_110 = tpu.sem_alloc : memref<!tpu.dma_semaphore, #tpu.memory_space<semaphore_mem>>
      %dma_start3A_111 = arith.constant 0 : i32
      %dma_start3A_112 = tpu.memref_slice %arg4[%add3A_31, %dma_start3A_111] : memref<2560x128xi32, #tpu.memory_space<hbm>> -> memref<80x128xi32, #tpu.memory_space<hbm>>
      %dma_start3A_113 = arith.constant 0 : i32
      %dma_start3A_114 = tpu.memref_slice %arg4[%add3A_31, %dma_start3A_113] : memref<2560x128xi32, #tpu.memory_space<hbm>> -> memref<80x128xi32, #tpu.memory_space<hbm>>
      tpu.enqueue_dma source(%dma_start3A_114 : memref<80x128xi32, #tpu.memory_space<hbm>>) target(%arg9 : memref<80x128xi32, #tpu.memory_space<vmem>>) target_semaphore(%run_scoped3A_110 : memref<!tpu.dma_semaphore, #tpu.memory_space<semaphore_mem>>)
      %dma_wait3A_115 = arith.constant 0 : i32
      %dma_wait3A_116 = tpu.memref_slice %arg4[%add3A_31, %dma_wait3A_115] : memref<2560x128xi32, #tpu.memory_space<hbm>> -> memref<80x128xi32, #tpu.memory_space<hbm>>
      %dma_wait3A_117 = arith.constant 0 : i32
      %dma_wait3A_118 = tpu.memref_slice %arg4[%add3A_31, %dma_wait3A_117] : memref<2560x128xi32, #tpu.memory_space<hbm>> -> memref<80x128xi32, #tpu.memory_space<hbm>>
      tpu.wait_dma2 semaphore(%run_scoped3A_110 : memref<!tpu.dma_semaphore, #tpu.memory_space<semaphore_mem>>) src(%dma_wait3A_118 : memref<80x128xi32, #tpu.memory_space<hbm>>) dst(%arg9 : memref<80x128xi32, #tpu.memory_space<vmem>>)
      tpu.yield
    }) : () -> ()
    %dma_start3A = arith.constant 0 : i32
    %dma_start3A_32 = arith.constant 0 : i32
    %dma_start3A_33 = tpu.memref_slice %arg8[%dma_start3A, %dma_start3A_32] : memref<80x128xi32, #tpu.memory_space<vmem>> -> memref<1x128xi32, #tpu.memory_space<vmem>>
    %dma_start3A_34 = tpu.memref_squeeze %dma_start3A_33 : memref<1x128xi32, #tpu.memory_space<vmem>> -> memref<128xi32, #tpu.memory_space<vmem>>
    %dma_start3A_35 = arith.constant 0 : i32
    %dma_start3A_36 = arith.constant 0 : i32
    %dma_start3A_37 = tpu.memref_slice %arg6[%dma_start3A_35, %dma_start3A_36] : memref<10112x64xf32, #tpu.memory_space<vmem_shared>> -> memref<10112x64xf32, #tpu.memory_space<vmem_shared>>
    tpu.enqueue_indirect_dma source(%dma_start3A_37 : memref<10112x64xf32, #tpu.memory_space<vmem_shared>>) target(%arg10 : memref<128x64xf32, #tpu.memory_space<vmem>>) offsets(%dma_start3A_34 : memref<128xi32, #tpu.memory_space<vmem>>) semaphore(%arg12 : memref<!tpu.dma_semaphore, #tpu.memory_space<semaphore_mem>>)
    %dma_start3A_38 = arith.constant 1 : i32
    %dma_start3A_39 = arith.constant 0 : i32
    %dma_start3A_40 = tpu.memref_slice %arg8[%dma_start3A_38, %dma_start3A_39] : memref<80x128xi32, #tpu.memory_space<vmem>> -> memref<1x128xi32, #tpu.memory_space<vmem>>
    %dma_start3A_41 = tpu.memref_squeeze %dma_start3A_40 : memref<1x128xi32, #tpu.memory_space<vmem>> -> memref<128xi32, #tpu.memory_space<vmem>>
    %dma_start3A_42 = arith.constant 0 : i32
    %dma_start3A_43 = arith.constant 0 : i32
    %dma_start3A_44 = tpu.memref_slice %arg6[%dma_start3A_42, %dma_start3A_43] : memref<10112x64xf32, #tpu.memory_space<vmem_shared>> -> memref<10112x64xf32, #tpu.memory_space<vmem_shared>>
    tpu.enqueue_indirect_dma source(%dma_start3A_44 : memref<10112x64xf32, #tpu.memory_space<vmem_shared>>) target(%arg11 : memref<128x64xf32, #tpu.memory_space<vmem>>) offsets(%dma_start3A_41 : memref<128xi32, #tpu.memory_space<vmem>>) semaphore(%arg13 : memref<!tpu.dma_semaphore, #tpu.memory_space<semaphore_mem>>)
    %scan3A_45 = arith.constant 0 : i32
    %scan3A_46 = arith.constant 0 : i32
    %scan3A_47 = arith.constant 39 : i32
    %scan3A_48 = arith.addi %scan3A_46, %scan3A_47 : i32
    %scan3A_49 = arith.constant 1 : i32
    scf.for %scan3A_110 = %scan3A_46 to %scan3A_48 step %scan3A_49  : i32 {
      %mul3A_111 = arith.constant 2 : i32
      %mul3A_112 = arith.muli %mul3A_111, %scan3A_110 : i32
      %dma_wait3A_113 = arith.constant 0 : i32
      %dma_wait3A_114 = tpu.memref_slice %arg8[%mul3A_112, %dma_wait3A_113] : memref<80x128xi32, #tpu.memory_space<vmem>> -> memref<1x128xi32, #tpu.memory_space<vmem>>
      %dma_wait3A_115 = tpu.memref_squeeze %dma_wait3A_114 : memref<1x128xi32, #tpu.memory_space<vmem>> -> memref<128xi32, #tpu.memory_space<vmem>>
      %dma_wait3A_116 = arith.constant 0 : i32
      %dma_wait3A_117 = arith.constant 0 : i32
      %dma_wait3A_118 = tpu.memref_slice %arg6[%dma_wait3A_116, %dma_wait3A_117] : memref<10112x64xf32, #tpu.memory_space<vmem_shared>> -> memref<10112x64xf32, #tpu.memory_space<vmem_shared>>
      tpu.wait_indirect_dma semaphore(%arg12 : memref<!tpu.dma_semaphore, #tpu.memory_space<semaphore_mem>>) src(%dma_wait3A_118 : memref<10112x64xf32, #tpu.memory_space<vmem_shared>>) dst(%arg10 : memref<128x64xf32, #tpu.memory_space<vmem>>)
      "tpu.region"() ({
        %run_scoped3A_145 = tpu.sem_alloc : memref<!tpu.dma_semaphore, #tpu.memory_space<semaphore_mem>>
        %dma_start3A_146 = arith.constant 0 : i32
        %dma_start3A_147 = tpu.memref_slice %arg9[%mul3A_112, %dma_start3A_146] : memref<80x128xi32, #tpu.memory_space<vmem>> -> memref<1x128xi32, #tpu.memory_space<vmem>>
        %dma_start3A_148 = tpu.memref_squeeze %dma_start3A_147 : memref<1x128xi32, #tpu.memory_space<vmem>> -> memref<128xi32, #tpu.memory_space<vmem>>
        %dma_start3A_149 = arith.constant 0 : i32
        %dma_start3A_150 = arith.constant 0 : i32
        %dma_start3A_151 = tpu.memref_slice %arg7[%dma_start3A_149, %dma_start3A_150] : memref<10112x64xf32, #tpu.memory_space<vmem_shared>> -> memref<10112x64xf32, #tpu.memory_space<vmem_shared>>
        tpu.enqueue_indirect_dma source(%arg10 : memref<128x64xf32, #tpu.memory_space<vmem>>) target(%dma_start3A_151 : memref<10112x64xf32, #tpu.memory_space<vmem_shared>>) offsets(%dma_start3A_148 : memref<128xi32, #tpu.memory_space<vmem>>) semaphore(%run_scoped3A_145 : memref<!tpu.dma_semaphore, #tpu.memory_space<semaphore_mem>>) {add = true}
        %dma_wait3A_152 = arith.constant 0 : i32
        %dma_wait3A_153 = tpu.memref_slice %arg9[%mul3A_112, %dma_wait3A_152] : memref<80x128xi32, #tpu.memory_space<vmem>> -> memref<1x128xi32, #tpu.memory_space<vmem>>
        %dma_wait3A_154 = tpu.memref_squeeze %dma_wait3A_153 : memref<1x128xi32, #tpu.memory_space<vmem>> -> memref<128xi32, #tpu.memory_space<vmem>>
        %dma_wait3A_155 = arith.constant 0 : i32
        %dma_wait3A_156 = arith.constant 0 : i32
        %dma_wait3A_157 = tpu.memref_slice %arg7[%dma_wait3A_155, %dma_wait3A_156] : memref<10112x64xf32, #tpu.memory_space<vmem_shared>> -> memref<10112x64xf32, #tpu.memory_space<vmem_shared>>
        tpu.wait_indirect_dma semaphore(%run_scoped3A_145 : memref<!tpu.dma_semaphore, #tpu.memory_space<semaphore_mem>>) src(%arg10 : memref<128x64xf32, #tpu.memory_space<vmem>>) dst(%dma_wait3A_157 : memref<10112x64xf32, #tpu.memory_space<vmem_shared>>)
        tpu.yield
      }) : () -> ()
      %add3A_119 = arith.constant 2 : i32
      %add3A_120 = arith.addi %mul3A_112, %add3A_119 : i32
      %dma_start3A_121 = arith.constant 0 : i32
      %dma_start3A_122 = tpu.memref_slice %arg8[%add3A_120, %dma_start3A_121] : memref<80x128xi32, #tpu.memory_space<vmem>> -> memref<1x128xi32, #tpu.memory_space<vmem>>
      %dma_start3A_123 = tpu.memref_squeeze %dma_start3A_122 : memref<1x128xi32, #tpu.memory_space<vmem>> -> memref<128xi32, #tpu.memory_space<vmem>>
      %dma_start3A_124 = arith.constant 0 : i32
      %dma_start3A_125 = arith.constant 0 : i32
      %dma_start3A_126 = tpu.memref_slice %arg6[%dma_start3A_124, %dma_start3A_125] : memref<10112x64xf32, #tpu.memory_space<vmem_shared>> -> memref<10112x64xf32, #tpu.memory_space<vmem_shared>>
      tpu.enqueue_indirect_dma source(%dma_start3A_126 : memref<10112x64xf32, #tpu.memory_space<vmem_shared>>) target(%arg10 : memref<128x64xf32, #tpu.memory_space<vmem>>) offsets(%dma_start3A_123 : memref<128xi32, #tpu.memory_space<vmem>>) semaphore(%arg12 : memref<!tpu.dma_semaphore, #tpu.memory_space<semaphore_mem>>)
      %add3A_127 = arith.constant 1 : i32
      %add3A_128 = arith.addi %mul3A_112, %add3A_127 : i32
      %dma_wait3A_129 = arith.constant 0 : i32
      %dma_wait3A_130 = tpu.memref_slice %arg8[%add3A_128, %dma_wait3A_129] : memref<80x128xi32, #tpu.memory_space<vmem>> -> memref<1x128xi32, #tpu.memory_space<vmem>>
      %dma_wait3A_131 = tpu.memref_squeeze %dma_wait3A_130 : memref<1x128xi32, #tpu.memory_space<vmem>> -> memref<128xi32, #tpu.memory_space<vmem>>
      %dma_wait3A_132 = arith.constant 0 : i32
      %dma_wait3A_133 = arith.constant 0 : i32
      %dma_wait3A_134 = tpu.memref_slice %arg6[%dma_wait3A_132, %dma_wait3A_133] : memref<10112x64xf32, #tpu.memory_space<vmem_shared>> -> memref<10112x64xf32, #tpu.memory_space<vmem_shared>>
      tpu.wait_indirect_dma semaphore(%arg13 : memref<!tpu.dma_semaphore, #tpu.memory_space<semaphore_mem>>) src(%dma_wait3A_134 : memref<10112x64xf32, #tpu.memory_space<vmem_shared>>) dst(%arg11 : memref<128x64xf32, #tpu.memory_space<vmem>>)
      %add3A_135 = arith.constant 1 : i32
      %add3A_136 = arith.addi %mul3A_112, %add3A_135 : i32
      "tpu.region"() ({
        %run_scoped3A_145 = tpu.sem_alloc : memref<!tpu.dma_semaphore, #tpu.memory_space<semaphore_mem>>
        %dma_start3A_146 = arith.constant 0 : i32
        %dma_start3A_147 = tpu.memref_slice %arg9[%add3A_136, %dma_start3A_146] : memref<80x128xi32, #tpu.memory_space<vmem>> -> memref<1x128xi32, #tpu.memory_space<vmem>>
        %dma_start3A_148 = tpu.memref_squeeze %dma_start3A_147 : memref<1x128xi32, #tpu.memory_space<vmem>> -> memref<128xi32, #tpu.memory_space<vmem>>
        %dma_start3A_149 = arith.constant 0 : i32
        %dma_start3A_150 = arith.constant 0 : i32
        %dma_start3A_151 = tpu.memref_slice %arg7[%dma_start3A_149, %dma_start3A_150] : memref<10112x64xf32, #tpu.memory_space<vmem_shared>> -> memref<10112x64xf32, #tpu.memory_space<vmem_shared>>
        tpu.enqueue_indirect_dma source(%arg11 : memref<128x64xf32, #tpu.memory_space<vmem>>) target(%dma_start3A_151 : memref<10112x64xf32, #tpu.memory_space<vmem_shared>>) offsets(%dma_start3A_148 : memref<128xi32, #tpu.memory_space<vmem>>) semaphore(%run_scoped3A_145 : memref<!tpu.dma_semaphore, #tpu.memory_space<semaphore_mem>>) {add = true}
        %dma_wait3A_152 = arith.constant 0 : i32
        %dma_wait3A_153 = tpu.memref_slice %arg9[%add3A_136, %dma_wait3A_152] : memref<80x128xi32, #tpu.memory_space<vmem>> -> memref<1x128xi32, #tpu.memory_space<vmem>>
        %dma_wait3A_154 = tpu.memref_squeeze %dma_wait3A_153 : memref<1x128xi32, #tpu.memory_space<vmem>> -> memref<128xi32, #tpu.memory_space<vmem>>
        %dma_wait3A_155 = arith.constant 0 : i32
        %dma_wait3A_156 = arith.constant 0 : i32
        %dma_wait3A_157 = tpu.memref_slice %arg7[%dma_wait3A_155, %dma_wait3A_156] : memref<10112x64xf32, #tpu.memory_space<vmem_shared>> -> memref<10112x64xf32, #tpu.memory_space<vmem_shared>>
        tpu.wait_indirect_dma semaphore(%run_scoped3A_145 : memref<!tpu.dma_semaphore, #tpu.memory_space<semaphore_mem>>) src(%arg11 : memref<128x64xf32, #tpu.memory_space<vmem>>) dst(%dma_wait3A_157 : memref<10112x64xf32, #tpu.memory_space<vmem_shared>>)
        tpu.yield
      }) : () -> ()
      %add3A_137 = arith.constant 3 : i32
      %add3A_138 = arith.addi %mul3A_112, %add3A_137 : i32
      %dma_start3A_139 = arith.constant 0 : i32
      %dma_start3A_140 = tpu.memref_slice %arg8[%add3A_138, %dma_start3A_139] : memref<80x128xi32, #tpu.memory_space<vmem>> -> memref<1x128xi32, #tpu.memory_space<vmem>>
      %dma_start3A_141 = tpu.memref_squeeze %dma_start3A_140 : memref<1x128xi32, #tpu.memory_space<vmem>> -> memref<128xi32, #tpu.memory_space<vmem>>
      %dma_start3A_142 = arith.constant 0 : i32
      %dma_start3A_143 = arith.constant 0 : i32
      %dma_start3A_144 = tpu.memref_slice %arg6[%dma_start3A_142, %dma_start3A_143] : memref<10112x64xf32, #tpu.memory_space<vmem_shared>> -> memref<10112x64xf32, #tpu.memory_space<vmem_shared>>
      tpu.enqueue_indirect_dma source(%dma_start3A_144 : memref<10112x64xf32, #tpu.memory_space<vmem_shared>>) target(%arg11 : memref<128x64xf32, #tpu.memory_space<vmem>>) offsets(%dma_start3A_141 : memref<128xi32, #tpu.memory_space<vmem>>) semaphore(%arg13 : memref<!tpu.dma_semaphore, #tpu.memory_space<semaphore_mem>>)
    }
    %scan3A_50 = arith.constant 39 : i32
    %dma_wait3A = arith.constant 78 : i32
    %dma_wait3A_51 = arith.constant 0 : i32
    %dma_wait3A_52 = tpu.memref_slice %arg8[%dma_wait3A, %dma_wait3A_51] : memref<80x128xi32, #tpu.memory_space<vmem>> -> memref<1x128xi32, #tpu.memory_space<vmem>>
    %dma_wait3A_53 = tpu.memref_squeeze %dma_wait3A_52 : memref<1x128xi32, #tpu.memory_space<vmem>> -> memref<128xi32, #tpu.memory_space<vmem>>
    %dma_wait3A_54 = arith.constant 0 : i32
    %dma_wait3A_55 = arith.constant 0 : i32
    %dma_wait3A_56 = tpu.memref_slice %arg6[%dma_wait3A_54, %dma_wait3A_55] : memref<10112x64xf32, #tpu.memory_space<vmem_shared>> -> memref<10112x64xf32, #tpu.memory_space<vmem_shared>>
    tpu.wait_indirect_dma semaphore(%arg12 : memref<!tpu.dma_semaphore, #tpu.memory_space<semaphore_mem>>) src(%dma_wait3A_56 : memref<10112x64xf32, #tpu.memory_space<vmem_shared>>) dst(%arg10 : memref<128x64xf32, #tpu.memory_space<vmem>>)
    %run_scoped3A = arith.constant 78 : i32
    "tpu.region"() ({
      %run_scoped3A_110 = tpu.sem_alloc : memref<!tpu.dma_semaphore, #tpu.memory_space<semaphore_mem>>
      %dma_start3A_111 = arith.constant 0 : i32
      %dma_start3A_112 = tpu.memref_slice %arg9[%run_scoped3A, %dma_start3A_111] : memref<80x128xi32, #tpu.memory_space<vmem>> -> memref<1x128xi32, #tpu.memory_space<vmem>>
      %dma_start3A_113 = tpu.memref_squeeze %dma_start3A_112 : memref<1x128xi32, #tpu.memory_space<vmem>> -> memref<128xi32, #tpu.memory_space<vmem>>
      %dma_start3A_114 = arith.constant 0 : i32
      %dma_start3A_115 = arith.constant 0 : i32
      %dma_start3A_116 = tpu.memref_slice %arg7[%dma_start3A_114, %dma_start3A_115] : memref<10112x64xf32, #tpu.memory_space<vmem_shared>> -> memref<10112x64xf32, #tpu.memory_space<vmem_shared>>
      tpu.enqueue_indirect_dma source(%arg10 : memref<128x64xf32, #tpu.memory_space<vmem>>) target(%dma_start3A_116 : memref<10112x64xf32, #tpu.memory_space<vmem_shared>>) offsets(%dma_start3A_113 : memref<128xi32, #tpu.memory_space<vmem>>) semaphore(%run_scoped3A_110 : memref<!tpu.dma_semaphore, #tpu.memory_space<semaphore_mem>>) {add = true}
      %dma_wait3A_117 = arith.constant 0 : i32
      %dma_wait3A_118 = tpu.memref_slice %arg9[%run_scoped3A, %dma_wait3A_117] : memref<80x128xi32, #tpu.memory_space<vmem>> -> memref<1x128xi32, #tpu.memory_space<vmem>>
      %dma_wait3A_119 = tpu.memref_squeeze %dma_wait3A_118 : memref<1x128xi32, #tpu.memory_space<vmem>> -> memref<128xi32, #tpu.memory_space<vmem>>
      %dma_wait3A_120 = arith.constant 0 : i32
      %dma_wait3A_121 = arith.constant 0 : i32
      %dma_wait3A_122 = tpu.memref_slice %arg7[%dma_wait3A_120, %dma_wait3A_121] : memref<10112x64xf32, #tpu.memory_space<vmem_shared>> -> memref<10112x64xf32, #tpu.memory_space<vmem_shared>>
      tpu.wait_indirect_dma semaphore(%run_scoped3A_110 : memref<!tpu.dma_semaphore, #tpu.memory_space<semaphore_mem>>) src(%arg10 : memref<128x64xf32, #tpu.memory_space<vmem>>) dst(%dma_wait3A_122 : memref<10112x64xf32, #tpu.memory_space<vmem_shared>>)
      tpu.yield
    }) : () -> ()
    %dma_wait3A_57 = arith.constant 79 : i32
    %dma_wait3A_58 = arith.constant 0 : i32
    %dma_wait3A_59 = tpu.memref_slice %arg8[%dma_wait3A_57, %dma_wait3A_58] : memref<80x128xi32, #tpu.memory_space<vmem>> -> memref<1x128xi32, #tpu.memory_space<vmem>>
    %dma_wait3A_60 = tpu.memref_squeeze %dma_wait3A_59 : memref<1x128xi32, #tpu.memory_space<vmem>> -> memref<128xi32, #tpu.memory_space<vmem>>
    %dma_wait3A_61 = arith.constant 0 : i32
    %dma_wait3A_62 = arith.constant 0 : i32
    %dma_wait3A_63 = tpu.memref_slice %arg6[%dma_wait3A_61, %dma_wait3A_62] : memref<10112x64xf32, #tpu.memory_space<vmem_shared>> -> memref<10112x64xf32, #tpu.memory_space<vmem_shared>>
    tpu.wait_indirect_dma semaphore(%arg13 : memref<!tpu.dma_semaphore, #tpu.memory_space<semaphore_mem>>) src(%dma_wait3A_63 : memref<10112x64xf32, #tpu.memory_space<vmem_shared>>) dst(%arg11 : memref<128x64xf32, #tpu.memory_space<vmem>>)
    %run_scoped3A_64 = arith.constant 79 : i32
    "tpu.region"() ({
      %run_scoped3A_110 = tpu.sem_alloc : memref<!tpu.dma_semaphore, #tpu.memory_space<semaphore_mem>>
      %dma_start3A_111 = arith.constant 0 : i32
      %dma_start3A_112 = tpu.memref_slice %arg9[%run_scoped3A_64, %dma_start3A_111] : memref<80x128xi32, #tpu.memory_space<vmem>> -> memref<1x128xi32, #tpu.memory_space<vmem>>
      %dma_start3A_113 = tpu.memref_squeeze %dma_start3A_112 : memref<1x128xi32, #tpu.memory_space<vmem>> -> memref<128xi32, #tpu.memory_space<vmem>>
      %dma_start3A_114 = arith.constant 0 : i32
      %dma_start3A_115 = arith.constant 0 : i32
      %dma_start3A_116 = tpu.memref_slice %arg7[%dma_start3A_114, %dma_start3A_115] : memref<10112x64xf32, #tpu.memory_space<vmem_shared>> -> memref<10112x64xf32, #tpu.memory_space<vmem_shared>>
      tpu.enqueue_indirect_dma source(%arg11 : memref<128x64xf32, #tpu.memory_space<vmem>>) target(%dma_start3A_116 : memref<10112x64xf32, #tpu.memory_space<vmem_shared>>) offsets(%dma_start3A_113 : memref<128xi32, #tpu.memory_space<vmem>>) semaphore(%run_scoped3A_110 : memref<!tpu.dma_semaphore, #tpu.memory_space<semaphore_mem>>) {add = true}
      %dma_wait3A_117 = arith.constant 0 : i32
      %dma_wait3A_118 = tpu.memref_slice %arg9[%run_scoped3A_64, %dma_wait3A_117] : memref<80x128xi32, #tpu.memory_space<vmem>> -> memref<1x128xi32, #tpu.memory_space<vmem>>
      %dma_wait3A_119 = tpu.memref_squeeze %dma_wait3A_118 : memref<1x128xi32, #tpu.memory_space<vmem>> -> memref<128xi32, #tpu.memory_space<vmem>>
      %dma_wait3A_120 = arith.constant 0 : i32
      %dma_wait3A_121 = arith.constant 0 : i32
      %dma_wait3A_122 = tpu.memref_slice %arg7[%dma_wait3A_120, %dma_wait3A_121] : memref<10112x64xf32, #tpu.memory_space<vmem_shared>> -> memref<10112x64xf32, #tpu.memory_space<vmem_shared>>
      tpu.wait_indirect_dma semaphore(%run_scoped3A_110 : memref<!tpu.dma_semaphore, #tpu.memory_space<semaphore_mem>>) src(%arg11 : memref<128x64xf32, #tpu.memory_space<vmem>>) dst(%dma_wait3A_122 : memref<10112x64xf32, #tpu.memory_space<vmem_shared>>)
      tpu.yield
    }) : () -> ()
    %mul3A_65 = arith.constant 160 : i32
    %mul3A_66 = arith.muli %arg1, %mul3A_65 : i32
    %add3A_67 = arith.constant 80 : i32
    %add3A_68 = arith.addi %mul3A_66, %add3A_67 : i32
    "tpu.region"() ({
      %run_scoped3A_110 = tpu.sem_alloc : memref<!tpu.dma_semaphore, #tpu.memory_space<semaphore_mem>>
      %dma_start3A_111 = arith.constant 0 : i32
      %dma_start3A_112 = tpu.memref_slice %arg3[%add3A_68, %dma_start3A_111] : memref<2560x128xi32, #tpu.memory_space<hbm>> -> memref<80x128xi32, #tpu.memory_space<hbm>>
      %dma_start3A_113 = arith.constant 0 : i32
      %dma_start3A_114 = tpu.memref_slice %arg3[%add3A_68, %dma_start3A_113] : memref<2560x128xi32, #tpu.memory_space<hbm>> -> memref<80x128xi32, #tpu.memory_space<hbm>>
      tpu.enqueue_dma source(%dma_start3A_114 : memref<80x128xi32, #tpu.memory_space<hbm>>) target(%arg8 : memref<80x128xi32, #tpu.memory_space<vmem>>) target_semaphore(%run_scoped3A_110 : memref<!tpu.dma_semaphore, #tpu.memory_space<semaphore_mem>>)
      %dma_wait3A_115 = arith.constant 0 : i32
      %dma_wait3A_116 = tpu.memref_slice %arg3[%add3A_68, %dma_wait3A_115] : memref<2560x128xi32, #tpu.memory_space<hbm>> -> memref<80x128xi32, #tpu.memory_space<hbm>>
      %dma_wait3A_117 = arith.constant 0 : i32
      %dma_wait3A_118 = tpu.memref_slice %arg3[%add3A_68, %dma_wait3A_117] : memref<2560x128xi32, #tpu.memory_space<hbm>> -> memref<80x128xi32, #tpu.memory_space<hbm>>
      tpu.wait_dma2 semaphore(%run_scoped3A_110 : memref<!tpu.dma_semaphore, #tpu.memory_space<semaphore_mem>>) src(%dma_wait3A_118 : memref<80x128xi32, #tpu.memory_space<hbm>>) dst(%arg8 : memref<80x128xi32, #tpu.memory_space<vmem>>)
      tpu.yield
    }) : () -> ()
    "tpu.region"() ({
      %run_scoped3A_110 = tpu.sem_alloc : memref<!tpu.dma_semaphore, #tpu.memory_space<semaphore_mem>>
      %dma_start3A_111 = arith.constant 0 : i32
      %dma_start3A_112 = tpu.memref_slice %arg4[%add3A_68, %dma_start3A_111] : memref<2560x128xi32, #tpu.memory_space<hbm>> -> memref<80x128xi32, #tpu.memory_space<hbm>>
      %dma_start3A_113 = arith.constant 0 : i32
      %dma_start3A_114 = tpu.memref_slice %arg4[%add3A_68, %dma_start3A_113] : memref<2560x128xi32, #tpu.memory_space<hbm>> -> memref<80x128xi32, #tpu.memory_space<hbm>>
      tpu.enqueue_dma source(%dma_start3A_114 : memref<80x128xi32, #tpu.memory_space<hbm>>) target(%arg9 : memref<80x128xi32, #tpu.memory_space<vmem>>) target_semaphore(%run_scoped3A_110 : memref<!tpu.dma_semaphore, #tpu.memory_space<semaphore_mem>>)
      %dma_wait3A_115 = arith.constant 0 : i32
      %dma_wait3A_116 = tpu.memref_slice %arg4[%add3A_68, %dma_wait3A_115] : memref<2560x128xi32, #tpu.memory_space<hbm>> -> memref<80x128xi32, #tpu.memory_space<hbm>>
      %dma_wait3A_117 = arith.constant 0 : i32
      %dma_wait3A_118 = tpu.memref_slice %arg4[%add3A_68, %dma_wait3A_117] : memref<2560x128xi32, #tpu.memory_space<hbm>> -> memref<80x128xi32, #tpu.memory_space<hbm>>
      tpu.wait_dma2 semaphore(%run_scoped3A_110 : memref<!tpu.dma_semaphore, #tpu.memory_space<semaphore_mem>>) src(%dma_wait3A_118 : memref<80x128xi32, #tpu.memory_space<hbm>>) dst(%arg9 : memref<80x128xi32, #tpu.memory_space<vmem>>)
      tpu.yield
    }) : () -> ()
    %dma_start3A_69 = arith.constant 0 : i32
    %dma_start3A_70 = arith.constant 0 : i32
    %dma_start3A_71 = tpu.memref_slice %arg8[%dma_start3A_69, %dma_start3A_70] : memref<80x128xi32, #tpu.memory_space<vmem>> -> memref<1x128xi32, #tpu.memory_space<vmem>>
    %dma_start3A_72 = tpu.memref_squeeze %dma_start3A_71 : memref<1x128xi32, #tpu.memory_space<vmem>> -> memref<128xi32, #tpu.memory_space<vmem>>
    %dma_start3A_73 = arith.constant 0 : i32
    %dma_start3A_74 = arith.constant 0 : i32
    %dma_start3A_75 = tpu.memref_slice %arg6[%dma_start3A_73, %dma_start3A_74] : memref<10112x64xf32, #tpu.memory_space<vmem_shared>> -> memref<10112x64xf32, #tpu.memory_space<vmem_shared>>
    tpu.enqueue_indirect_dma source(%dma_start3A_75 : memref<10112x64xf32, #tpu.memory_space<vmem_shared>>) target(%arg10 : memref<128x64xf32, #tpu.memory_space<vmem>>) offsets(%dma_start3A_72 : memref<128xi32, #tpu.memory_space<vmem>>) semaphore(%arg12 : memref<!tpu.dma_semaphore, #tpu.memory_space<semaphore_mem>>)
    %dma_start3A_76 = arith.constant 1 : i32
    %dma_start3A_77 = arith.constant 0 : i32
    %dma_start3A_78 = tpu.memref_slice %arg8[%dma_start3A_76, %dma_start3A_77] : memref<80x128xi32, #tpu.memory_space<vmem>> -> memref<1x128xi32, #tpu.memory_space<vmem>>
    %dma_start3A_79 = tpu.memref_squeeze %dma_start3A_78 : memref<1x128xi32, #tpu.memory_space<vmem>> -> memref<128xi32, #tpu.memory_space<vmem>>
    %dma_start3A_80 = arith.constant 0 : i32
    %dma_start3A_81 = arith.constant 0 : i32
    %dma_start3A_82 = tpu.memref_slice %arg6[%dma_start3A_80, %dma_start3A_81] : memref<10112x64xf32, #tpu.memory_space<vmem_shared>> -> memref<10112x64xf32, #tpu.memory_space<vmem_shared>>
    tpu.enqueue_indirect_dma source(%dma_start3A_82 : memref<10112x64xf32, #tpu.memory_space<vmem_shared>>) target(%arg11 : memref<128x64xf32, #tpu.memory_space<vmem>>) offsets(%dma_start3A_79 : memref<128xi32, #tpu.memory_space<vmem>>) semaphore(%arg13 : memref<!tpu.dma_semaphore, #tpu.memory_space<semaphore_mem>>)
    %scan3A_83 = arith.constant 0 : i32
    %scan3A_84 = arith.constant 0 : i32
    %scan3A_85 = arith.constant 39 : i32
    %scan3A_86 = arith.addi %scan3A_84, %scan3A_85 : i32
    %scan3A_87 = arith.constant 1 : i32
    scf.for %scan3A_110 = %scan3A_84 to %scan3A_86 step %scan3A_87  : i32 {
      %mul3A_111 = arith.constant 2 : i32
      %mul3A_112 = arith.muli %mul3A_111, %scan3A_110 : i32
      %dma_wait3A_113 = arith.constant 0 : i32
      %dma_wait3A_114 = tpu.memref_slice %arg8[%mul3A_112, %dma_wait3A_113] : memref<80x128xi32, #tpu.memory_space<vmem>> -> memref<1x128xi32, #tpu.memory_space<vmem>>
      %dma_wait3A_115 = tpu.memref_squeeze %dma_wait3A_114 : memref<1x128xi32, #tpu.memory_space<vmem>> -> memref<128xi32, #tpu.memory_space<vmem>>
      %dma_wait3A_116 = arith.constant 0 : i32
      %dma_wait3A_117 = arith.constant 0 : i32
      %dma_wait3A_118 = tpu.memref_slice %arg6[%dma_wait3A_116, %dma_wait3A_117] : memref<10112x64xf32, #tpu.memory_space<vmem_shared>> -> memref<10112x64xf32, #tpu.memory_space<vmem_shared>>
      tpu.wait_indirect_dma semaphore(%arg12 : memref<!tpu.dma_semaphore, #tpu.memory_space<semaphore_mem>>) src(%dma_wait3A_118 : memref<10112x64xf32, #tpu.memory_space<vmem_shared>>) dst(%arg10 : memref<128x64xf32, #tpu.memory_space<vmem>>)
      "tpu.region"() ({
        %run_scoped3A_145 = tpu.sem_alloc : memref<!tpu.dma_semaphore, #tpu.memory_space<semaphore_mem>>
        %dma_start3A_146 = arith.constant 0 : i32
        %dma_start3A_147 = tpu.memref_slice %arg9[%mul3A_112, %dma_start3A_146] : memref<80x128xi32, #tpu.memory_space<vmem>> -> memref<1x128xi32, #tpu.memory_space<vmem>>
        %dma_start3A_148 = tpu.memref_squeeze %dma_start3A_147 : memref<1x128xi32, #tpu.memory_space<vmem>> -> memref<128xi32, #tpu.memory_space<vmem>>
        %dma_start3A_149 = arith.constant 0 : i32
        %dma_start3A_150 = arith.constant 0 : i32
        %dma_start3A_151 = tpu.memref_slice %arg7[%dma_start3A_149, %dma_start3A_150] : memref<10112x64xf32, #tpu.memory_space<vmem_shared>> -> memref<10112x64xf32, #tpu.memory_space<vmem_shared>>
        tpu.enqueue_indirect_dma source(%arg10 : memref<128x64xf32, #tpu.memory_space<vmem>>) target(%dma_start3A_151 : memref<10112x64xf32, #tpu.memory_space<vmem_shared>>) offsets(%dma_start3A_148 : memref<128xi32, #tpu.memory_space<vmem>>) semaphore(%run_scoped3A_145 : memref<!tpu.dma_semaphore, #tpu.memory_space<semaphore_mem>>) {add = true}
        %dma_wait3A_152 = arith.constant 0 : i32
        %dma_wait3A_153 = tpu.memref_slice %arg9[%mul3A_112, %dma_wait3A_152] : memref<80x128xi32, #tpu.memory_space<vmem>> -> memref<1x128xi32, #tpu.memory_space<vmem>>
        %dma_wait3A_154 = tpu.memref_squeeze %dma_wait3A_153 : memref<1x128xi32, #tpu.memory_space<vmem>> -> memref<128xi32, #tpu.memory_space<vmem>>
        %dma_wait3A_155 = arith.constant 0 : i32
        %dma_wait3A_156 = arith.constant 0 : i32
        %dma_wait3A_157 = tpu.memref_slice %arg7[%dma_wait3A_155, %dma_wait3A_156] : memref<10112x64xf32, #tpu.memory_space<vmem_shared>> -> memref<10112x64xf32, #tpu.memory_space<vmem_shared>>
        tpu.wait_indirect_dma semaphore(%run_scoped3A_145 : memref<!tpu.dma_semaphore, #tpu.memory_space<semaphore_mem>>) src(%arg10 : memref<128x64xf32, #tpu.memory_space<vmem>>) dst(%dma_wait3A_157 : memref<10112x64xf32, #tpu.memory_space<vmem_shared>>)
        tpu.yield
      }) : () -> ()
      %add3A_119 = arith.constant 2 : i32
      %add3A_120 = arith.addi %mul3A_112, %add3A_119 : i32
      %dma_start3A_121 = arith.constant 0 : i32
      %dma_start3A_122 = tpu.memref_slice %arg8[%add3A_120, %dma_start3A_121] : memref<80x128xi32, #tpu.memory_space<vmem>> -> memref<1x128xi32, #tpu.memory_space<vmem>>
      %dma_start3A_123 = tpu.memref_squeeze %dma_start3A_122 : memref<1x128xi32, #tpu.memory_space<vmem>> -> memref<128xi32, #tpu.memory_space<vmem>>
      %dma_start3A_124 = arith.constant 0 : i32
      %dma_start3A_125 = arith.constant 0 : i32
      %dma_start3A_126 = tpu.memref_slice %arg6[%dma_start3A_124, %dma_start3A_125] : memref<10112x64xf32, #tpu.memory_space<vmem_shared>> -> memref<10112x64xf32, #tpu.memory_space<vmem_shared>>
      tpu.enqueue_indirect_dma source(%dma_start3A_126 : memref<10112x64xf32, #tpu.memory_space<vmem_shared>>) target(%arg10 : memref<128x64xf32, #tpu.memory_space<vmem>>) offsets(%dma_start3A_123 : memref<128xi32, #tpu.memory_space<vmem>>) semaphore(%arg12 : memref<!tpu.dma_semaphore, #tpu.memory_space<semaphore_mem>>)
      %add3A_127 = arith.constant 1 : i32
      %add3A_128 = arith.addi %mul3A_112, %add3A_127 : i32
      %dma_wait3A_129 = arith.constant 0 : i32
      %dma_wait3A_130 = tpu.memref_slice %arg8[%add3A_128, %dma_wait3A_129] : memref<80x128xi32, #tpu.memory_space<vmem>> -> memref<1x128xi32, #tpu.memory_space<vmem>>
      %dma_wait3A_131 = tpu.memref_squeeze %dma_wait3A_130 : memref<1x128xi32, #tpu.memory_space<vmem>> -> memref<128xi32, #tpu.memory_space<vmem>>
      %dma_wait3A_132 = arith.constant 0 : i32
      %dma_wait3A_133 = arith.constant 0 : i32
      %dma_wait3A_134 = tpu.memref_slice %arg6[%dma_wait3A_132, %dma_wait3A_133] : memref<10112x64xf32, #tpu.memory_space<vmem_shared>> -> memref<10112x64xf32, #tpu.memory_space<vmem_shared>>
      tpu.wait_indirect_dma semaphore(%arg13 : memref<!tpu.dma_semaphore, #tpu.memory_space<semaphore_mem>>) src(%dma_wait3A_134 : memref<10112x64xf32, #tpu.memory_space<vmem_shared>>) dst(%arg11 : memref<128x64xf32, #tpu.memory_space<vmem>>)
      %add3A_135 = arith.constant 1 : i32
      %add3A_136 = arith.addi %mul3A_112, %add3A_135 : i32
      "tpu.region"() ({
        %run_scoped3A_145 = tpu.sem_alloc : memref<!tpu.dma_semaphore, #tpu.memory_space<semaphore_mem>>
        %dma_start3A_146 = arith.constant 0 : i32
        %dma_start3A_147 = tpu.memref_slice %arg9[%add3A_136, %dma_start3A_146] : memref<80x128xi32, #tpu.memory_space<vmem>> -> memref<1x128xi32, #tpu.memory_space<vmem>>
        %dma_start3A_148 = tpu.memref_squeeze %dma_start3A_147 : memref<1x128xi32, #tpu.memory_space<vmem>> -> memref<128xi32, #tpu.memory_space<vmem>>
        %dma_start3A_149 = arith.constant 0 : i32
        %dma_start3A_150 = arith.constant 0 : i32
        %dma_start3A_151 = tpu.memref_slice %arg7[%dma_start3A_149, %dma_start3A_150] : memref<10112x64xf32, #tpu.memory_space<vmem_shared>> -> memref<10112x64xf32, #tpu.memory_space<vmem_shared>>
        tpu.enqueue_indirect_dma source(%arg11 : memref<128x64xf32, #tpu.memory_space<vmem>>) target(%dma_start3A_151 : memref<10112x64xf32, #tpu.memory_space<vmem_shared>>) offsets(%dma_start3A_148 : memref<128xi32, #tpu.memory_space<vmem>>) semaphore(%run_scoped3A_145 : memref<!tpu.dma_semaphore, #tpu.memory_space<semaphore_mem>>) {add = true}
        %dma_wait3A_152 = arith.constant 0 : i32
        %dma_wait3A_153 = tpu.memref_slice %arg9[%add3A_136, %dma_wait3A_152] : memref<80x128xi32, #tpu.memory_space<vmem>> -> memref<1x128xi32, #tpu.memory_space<vmem>>
        %dma_wait3A_154 = tpu.memref_squeeze %dma_wait3A_153 : memref<1x128xi32, #tpu.memory_space<vmem>> -> memref<128xi32, #tpu.memory_space<vmem>>
        %dma_wait3A_155 = arith.constant 0 : i32
        %dma_wait3A_156 = arith.constant 0 : i32
        %dma_wait3A_157 = tpu.memref_slice %arg7[%dma_wait3A_155, %dma_wait3A_156] : memref<10112x64xf32, #tpu.memory_space<vmem_shared>> -> memref<10112x64xf32, #tpu.memory_space<vmem_shared>>
        tpu.wait_indirect_dma semaphore(%run_scoped3A_145 : memref<!tpu.dma_semaphore, #tpu.memory_space<semaphore_mem>>) src(%arg11 : memref<128x64xf32, #tpu.memory_space<vmem>>) dst(%dma_wait3A_157 : memref<10112x64xf32, #tpu.memory_space<vmem_shared>>)
        tpu.yield
      }) : () -> ()
      %add3A_137 = arith.constant 3 : i32
      %add3A_138 = arith.addi %mul3A_112, %add3A_137 : i32
      %dma_start3A_139 = arith.constant 0 : i32
      %dma_start3A_140 = tpu.memref_slice %arg8[%add3A_138, %dma_start3A_139] : memref<80x128xi32, #tpu.memory_space<vmem>> -> memref<1x128xi32, #tpu.memory_space<vmem>>
      %dma_start3A_141 = tpu.memref_squeeze %dma_start3A_140 : memref<1x128xi32, #tpu.memory_space<vmem>> -> memref<128xi32, #tpu.memory_space<vmem>>
      %dma_start3A_142 = arith.constant 0 : i32
      %dma_start3A_143 = arith.constant 0 : i32
      %dma_start3A_144 = tpu.memref_slice %arg6[%dma_start3A_142, %dma_start3A_143] : memref<10112x64xf32, #tpu.memory_space<vmem_shared>> -> memref<10112x64xf32, #tpu.memory_space<vmem_shared>>
      tpu.enqueue_indirect_dma source(%dma_start3A_144 : memref<10112x64xf32, #tpu.memory_space<vmem_shared>>) target(%arg11 : memref<128x64xf32, #tpu.memory_space<vmem>>) offsets(%dma_start3A_141 : memref<128xi32, #tpu.memory_space<vmem>>) semaphore(%arg13 : memref<!tpu.dma_semaphore, #tpu.memory_space<semaphore_mem>>)
    }
    %scan3A_88 = arith.constant 39 : i32
    %dma_wait3A_89 = arith.constant 78 : i32
    %dma_wait3A_90 = arith.constant 0 : i32
    %dma_wait3A_91 = tpu.memref_slice %arg8[%dma_wait3A_89, %dma_wait3A_90] : memref<80x128xi32, #tpu.memory_space<vmem>> -> memref<1x128xi32, #tpu.memory_space<vmem>>
    %dma_wait3A_92 = tpu.memref_squeeze %dma_wait3A_91 : memref<1x128xi32, #tpu.memory_space<vmem>> -> memref<128xi32, #tpu.memory_space<vmem>>
    %dma_wait3A_93 = arith.constant 0 : i32
    %dma_wait3A_94 = arith.constant 0 : i32
    %dma_wait3A_95 = tpu.memref_slice %arg6[%dma_wait3A_93, %dma_wait3A_94] : memref<10112x64xf32, #tpu.memory_space<vmem_shared>> -> memref<10112x64xf32, #tpu.memory_space<vmem_shared>>
    tpu.wait_indirect_dma semaphore(%arg12 : memref<!tpu.dma_semaphore, #tpu.memory_space<semaphore_mem>>) src(%dma_wait3A_95 : memref<10112x64xf32, #tpu.memory_space<vmem_shared>>) dst(%arg10 : memref<128x64xf32, #tpu.memory_space<vmem>>)
    %run_scoped3A_96 = arith.constant 78 : i32
    "tpu.region"() ({
      %run_scoped3A_110 = tpu.sem_alloc : memref<!tpu.dma_semaphore, #tpu.memory_space<semaphore_mem>>
      %dma_start3A_111 = arith.constant 0 : i32
      %dma_start3A_112 = tpu.memref_slice %arg9[%run_scoped3A_96, %dma_start3A_111] : memref<80x128xi32, #tpu.memory_space<vmem>> -> memref<1x128xi32, #tpu.memory_space<vmem>>
      %dma_start3A_113 = tpu.memref_squeeze %dma_start3A_112 : memref<1x128xi32, #tpu.memory_space<vmem>> -> memref<128xi32, #tpu.memory_space<vmem>>
      %dma_start3A_114 = arith.constant 0 : i32
      %dma_start3A_115 = arith.constant 0 : i32
      %dma_start3A_116 = tpu.memref_slice %arg7[%dma_start3A_114, %dma_start3A_115] : memref<10112x64xf32, #tpu.memory_space<vmem_shared>> -> memref<10112x64xf32, #tpu.memory_space<vmem_shared>>
      tpu.enqueue_indirect_dma source(%arg10 : memref<128x64xf32, #tpu.memory_space<vmem>>) target(%dma_start3A_116 : memref<10112x64xf32, #tpu.memory_space<vmem_shared>>) offsets(%dma_start3A_113 : memref<128xi32, #tpu.memory_space<vmem>>) semaphore(%run_scoped3A_110 : memref<!tpu.dma_semaphore, #tpu.memory_space<semaphore_mem>>) {add = true}
      %dma_wait3A_117 = arith.constant 0 : i32
      %dma_wait3A_118 = tpu.memref_slice %arg9[%run_scoped3A_96, %dma_wait3A_117] : memref<80x128xi32, #tpu.memory_space<vmem>> -> memref<1x128xi32, #tpu.memory_space<vmem>>
      %dma_wait3A_119 = tpu.memref_squeeze %dma_wait3A_118 : memref<1x128xi32, #tpu.memory_space<vmem>> -> memref<128xi32, #tpu.memory_space<vmem>>
      %dma_wait3A_120 = arith.constant 0 : i32
      %dma_wait3A_121 = arith.constant 0 : i32
      %dma_wait3A_122 = tpu.memref_slice %arg7[%dma_wait3A_120, %dma_wait3A_121] : memref<10112x64xf32, #tpu.memory_space<vmem_shared>> -> memref<10112x64xf32, #tpu.memory_space<vmem_shared>>
      tpu.wait_indirect_dma semaphore(%run_scoped3A_110 : memref<!tpu.dma_semaphore, #tpu.memory_space<semaphore_mem>>) src(%arg10 : memref<128x64xf32, #tpu.memory_space<vmem>>) dst(%dma_wait3A_122 : memref<10112x64xf32, #tpu.memory_space<vmem_shared>>)
      tpu.yield
    }) : () -> ()
    %dma_wait3A_97 = arith.constant 79 : i32
    %dma_wait3A_98 = arith.constant 0 : i32
    %dma_wait3A_99 = tpu.memref_slice %arg8[%dma_wait3A_97, %dma_wait3A_98] : memref<80x128xi32, #tpu.memory_space<vmem>> -> memref<1x128xi32, #tpu.memory_space<vmem>>
    %dma_wait3A_100 = tpu.memref_squeeze %dma_wait3A_99 : memref<1x128xi32, #tpu.memory_space<vmem>> -> memref<128xi32, #tpu.memory_space<vmem>>
    %dma_wait3A_101 = arith.constant 0 : i32
    %dma_wait3A_102 = arith.constant 0 : i32
    %dma_wait3A_103 = tpu.memref_slice %arg6[%dma_wait3A_101, %dma_wait3A_102] : memref<10112x64xf32, #tpu.memory_space<vmem_shared>> -> memref<10112x64xf32, #tpu.memory_space<vmem_shared>>
    tpu.wait_indirect_dma semaphore(%arg13 : memref<!tpu.dma_semaphore, #tpu.memory_space<semaphore_mem>>) src(%dma_wait3A_103 : memref<10112x64xf32, #tpu.memory_space<vmem_shared>>) dst(%arg11 : memref<128x64xf32, #tpu.memory_space<vmem>>)
    %run_scoped3A_104 = arith.constant 79 : i32
    "tpu.region"() ({
      %run_scoped3A_110 = tpu.sem_alloc : memref<!tpu.dma_semaphore, #tpu.memory_space<semaphore_mem>>
      %dma_start3A_111 = arith.constant 0 : i32
      %dma_start3A_112 = tpu.memref_slice %arg9[%run_scoped3A_104, %dma_start3A_111] : memref<80x128xi32, #tpu.memory_space<vmem>> -> memref<1x128xi32, #tpu.memory_space<vmem>>
      %dma_start3A_113 = tpu.memref_squeeze %dma_start3A_112 : memref<1x128xi32, #tpu.memory_space<vmem>> -> memref<128xi32, #tpu.memory_space<vmem>>
      %dma_start3A_114 = arith.constant 0 : i32
      %dma_start3A_115 = arith.constant 0 : i32
      %dma_start3A_116 = tpu.memref_slice %arg7[%dma_start3A_114, %dma_start3A_115] : memref<10112x64xf32, #tpu.memory_space<vmem_shared>> -> memref<10112x64xf32, #tpu.memory_space<vmem_shared>>
      tpu.enqueue_indirect_dma source(%arg11 : memref<128x64xf32, #tpu.memory_space<vmem>>) target(%dma_start3A_116 : memref<10112x64xf32, #tpu.memory_space<vmem_shared>>) offsets(%dma_start3A_113 : memref<128xi32, #tpu.memory_space<vmem>>) semaphore(%run_scoped3A_110 : memref<!tpu.dma_semaphore, #tpu.memory_space<semaphore_mem>>) {add = true}
      %dma_wait3A_117 = arith.constant 0 : i32
      %dma_wait3A_118 = tpu.memref_slice %arg9[%run_scoped3A_104, %dma_wait3A_117] : memref<80x128xi32, #tpu.memory_space<vmem>> -> memref<1x128xi32, #tpu.memory_space<vmem>>
      %dma_wait3A_119 = tpu.memref_squeeze %dma_wait3A_118 : memref<1x128xi32, #tpu.memory_space<vmem>> -> memref<128xi32, #tpu.memory_space<vmem>>
      %dma_wait3A_120 = arith.constant 0 : i32
      %dma_wait3A_121 = arith.constant 0 : i32
      %dma_wait3A_122 = tpu.memref_slice %arg7[%dma_wait3A_120, %dma_wait3A_121] : memref<10112x64xf32, #tpu.memory_space<vmem_shared>> -> memref<10112x64xf32, #tpu.memory_space<vmem_shared>>
      tpu.wait_indirect_dma semaphore(%run_scoped3A_110 : memref<!tpu.dma_semaphore, #tpu.memory_space<semaphore_mem>>) src(%arg11 : memref<128x64xf32, #tpu.memory_space<vmem>>) dst(%dma_wait3A_122 : memref<10112x64xf32, #tpu.memory_space<vmem_shared>>)
      tpu.yield
    }) : () -> ()
    %barrier3A_105 = arith.constant 0 : index
    tpu.barrier barrier_id(%barrier3A_105)
    %mul3A_106 = arith.constant 632 : i32
    %mul3A_107 = arith.muli %arg1, %mul3A_106 : i32
    %mul3A_108 = arith.constant 632 : i32
    %mul3A_109 = arith.muli %arg1, %mul3A_108 : i32
    "tpu.region"() ({
      %run_scoped3A_110 = tpu.sem_alloc : memref<!tpu.dma_semaphore, #tpu.memory_space<semaphore_mem>>
      %dma_start3A_111 = arith.constant 0 : i32
      %dma_start3A_112 = tpu.memref_slice %arg5[%arg0, %mul3A_109, %dma_start3A_111] : memref<2x10112x64xf32, #tpu.memory_space<hbm>> -> memref<1x632x64xf32, #tpu.memory_space<hbm>>
      %dma_start3A_113 = tpu.memref_squeeze %dma_start3A_112 : memref<1x632x64xf32, #tpu.memory_space<hbm>> -> memref<632x64xf32, #tpu.memory_space<hbm>>
      %dma_start3A_114 = arith.constant 0 : i32
      %dma_start3A_115 = tpu.memref_slice %arg7[%mul3A_107, %dma_start3A_114] : memref<10112x64xf32, #tpu.memory_space<vmem_shared>> -> memref<632x64xf32, #tpu.memory_space<vmem_shared>>
      tpu.enqueue_dma source(%dma_start3A_115 : memref<632x64xf32, #tpu.memory_space<vmem_shared>>) target(%dma_start3A_113 : memref<632x64xf32, #tpu.memory_space<hbm>>) target_semaphore(%run_scoped3A_110 : memref<!tpu.dma_semaphore, #tpu.memory_space<semaphore_mem>>)
      %dma_wait3A_116 = arith.constant 0 : i32
      %dma_wait3A_117 = tpu.memref_slice %arg5[%arg0, %mul3A_109, %dma_wait3A_116] : memref<2x10112x64xf32, #tpu.memory_space<hbm>> -> memref<1x632x64xf32, #tpu.memory_space<hbm>>
      %dma_wait3A_118 = tpu.memref_squeeze %dma_wait3A_117 : memref<1x632x64xf32, #tpu.memory_space<hbm>> -> memref<632x64xf32, #tpu.memory_space<hbm>>
      %dma_wait3A_119 = arith.constant 0 : i32
      %dma_wait3A_120 = tpu.memref_slice %arg7[%mul3A_107, %dma_wait3A_119] : memref<10112x64xf32, #tpu.memory_space<vmem_shared>> -> memref<632x64xf32, #tpu.memory_space<vmem_shared>>
      tpu.wait_dma2 semaphore(%run_scoped3A_110 : memref<!tpu.dma_semaphore, #tpu.memory_space<semaphore_mem>>) src(%dma_wait3A_120 : memref<632x64xf32, #tpu.memory_space<vmem_shared>>) dst(%dma_wait3A_118 : memref<632x64xf32, #tpu.memory_space<hbm>>)
      tpu.yield
    }) : () -> ()
    return
  }
}

#map = affine_map<(d0, d1) -> (0, 0, 0)>
#map1 = affine_map<(d0, d1) -> (0, 0)>
module attributes {stable_mosaic.version = 14 : i64} {
  func.func @_agg_body(%arg0: i32, %arg1: i32, %arg2: memref<2x10112x64xf32, #tpu.memory_space<hbm>>, %arg3: memref<2560x128xi32, #tpu.memory_space<hbm>>, %arg4: memref<2560x128xi32, #tpu.memory_space<hbm>>, %arg5: memref<2x10112x64xf32, #tpu.memory_space<hbm>>, %arg6: memref<10112x64xf32, #tpu.memory_space<vmem_shared>>, %arg7: memref<10112x64xf32, #tpu.memory_space<vmem_shared>>, %arg8: memref<80x128xi32, #tpu.memory_space<vmem>>, %arg9: memref<80x128xi32, #tpu.memory_space<vmem>>, %arg10: memref<128x64xf32, #tpu.memory_space<vmem>>, %arg11: memref<128x64xf32, #tpu.memory_space<vmem>>, %arg12: memref<!tpu.dma_semaphore, #tpu.memory_space<semaphore_mem>>, %arg13: memref<!tpu.dma_semaphore, #tpu.memory_space<semaphore_mem>>) attributes {dimension_semantics = [#tpu.dimension_semantics<core_parallel>, #tpu.dimension_semantics<subcore_parallel>], iteration_bounds = array<i64: 2, 16>, scalar_prefetch = 0 : i64, scratch_operands = 8 : i64, tpu.core_type = #tpu.core_type<sc_vector_subcore>, window_params = [{transform_indices = #map}, {transform_indices = #map1}, {transform_indices = #map1}, {transform_indices = #map}]} {
    %mul3A = arith.constant 632 : i32
    %mul3A_0 = arith.muli %arg1, %mul3A : i32
    %mul3A_1 = arith.constant 632 : i32
    %mul3A_2 = arith.muli %arg1, %mul3A_1 : i32
    "tpu.region"() ({
      %run_scoped3A_110 = tpu.sem_alloc : memref<!tpu.dma_semaphore, #tpu.memory_space<semaphore_mem>>
      %dma_start3A_111 = arith.constant 0 : i32
      %dma_start3A_112 = tpu.memref_slice %arg6[%mul3A_2, %dma_start3A_111] : memref<10112x64xf32, #tpu.memory_space<vmem_shared>> -> memref<632x64xf32, #tpu.memory_space<vmem_shared>>
      %dma_start3A_113 = arith.constant 0 : i32
      %dma_start3A_114 = tpu.memref_slice %arg2[%arg0, %mul3A_0, %dma_start3A_113] : memref<2x10112x64xf32, #tpu.memory_space<hbm>> -> memref<1x632x64xf32, #tpu.memory_space<hbm>>
      %dma_start3A_115 = tpu.memref_squeeze %dma_start3A_114 : memref<1x632x64xf32, #tpu.memory_space<hbm>> -> memref<632x64xf32, #tpu.memory_space<hbm>>
      tpu.enqueue_dma source(%dma_start3A_115 : memref<632x64xf32, #tpu.memory_space<hbm>>) target(%dma_start3A_112 : memref<632x64xf32, #tpu.memory_space<vmem_shared>>) target_semaphore(%run_scoped3A_110 : memref<!tpu.dma_semaphore, #tpu.memory_space<semaphore_mem>>)
      %dma_wait3A_116 = arith.constant 0 : i32
      %dma_wait3A_117 = tpu.memref_slice %arg6[%mul3A_2, %dma_wait3A_116] : memref<10112x64xf32, #tpu.memory_space<vmem_shared>> -> memref<632x64xf32, #tpu.memory_space<vmem_shared>>
      %dma_wait3A_118 = arith.constant 0 : i32
      %dma_wait3A_119 = tpu.memref_slice %arg2[%arg0, %mul3A_0, %dma_wait3A_118] : memref<2x10112x64xf32, #tpu.memory_space<hbm>> -> memref<1x632x64xf32, #tpu.memory_space<hbm>>
      %dma_wait3A_120 = tpu.memref_squeeze %dma_wait3A_119 : memref<1x632x64xf32, #tpu.memory_space<hbm>> -> memref<632x64xf32, #tpu.memory_space<hbm>>
      tpu.wait_dma2 semaphore(%run_scoped3A_110 : memref<!tpu.dma_semaphore, #tpu.memory_space<semaphore_mem>>) src(%dma_wait3A_120 : memref<632x64xf32, #tpu.memory_space<hbm>>) dst(%dma_wait3A_117 : memref<632x64xf32, #tpu.memory_space<vmem_shared>>)
      tpu.yield
    }) : () -> ()
    %broadcast_in_dim3A = arith.constant 0.000000e+00 : f32
    %broadcast_in_dim3A_3 = vector.broadcast %broadcast_in_dim3A : f32 to vector<16xf32>
    %scan3A = arith.constant 0 : i32
    %scan3A_4 = arith.constant 0 : i32
    %scan3A_5 = arith.constant 128 : i32
    %scan3A_6 = arith.addi %scan3A_4, %scan3A_5 : i32
    %scan3A_7 = arith.constant 1 : i32
    scf.for %scan3A_110 = %scan3A_4 to %scan3A_6 step %scan3A_7  : i32 {
      %swap3A = arith.index_cast %scan3A_110 : i32 to index
      %swap3A_111 = arith.constant 0 : index
      %swap3A_112 = tpu.vector_load %arg10[%swap3A, %swap3A_111] {strides = array<i32>} : memref<128x64xf32, #tpu.memory_space<vmem>>, vector<1x16xf32>,
      %swap3A_113 = vector.shape_cast %swap3A_112 : vector<1x16xf32> to vector<16xf32>
      %swap3A_114 = vector.shape_cast %broadcast_in_dim3A_3 : vector<16xf32> to vector<1x16xf32>
      tpu.vector_store %arg10[%swap3A, %swap3A_111], %swap3A_114 {strides = array<i32>} : memref<128x64xf32, #tpu.memory_space<vmem>>, vector<1x16xf32>,
      %swap3A_115 = arith.index_cast %scan3A_110 : i32 to index
      %swap3A_116 = arith.constant 16 : index
      %swap3A_117 = tpu.vector_load %arg10[%swap3A_115, %swap3A_116] {strides = array<i32>} : memref<128x64xf32, #tpu.memory_space<vmem>>, vector<1x16xf32>,
      %swap3A_118 = vector.shape_cast %swap3A_117 : vector<1x16xf32> to vector<16xf32>
      %swap3A_119 = vector.shape_cast %broadcast_in_dim3A_3 : vector<16xf32> to vector<1x16xf32>
      tpu.vector_store %arg10[%swap3A_115, %swap3A_116], %swap3A_119 {strides = array<i32>} : memref<128x64xf32, #tpu.memory_space<vmem>>, vector<1x16xf32>,
      %swap3A_120 = arith.index_cast %scan3A_110 : i32 to index
      %swap3A_121 = arith.constant 32 : index
      %swap3A_122 = tpu.vector_load %arg10[%swap3A_120, %swap3A_121] {strides = array<i32>} : memref<128x64xf32, #tpu.memory_space<vmem>>, vector<1x16xf32>,
      %swap3A_123 = vector.shape_cast %swap3A_122 : vector<1x16xf32> to vector<16xf32>
      %swap3A_124 = vector.shape_cast %broadcast_in_dim3A_3 : vector<16xf32> to vector<1x16xf32>
      tpu.vector_store %arg10[%swap3A_120, %swap3A_121], %swap3A_124 {strides = array<i32>} : memref<128x64xf32, #tpu.memory_space<vmem>>, vector<1x16xf32>,
      %swap3A_125 = arith.index_cast %scan3A_110 : i32 to index
      %swap3A_126 = arith.constant 48 : index
      %swap3A_127 = tpu.vector_load %arg10[%swap3A_125, %swap3A_126] {strides = array<i32>} : memref<128x64xf32, #tpu.memory_space<vmem>>, vector<1x16xf32>,
      %swap3A_128 = vector.shape_cast %swap3A_127 : vector<1x16xf32> to vector<16xf32>
      %swap3A_129 = vector.shape_cast %broadcast_in_dim3A_3 : vector<16xf32> to vector<1x16xf32>
      tpu.vector_store %arg10[%swap3A_125, %swap3A_126], %swap3A_129 {strides = array<i32>} : memref<128x64xf32, #tpu.memory_space<vmem>>, vector<1x16xf32>,
    }
    %scan3A_8 = arith.constant 128 : i32
    %mul3A_9 = arith.constant 632 : i32
    %mul3A_10 = arith.muli %arg1, %mul3A_9 : i32
    %add3A = arith.constant 0 : i32
    %add3A_11 = arith.addi %mul3A_10, %add3A : i32
    "tpu.region"() ({
      %run_scoped3A_110 = tpu.sem_alloc : memref<!tpu.dma_semaphore, #tpu.memory_space<semaphore_mem>>
      %dma_start3A_111 = arith.constant 0 : i32
      %dma_start3A_112 = tpu.memref_slice %arg7[%add3A_11, %dma_start3A_111] : memref<10112x64xf32, #tpu.memory_space<vmem_shared>> -> memref<128x64xf32, #tpu.memory_space<vmem_shared>>
      %dma_start3A_113 = arith.constant 0 : i32
      %dma_start3A_114 = tpu.memref_slice %arg7[%add3A_11, %dma_start3A_113] : memref<10112x64xf32, #tpu.memory_space<vmem_shared>> -> memref<128x64xf32, #tpu.memory_space<vmem_shared>>
      tpu.enqueue_dma source(%arg10 : memref<128x64xf32, #tpu.memory_space<vmem>>) target(%dma_start3A_114 : memref<128x64xf32, #tpu.memory_space<vmem_shared>>) target_semaphore(%run_scoped3A_110 : memref<!tpu.dma_semaphore, #tpu.memory_space<semaphore_mem>>)
      %dma_wait3A_115 = arith.constant 0 : i32
      %dma_wait3A_116 = tpu.memref_slice %arg7[%add3A_11, %dma_wait3A_115] : memref<10112x64xf32, #tpu.memory_space<vmem_shared>> -> memref<128x64xf32, #tpu.memory_space<vmem_shared>>
      %dma_wait3A_117 = arith.constant 0 : i32
      %dma_wait3A_118 = tpu.memref_slice %arg7[%add3A_11, %dma_wait3A_117] : memref<10112x64xf32, #tpu.memory_space<vmem_shared>> -> memref<128x64xf32, #tpu.memory_space<vmem_shared>>
      tpu.wait_dma2 semaphore(%run_scoped3A_110 : memref<!tpu.dma_semaphore, #tpu.memory_space<semaphore_mem>>) src(%arg10 : memref<128x64xf32, #tpu.memory_space<vmem>>) dst(%dma_wait3A_118 : memref<128x64xf32, #tpu.memory_space<vmem_shared>>)
      tpu.yield
    }) : () -> ()
    %mul3A_12 = arith.constant 632 : i32
    %mul3A_13 = arith.muli %arg1, %mul3A_12 : i32
    %add3A_14 = arith.constant 128 : i32
    %add3A_15 = arith.addi %mul3A_13, %add3A_14 : i32
    "tpu.region"() ({
      %run_scoped3A_110 = tpu.sem_alloc : memref<!tpu.dma_semaphore, #tpu.memory_space<semaphore_mem>>
      %dma_start3A_111 = arith.constant 0 : i32
      %dma_start3A_112 = tpu.memref_slice %arg7[%add3A_15, %dma_start3A_111] : memref<10112x64xf32, #tpu.memory_space<vmem_shared>> -> memref<128x64xf32, #tpu.memory_space<vmem_shared>>
      %dma_start3A_113 = arith.constant 0 : i32
      %dma_start3A_114 = tpu.memref_slice %arg7[%add3A_15, %dma_start3A_113] : memref<10112x64xf32, #tpu.memory_space<vmem_shared>> -> memref<128x64xf32, #tpu.memory_space<vmem_shared>>
      tpu.enqueue_dma source(%arg10 : memref<128x64xf32, #tpu.memory_space<vmem>>) target(%dma_start3A_114 : memref<128x64xf32, #tpu.memory_space<vmem_shared>>) target_semaphore(%run_scoped3A_110 : memref<!tpu.dma_semaphore, #tpu.memory_space<semaphore_mem>>)
      %dma_wait3A_115 = arith.constant 0 : i32
      %dma_wait3A_116 = tpu.memref_slice %arg7[%add3A_15, %dma_wait3A_115] : memref<10112x64xf32, #tpu.memory_space<vmem_shared>> -> memref<128x64xf32, #tpu.memory_space<vmem_shared>>
      %dma_wait3A_117 = arith.constant 0 : i32
      %dma_wait3A_118 = tpu.memref_slice %arg7[%add3A_15, %dma_wait3A_117] : memref<10112x64xf32, #tpu.memory_space<vmem_shared>> -> memref<128x64xf32, #tpu.memory_space<vmem_shared>>
      tpu.wait_dma2 semaphore(%run_scoped3A_110 : memref<!tpu.dma_semaphore, #tpu.memory_space<semaphore_mem>>) src(%arg10 : memref<128x64xf32, #tpu.memory_space<vmem>>) dst(%dma_wait3A_118 : memref<128x64xf32, #tpu.memory_space<vmem_shared>>)
      tpu.yield
    }) : () -> ()
    %mul3A_16 = arith.constant 632 : i32
    %mul3A_17 = arith.muli %arg1, %mul3A_16 : i32
    %add3A_18 = arith.constant 256 : i32
    %add3A_19 = arith.addi %mul3A_17, %add3A_18 : i32
    "tpu.region"() ({
      %run_scoped3A_110 = tpu.sem_alloc : memref<!tpu.dma_semaphore, #tpu.memory_space<semaphore_mem>>
      %dma_start3A_111 = arith.constant 0 : i32
      %dma_start3A_112 = tpu.memref_slice %arg7[%add3A_19, %dma_start3A_111] : memref<10112x64xf32, #tpu.memory_space<vmem_shared>> -> memref<128x64xf32, #tpu.memory_space<vmem_shared>>
      %dma_start3A_113 = arith.constant 0 : i32
      %dma_start3A_114 = tpu.memref_slice %arg7[%add3A_19, %dma_start3A_113] : memref<10112x64xf32, #tpu.memory_space<vmem_shared>> -> memref<128x64xf32, #tpu.memory_space<vmem_shared>>
      tpu.enqueue_dma source(%arg10 : memref<128x64xf32, #tpu.memory_space<vmem>>) target(%dma_start3A_114 : memref<128x64xf32, #tpu.memory_space<vmem_shared>>) target_semaphore(%run_scoped3A_110 : memref<!tpu.dma_semaphore, #tpu.memory_space<semaphore_mem>>)
      %dma_wait3A_115 = arith.constant 0 : i32
      %dma_wait3A_116 = tpu.memref_slice %arg7[%add3A_19, %dma_wait3A_115] : memref<10112x64xf32, #tpu.memory_space<vmem_shared>> -> memref<128x64xf32, #tpu.memory_space<vmem_shared>>
      %dma_wait3A_117 = arith.constant 0 : i32
      %dma_wait3A_118 = tpu.memref_slice %arg7[%add3A_19, %dma_wait3A_117] : memref<10112x64xf32, #tpu.memory_space<vmem_shared>> -> memref<128x64xf32, #tpu.memory_space<vmem_shared>>
      tpu.wait_dma2 semaphore(%run_scoped3A_110 : memref<!tpu.dma_semaphore, #tpu.memory_space<semaphore_mem>>) src(%arg10 : memref<128x64xf32, #tpu.memory_space<vmem>>) dst(%dma_wait3A_118 : memref<128x64xf32, #tpu.memory_space<vmem_shared>>)
      tpu.yield
    }) : () -> ()
    %mul3A_20 = arith.constant 632 : i32
    %mul3A_21 = arith.muli %arg1, %mul3A_20 : i32
    %add3A_22 = arith.constant 384 : i32
    %add3A_23 = arith.addi %mul3A_21, %add3A_22 : i32
    "tpu.region"() ({
      %run_scoped3A_110 = tpu.sem_alloc : memref<!tpu.dma_semaphore, #tpu.memory_space<semaphore_mem>>
      %dma_start3A_111 = arith.constant 0 : i32
      %dma_start3A_112 = tpu.memref_slice %arg7[%add3A_23, %dma_start3A_111] : memref<10112x64xf32, #tpu.memory_space<vmem_shared>> -> memref<128x64xf32, #tpu.memory_space<vmem_shared>>
      %dma_start3A_113 = arith.constant 0 : i32
      %dma_start3A_114 = tpu.memref_slice %arg7[%add3A_23, %dma_start3A_113] : memref<10112x64xf32, #tpu.memory_space<vmem_shared>> -> memref<128x64xf32, #tpu.memory_space<vmem_shared>>
      tpu.enqueue_dma source(%arg10 : memref<128x64xf32, #tpu.memory_space<vmem>>) target(%dma_start3A_114 : memref<128x64xf32, #tpu.memory_space<vmem_shared>>) target_semaphore(%run_scoped3A_110 : memref<!tpu.dma_semaphore, #tpu.memory_space<semaphore_mem>>)
      %dma_wait3A_115 = arith.constant 0 : i32
      %dma_wait3A_116 = tpu.memref_slice %arg7[%add3A_23, %dma_wait3A_115] : memref<10112x64xf32, #tpu.memory_space<vmem_shared>> -> memref<128x64xf32, #tpu.memory_space<vmem_shared>>
      %dma_wait3A_117 = arith.constant 0 : i32
      %dma_wait3A_118 = tpu.memref_slice %arg7[%add3A_23, %dma_wait3A_117] : memref<10112x64xf32, #tpu.memory_space<vmem_shared>> -> memref<128x64xf32, #tpu.memory_space<vmem_shared>>
      tpu.wait_dma2 semaphore(%run_scoped3A_110 : memref<!tpu.dma_semaphore, #tpu.memory_space<semaphore_mem>>) src(%arg10 : memref<128x64xf32, #tpu.memory_space<vmem>>) dst(%dma_wait3A_118 : memref<128x64xf32, #tpu.memory_space<vmem_shared>>)
      tpu.yield
    }) : () -> ()
    %mul3A_24 = arith.constant 632 : i32
    %mul3A_25 = arith.muli %arg1, %mul3A_24 : i32
    %add3A_26 = arith.constant 512 : i32
    %add3A_27 = arith.addi %mul3A_25, %add3A_26 : i32
    "tpu.region"() ({
      %run_scoped3A_110 = tpu.sem_alloc : memref<!tpu.dma_semaphore, #tpu.memory_space<semaphore_mem>>
      %dma_start3A_111 = arith.constant 0 : i32
      %dma_start3A_112 = arith.constant 0 : i32
      %dma_start3A_113 = tpu.memref_slice %arg10[%dma_start3A_111, %dma_start3A_112] : memref<128x64xf32, #tpu.memory_space<vmem>> -> memref<120x64xf32, #tpu.memory_space<vmem>>
      %dma_start3A_114 = arith.constant 0 : i32
      %dma_start3A_115 = tpu.memref_slice %arg7[%add3A_27, %dma_start3A_114] : memref<10112x64xf32, #tpu.memory_space<vmem_shared>> -> memref<120x64xf32, #tpu.memory_space<vmem_shared>>
      %dma_start3A_116 = arith.constant 0 : i32
      %dma_start3A_117 = tpu.memref_slice %arg7[%add3A_27, %dma_start3A_116] : memref<10112x64xf32, #tpu.memory_space<vmem_shared>> -> memref<120x64xf32, #tpu.memory_space<vmem_shared>>
      %dma_start3A_118 = arith.constant 0 : i32
      %dma_start3A_119 = arith.constant 0 : i32
      %dma_start3A_120 = tpu.memref_slice %arg10[%dma_start3A_118, %dma_start3A_119] : memref<128x64xf32, #tpu.memory_space<vmem>> -> memref<120x64xf32, #tpu.memory_space<vmem>>
      tpu.enqueue_dma source(%dma_start3A_120 : memref<120x64xf32, #tpu.memory_space<vmem>>) target(%dma_start3A_117 : memref<120x64xf32, #tpu.memory_space<vmem_shared>>) target_semaphore(%run_scoped3A_110 : memref<!tpu.dma_semaphore, #tpu.memory_space<semaphore_mem>>)
      %dma_wait3A_121 = arith.constant 0 : i32
      %dma_wait3A_122 = arith.constant 0 : i32
      %dma_wait3A_123 = tpu.memref_slice %arg10[%dma_wait3A_121, %dma_wait3A_122] : memref<128x64xf32, #tpu.memory_space<vmem>> -> memref<120x64xf32, #tpu.memory_space<vmem>>
      %dma_wait3A_124 = arith.constant 0 : i32
      %dma_wait3A_125 = tpu.memref_slice %arg7[%add3A_27, %dma_wait3A_124] : memref<10112x64xf32, #tpu.memory_space<vmem_shared>> -> memref<120x64xf32, #tpu.memory_space<vmem_shared>>
      %dma_wait3A_126 = arith.constant 0 : i32
      %dma_wait3A_127 = tpu.memref_slice %arg7[%add3A_27, %dma_wait3A_126] : memref<10112x64xf32, #tpu.memory_space<vmem_shared>> -> memref<120x64xf32, #tpu.memory_space<vmem_shared>>
      %dma_wait3A_128 = arith.constant 0 : i32
      %dma_wait3A_129 = arith.constant 0 : i32
      %dma_wait3A_130 = tpu.memref_slice %arg10[%dma_wait3A_128, %dma_wait3A_129] : memref<128x64xf32, #tpu.memory_space<vmem>> -> memref<120x64xf32, #tpu.memory_space<vmem>>
      tpu.wait_dma2 semaphore(%run_scoped3A_110 : memref<!tpu.dma_semaphore, #tpu.memory_space<semaphore_mem>>) src(%dma_wait3A_130 : memref<120x64xf32, #tpu.memory_space<vmem>>) dst(%dma_wait3A_127 : memref<120x64xf32, #tpu.memory_space<vmem_shared>>)
      tpu.yield
    }) : () -> ()
    %barrier3A = arith.constant 0 : index
    tpu.barrier barrier_id(%barrier3A)
    %mul3A_28 = arith.constant 160 : i32
    %mul3A_29 = arith.muli %arg1, %mul3A_28 : i32
    %add3A_30 = arith.constant 0 : i32
    %add3A_31 = arith.addi %mul3A_29, %add3A_30 : i32
    "tpu.region"() ({
      %run_scoped3A_110 = tpu.sem_alloc : memref<!tpu.dma_semaphore, #tpu.memory_space<semaphore_mem>>
      %dma_start3A_111 = arith.constant 0 : i32
      %dma_start3A_112 = tpu.memref_slice %arg3[%add3A_31, %dma_start3A_111] : memref<2560x128xi32, #tpu.memory_space<hbm>> -> memref<80x128xi32, #tpu.memory_space<hbm>>
      %dma_start3A_113 = arith.constant 0 : i32
      %dma_start3A_114 = tpu.memref_slice %arg3[%add3A_31, %dma_start3A_113] : memref<2560x128xi32, #tpu.memory_space<hbm>> -> memref<80x128xi32, #tpu.memory_space<hbm>>
      tpu.enqueue_dma source(%dma_start3A_114 : memref<80x128xi32, #tpu.memory_space<hbm>>) target(%arg8 : memref<80x128xi32, #tpu.memory_space<vmem>>) target_semaphore(%run_scoped3A_110 : memref<!tpu.dma_semaphore, #tpu.memory_space<semaphore_mem>>)
      %dma_wait3A_115 = arith.constant 0 : i32
      %dma_wait3A_116 = tpu.memref_slice %arg3[%add3A_31, %dma_wait3A_115] : memref<2560x128xi32, #tpu.memory_space<hbm>> -> memref<80x128xi32, #tpu.memory_space<hbm>>
      %dma_wait3A_117 = arith.constant 0 : i32
      %dma_wait3A_118 = tpu.memref_slice %arg3[%add3A_31, %dma_wait3A_117] : memref<2560x128xi32, #tpu.memory_space<hbm>> -> memref<80x128xi32, #tpu.memory_space<hbm>>
      tpu.wait_dma2 semaphore(%run_scoped3A_110 : memref<!tpu.dma_semaphore, #tpu.memory_space<semaphore_mem>>) src(%dma_wait3A_118 : memref<80x128xi32, #tpu.memory_space<hbm>>) dst(%arg8 : memref<80x128xi32, #tpu.memory_space<vmem>>)
      tpu.yield
    }) : () -> ()
    "tpu.region"() ({
      %run_scoped3A_110 = tpu.sem_alloc : memref<!tpu.dma_semaphore, #tpu.memory_space<semaphore_mem>>
      %dma_start3A_111 = arith.constant 0 : i32
      %dma_start3A_112 = tpu.memref_slice %arg4[%add3A_31, %dma_start3A_111] : memref<2560x128xi32, #tpu.memory_space<hbm>> -> memref<80x128xi32, #tpu.memory_space<hbm>>
      %dma_start3A_113 = arith.constant 0 : i32
      %dma_start3A_114 = tpu.memref_slice %arg4[%add3A_31, %dma_start3A_113] : memref<2560x128xi32, #tpu.memory_space<hbm>> -> memref<80x128xi32, #tpu.memory_space<hbm>>
      tpu.enqueue_dma source(%dma_start3A_114 : memref<80x128xi32, #tpu.memory_space<hbm>>) target(%arg9 : memref<80x128xi32, #tpu.memory_space<vmem>>) target_semaphore(%run_scoped3A_110 : memref<!tpu.dma_semaphore, #tpu.memory_space<semaphore_mem>>)
      %dma_wait3A_115 = arith.constant 0 : i32
      %dma_wait3A_116 = tpu.memref_slice %arg4[%add3A_31, %dma_wait3A_115] : memref<2560x128xi32, #tpu.memory_space<hbm>> -> memref<80x128xi32, #tpu.memory_space<hbm>>
      %dma_wait3A_117 = arith.constant 0 : i32
      %dma_wait3A_118 = tpu.memref_slice %arg4[%add3A_31, %dma_wait3A_117] : memref<2560x128xi32, #tpu.memory_space<hbm>> -> memref<80x128xi32, #tpu.memory_space<hbm>>
      tpu.wait_dma2 semaphore(%run_scoped3A_110 : memref<!tpu.dma_semaphore, #tpu.memory_space<semaphore_mem>>) src(%dma_wait3A_118 : memref<80x128xi32, #tpu.memory_space<hbm>>) dst(%arg9 : memref<80x128xi32, #tpu.memory_space<vmem>>)
      tpu.yield
    }) : () -> ()
    %dma_start3A = arith.constant 0 : i32
    %dma_start3A_32 = arith.constant 0 : i32
    %dma_start3A_33 = tpu.memref_slice %arg8[%dma_start3A, %dma_start3A_32] : memref<80x128xi32, #tpu.memory_space<vmem>> -> memref<1x128xi32, #tpu.memory_space<vmem>>
    %dma_start3A_34 = tpu.memref_squeeze %dma_start3A_33 : memref<1x128xi32, #tpu.memory_space<vmem>> -> memref<128xi32, #tpu.memory_space<vmem>>
    %dma_start3A_35 = arith.constant 0 : i32
    %dma_start3A_36 = arith.constant 0 : i32
    %dma_start3A_37 = tpu.memref_slice %arg6[%dma_start3A_35, %dma_start3A_36] : memref<10112x64xf32, #tpu.memory_space<vmem_shared>> -> memref<10112x64xf32, #tpu.memory_space<vmem_shared>>
    tpu.enqueue_indirect_dma source(%dma_start3A_37 : memref<10112x64xf32, #tpu.memory_space<vmem_shared>>) target(%arg10 : memref<128x64xf32, #tpu.memory_space<vmem>>) offsets(%dma_start3A_34 : memref<128xi32, #tpu.memory_space<vmem>>) semaphore(%arg12 : memref<!tpu.dma_semaphore, #tpu.memory_space<semaphore_mem>>)
    %dma_start3A_38 = arith.constant 1 : i32
    %dma_start3A_39 = arith.constant 0 : i32
    %dma_start3A_40 = tpu.memref_slice %arg8[%dma_start3A_38, %dma_start3A_39] : memref<80x128xi32, #tpu.memory_space<vmem>> -> memref<1x128xi32, #tpu.memory_space<vmem>>
    %dma_start3A_41 = tpu.memref_squeeze %dma_start3A_40 : memref<1x128xi32, #tpu.memory_space<vmem>> -> memref<128xi32, #tpu.memory_space<vmem>>
    %dma_start3A_42 = arith.constant 0 : i32
    %dma_start3A_43 = arith.constant 0 : i32
    %dma_start3A_44 = tpu.memref_slice %arg6[%dma_start3A_42, %dma_start3A_43] : memref<10112x64xf32, #tpu.memory_space<vmem_shared>> -> memref<10112x64xf32, #tpu.memory_space<vmem_shared>>
    tpu.enqueue_indirect_dma source(%dma_start3A_44 : memref<10112x64xf32, #tpu.memory_space<vmem_shared>>) target(%arg11 : memref<128x64xf32, #tpu.memory_space<vmem>>) offsets(%dma_start3A_41 : memref<128xi32, #tpu.memory_space<vmem>>) semaphore(%arg13 : memref<!tpu.dma_semaphore, #tpu.memory_space<semaphore_mem>>)
    %scan3A_45 = arith.constant 0 : i32
    %scan3A_46 = arith.constant 0 : i32
    %scan3A_47 = arith.constant 39 : i32
    %scan3A_48 = arith.addi %scan3A_46, %scan3A_47 : i32
    %scan3A_49 = arith.constant 1 : i32
    scf.for %scan3A_110 = %scan3A_46 to %scan3A_48 step %scan3A_49  : i32 {
      %mul3A_111 = arith.constant 2 : i32
      %mul3A_112 = arith.muli %mul3A_111, %scan3A_110 : i32
      %dma_wait3A_113 = arith.constant 0 : i32
      %dma_wait3A_114 = tpu.memref_slice %arg8[%mul3A_112, %dma_wait3A_113] : memref<80x128xi32, #tpu.memory_space<vmem>> -> memref<1x128xi32, #tpu.memory_space<vmem>>
      %dma_wait3A_115 = tpu.memref_squeeze %dma_wait3A_114 : memref<1x128xi32, #tpu.memory_space<vmem>> -> memref<128xi32, #tpu.memory_space<vmem>>
      %dma_wait3A_116 = arith.constant 0 : i32
      %dma_wait3A_117 = arith.constant 0 : i32
      %dma_wait3A_118 = tpu.memref_slice %arg6[%dma_wait3A_116, %dma_wait3A_117] : memref<10112x64xf32, #tpu.memory_space<vmem_shared>> -> memref<10112x64xf32, #tpu.memory_space<vmem_shared>>
      tpu.wait_indirect_dma semaphore(%arg12 : memref<!tpu.dma_semaphore, #tpu.memory_space<semaphore_mem>>) src(%dma_wait3A_118 : memref<10112x64xf32, #tpu.memory_space<vmem_shared>>) dst(%arg10 : memref<128x64xf32, #tpu.memory_space<vmem>>)
      "tpu.region"() ({
        %run_scoped3A_145 = tpu.sem_alloc : memref<!tpu.dma_semaphore, #tpu.memory_space<semaphore_mem>>
        %dma_start3A_146 = arith.constant 0 : i32
        %dma_start3A_147 = tpu.memref_slice %arg9[%mul3A_112, %dma_start3A_146] : memref<80x128xi32, #tpu.memory_space<vmem>> -> memref<1x128xi32, #tpu.memory_space<vmem>>
        %dma_start3A_148 = tpu.memref_squeeze %dma_start3A_147 : memref<1x128xi32, #tpu.memory_space<vmem>> -> memref<128xi32, #tpu.memory_space<vmem>>
        %dma_start3A_149 = arith.constant 0 : i32
        %dma_start3A_150 = arith.constant 0 : i32
        %dma_start3A_151 = tpu.memref_slice %arg7[%dma_start3A_149, %dma_start3A_150] : memref<10112x64xf32, #tpu.memory_space<vmem_shared>> -> memref<10112x64xf32, #tpu.memory_space<vmem_shared>>
        tpu.enqueue_indirect_dma source(%arg10 : memref<128x64xf32, #tpu.memory_space<vmem>>) target(%dma_start3A_151 : memref<10112x64xf32, #tpu.memory_space<vmem_shared>>) offsets(%dma_start3A_148 : memref<128xi32, #tpu.memory_space<vmem>>) semaphore(%run_scoped3A_145 : memref<!tpu.dma_semaphore, #tpu.memory_space<semaphore_mem>>) {add = true}
        %dma_wait3A_152 = arith.constant 0 : i32
        %dma_wait3A_153 = tpu.memref_slice %arg9[%mul3A_112, %dma_wait3A_152] : memref<80x128xi32, #tpu.memory_space<vmem>> -> memref<1x128xi32, #tpu.memory_space<vmem>>
        %dma_wait3A_154 = tpu.memref_squeeze %dma_wait3A_153 : memref<1x128xi32, #tpu.memory_space<vmem>> -> memref<128xi32, #tpu.memory_space<vmem>>
        %dma_wait3A_155 = arith.constant 0 : i32
        %dma_wait3A_156 = arith.constant 0 : i32
        %dma_wait3A_157 = tpu.memref_slice %arg7[%dma_wait3A_155, %dma_wait3A_156] : memref<10112x64xf32, #tpu.memory_space<vmem_shared>> -> memref<10112x64xf32, #tpu.memory_space<vmem_shared>>
        tpu.wait_indirect_dma semaphore(%run_scoped3A_145 : memref<!tpu.dma_semaphore, #tpu.memory_space<semaphore_mem>>) src(%arg10 : memref<128x64xf32, #tpu.memory_space<vmem>>) dst(%dma_wait3A_157 : memref<10112x64xf32, #tpu.memory_space<vmem_shared>>)
        tpu.yield
      }) : () -> ()
      %add3A_119 = arith.constant 2 : i32
      %add3A_120 = arith.addi %mul3A_112, %add3A_119 : i32
      %dma_start3A_121 = arith.constant 0 : i32
      %dma_start3A_122 = tpu.memref_slice %arg8[%add3A_120, %dma_start3A_121] : memref<80x128xi32, #tpu.memory_space<vmem>> -> memref<1x128xi32, #tpu.memory_space<vmem>>
      %dma_start3A_123 = tpu.memref_squeeze %dma_start3A_122 : memref<1x128xi32, #tpu.memory_space<vmem>> -> memref<128xi32, #tpu.memory_space<vmem>>
      %dma_start3A_124 = arith.constant 0 : i32
      %dma_start3A_125 = arith.constant 0 : i32
      %dma_start3A_126 = tpu.memref_slice %arg6[%dma_start3A_124, %dma_start3A_125] : memref<10112x64xf32, #tpu.memory_space<vmem_shared>> -> memref<10112x64xf32, #tpu.memory_space<vmem_shared>>
      tpu.enqueue_indirect_dma source(%dma_start3A_126 : memref<10112x64xf32, #tpu.memory_space<vmem_shared>>) target(%arg10 : memref<128x64xf32, #tpu.memory_space<vmem>>) offsets(%dma_start3A_123 : memref<128xi32, #tpu.memory_space<vmem>>) semaphore(%arg12 : memref<!tpu.dma_semaphore, #tpu.memory_space<semaphore_mem>>)
      %add3A_127 = arith.constant 1 : i32
      %add3A_128 = arith.addi %mul3A_112, %add3A_127 : i32
      %dma_wait3A_129 = arith.constant 0 : i32
      %dma_wait3A_130 = tpu.memref_slice %arg8[%add3A_128, %dma_wait3A_129] : memref<80x128xi32, #tpu.memory_space<vmem>> -> memref<1x128xi32, #tpu.memory_space<vmem>>
      %dma_wait3A_131 = tpu.memref_squeeze %dma_wait3A_130 : memref<1x128xi32, #tpu.memory_space<vmem>> -> memref<128xi32, #tpu.memory_space<vmem>>
      %dma_wait3A_132 = arith.constant 0 : i32
      %dma_wait3A_133 = arith.constant 0 : i32
      %dma_wait3A_134 = tpu.memref_slice %arg6[%dma_wait3A_132, %dma_wait3A_133] : memref<10112x64xf32, #tpu.memory_space<vmem_shared>> -> memref<10112x64xf32, #tpu.memory_space<vmem_shared>>
      tpu.wait_indirect_dma semaphore(%arg13 : memref<!tpu.dma_semaphore, #tpu.memory_space<semaphore_mem>>) src(%dma_wait3A_134 : memref<10112x64xf32, #tpu.memory_space<vmem_shared>>) dst(%arg11 : memref<128x64xf32, #tpu.memory_space<vmem>>)
      %add3A_135 = arith.constant 1 : i32
      %add3A_136 = arith.addi %mul3A_112, %add3A_135 : i32
      "tpu.region"() ({
        %run_scoped3A_145 = tpu.sem_alloc : memref<!tpu.dma_semaphore, #tpu.memory_space<semaphore_mem>>
        %dma_start3A_146 = arith.constant 0 : i32
        %dma_start3A_147 = tpu.memref_slice %arg9[%add3A_136, %dma_start3A_146] : memref<80x128xi32, #tpu.memory_space<vmem>> -> memref<1x128xi32, #tpu.memory_space<vmem>>
        %dma_start3A_148 = tpu.memref_squeeze %dma_start3A_147 : memref<1x128xi32, #tpu.memory_space<vmem>> -> memref<128xi32, #tpu.memory_space<vmem>>
        %dma_start3A_149 = arith.constant 0 : i32
        %dma_start3A_150 = arith.constant 0 : i32
        %dma_start3A_151 = tpu.memref_slice %arg7[%dma_start3A_149, %dma_start3A_150] : memref<10112x64xf32, #tpu.memory_space<vmem_shared>> -> memref<10112x64xf32, #tpu.memory_space<vmem_shared>>
        tpu.enqueue_indirect_dma source(%arg11 : memref<128x64xf32, #tpu.memory_space<vmem>>) target(%dma_start3A_151 : memref<10112x64xf32, #tpu.memory_space<vmem_shared>>) offsets(%dma_start3A_148 : memref<128xi32, #tpu.memory_space<vmem>>) semaphore(%run_scoped3A_145 : memref<!tpu.dma_semaphore, #tpu.memory_space<semaphore_mem>>) {add = true}
        %dma_wait3A_152 = arith.constant 0 : i32
        %dma_wait3A_153 = tpu.memref_slice %arg9[%add3A_136, %dma_wait3A_152] : memref<80x128xi32, #tpu.memory_space<vmem>> -> memref<1x128xi32, #tpu.memory_space<vmem>>
        %dma_wait3A_154 = tpu.memref_squeeze %dma_wait3A_153 : memref<1x128xi32, #tpu.memory_space<vmem>> -> memref<128xi32, #tpu.memory_space<vmem>>
        %dma_wait3A_155 = arith.constant 0 : i32
        %dma_wait3A_156 = arith.constant 0 : i32
        %dma_wait3A_157 = tpu.memref_slice %arg7[%dma_wait3A_155, %dma_wait3A_156] : memref<10112x64xf32, #tpu.memory_space<vmem_shared>> -> memref<10112x64xf32, #tpu.memory_space<vmem_shared>>
        tpu.wait_indirect_dma semaphore(%run_scoped3A_145 : memref<!tpu.dma_semaphore, #tpu.memory_space<semaphore_mem>>) src(%arg11 : memref<128x64xf32, #tpu.memory_space<vmem>>) dst(%dma_wait3A_157 : memref<10112x64xf32, #tpu.memory_space<vmem_shared>>)
        tpu.yield
      }) : () -> ()
      %add3A_137 = arith.constant 3 : i32
      %add3A_138 = arith.addi %mul3A_112, %add3A_137 : i32
      %dma_start3A_139 = arith.constant 0 : i32
      %dma_start3A_140 = tpu.memref_slice %arg8[%add3A_138, %dma_start3A_139] : memref<80x128xi32, #tpu.memory_space<vmem>> -> memref<1x128xi32, #tpu.memory_space<vmem>>
      %dma_start3A_141 = tpu.memref_squeeze %dma_start3A_140 : memref<1x128xi32, #tpu.memory_space<vmem>> -> memref<128xi32, #tpu.memory_space<vmem>>
      %dma_start3A_142 = arith.constant 0 : i32
      %dma_start3A_143 = arith.constant 0 : i32
      %dma_start3A_144 = tpu.memref_slice %arg6[%dma_start3A_142, %dma_start3A_143] : memref<10112x64xf32, #tpu.memory_space<vmem_shared>> -> memref<10112x64xf32, #tpu.memory_space<vmem_shared>>
      tpu.enqueue_indirect_dma source(%dma_start3A_144 : memref<10112x64xf32, #tpu.memory_space<vmem_shared>>) target(%arg11 : memref<128x64xf32, #tpu.memory_space<vmem>>) offsets(%dma_start3A_141 : memref<128xi32, #tpu.memory_space<vmem>>) semaphore(%arg13 : memref<!tpu.dma_semaphore, #tpu.memory_space<semaphore_mem>>)
    }
    %scan3A_50 = arith.constant 39 : i32
    %dma_wait3A = arith.constant 78 : i32
    %dma_wait3A_51 = arith.constant 0 : i32
    %dma_wait3A_52 = tpu.memref_slice %arg8[%dma_wait3A, %dma_wait3A_51] : memref<80x128xi32, #tpu.memory_space<vmem>> -> memref<1x128xi32, #tpu.memory_space<vmem>>
    %dma_wait3A_53 = tpu.memref_squeeze %dma_wait3A_52 : memref<1x128xi32, #tpu.memory_space<vmem>> -> memref<128xi32, #tpu.memory_space<vmem>>
    %dma_wait3A_54 = arith.constant 0 : i32
    %dma_wait3A_55 = arith.constant 0 : i32
    %dma_wait3A_56 = tpu.memref_slice %arg6[%dma_wait3A_54, %dma_wait3A_55] : memref<10112x64xf32, #tpu.memory_space<vmem_shared>> -> memref<10112x64xf32, #tpu.memory_space<vmem_shared>>
    tpu.wait_indirect_dma semaphore(%arg12 : memref<!tpu.dma_semaphore, #tpu.memory_space<semaphore_mem>>) src(%dma_wait3A_56 : memref<10112x64xf32, #tpu.memory_space<vmem_shared>>) dst(%arg10 : memref<128x64xf32, #tpu.memory_space<vmem>>)
    %run_scoped3A = arith.constant 78 : i32
    "tpu.region"() ({
      %run_scoped3A_110 = tpu.sem_alloc : memref<!tpu.dma_semaphore, #tpu.memory_space<semaphore_mem>>
      %dma_start3A_111 = arith.constant 0 : i32
      %dma_start3A_112 = tpu.memref_slice %arg9[%run_scoped3A, %dma_start3A_111] : memref<80x128xi32, #tpu.memory_space<vmem>> -> memref<1x128xi32, #tpu.memory_space<vmem>>
      %dma_start3A_113 = tpu.memref_squeeze %dma_start3A_112 : memref<1x128xi32, #tpu.memory_space<vmem>> -> memref<128xi32, #tpu.memory_space<vmem>>
      %dma_start3A_114 = arith.constant 0 : i32
      %dma_start3A_115 = arith.constant 0 : i32
      %dma_start3A_116 = tpu.memref_slice %arg7[%dma_start3A_114, %dma_start3A_115] : memref<10112x64xf32, #tpu.memory_space<vmem_shared>> -> memref<10112x64xf32, #tpu.memory_space<vmem_shared>>
      tpu.enqueue_indirect_dma source(%arg10 : memref<128x64xf32, #tpu.memory_space<vmem>>) target(%dma_start3A_116 : memref<10112x64xf32, #tpu.memory_space<vmem_shared>>) offsets(%dma_start3A_113 : memref<128xi32, #tpu.memory_space<vmem>>) semaphore(%run_scoped3A_110 : memref<!tpu.dma_semaphore, #tpu.memory_space<semaphore_mem>>) {add = true}
      %dma_wait3A_117 = arith.constant 0 : i32
      %dma_wait3A_118 = tpu.memref_slice %arg9[%run_scoped3A, %dma_wait3A_117] : memref<80x128xi32, #tpu.memory_space<vmem>> -> memref<1x128xi32, #tpu.memory_space<vmem>>
      %dma_wait3A_119 = tpu.memref_squeeze %dma_wait3A_118 : memref<1x128xi32, #tpu.memory_space<vmem>> -> memref<128xi32, #tpu.memory_space<vmem>>
      %dma_wait3A_120 = arith.constant 0 : i32
      %dma_wait3A_121 = arith.constant 0 : i32
      %dma_wait3A_122 = tpu.memref_slice %arg7[%dma_wait3A_120, %dma_wait3A_121] : memref<10112x64xf32, #tpu.memory_space<vmem_shared>> -> memref<10112x64xf32, #tpu.memory_space<vmem_shared>>
      tpu.wait_indirect_dma semaphore(%run_scoped3A_110 : memref<!tpu.dma_semaphore, #tpu.memory_space<semaphore_mem>>) src(%arg10 : memref<128x64xf32, #tpu.memory_space<vmem>>) dst(%dma_wait3A_122 : memref<10112x64xf32, #tpu.memory_space<vmem_shared>>)
      tpu.yield
    }) : () -> ()
    %dma_wait3A_57 = arith.constant 79 : i32
    %dma_wait3A_58 = arith.constant 0 : i32
    %dma_wait3A_59 = tpu.memref_slice %arg8[%dma_wait3A_57, %dma_wait3A_58] : memref<80x128xi32, #tpu.memory_space<vmem>> -> memref<1x128xi32, #tpu.memory_space<vmem>>
    %dma_wait3A_60 = tpu.memref_squeeze %dma_wait3A_59 : memref<1x128xi32, #tpu.memory_space<vmem>> -> memref<128xi32, #tpu.memory_space<vmem>>
    %dma_wait3A_61 = arith.constant 0 : i32
    %dma_wait3A_62 = arith.constant 0 : i32
    %dma_wait3A_63 = tpu.memref_slice %arg6[%dma_wait3A_61, %dma_wait3A_62] : memref<10112x64xf32, #tpu.memory_space<vmem_shared>> -> memref<10112x64xf32, #tpu.memory_space<vmem_shared>>
    tpu.wait_indirect_dma semaphore(%arg13 : memref<!tpu.dma_semaphore, #tpu.memory_space<semaphore_mem>>) src(%dma_wait3A_63 : memref<10112x64xf32, #tpu.memory_space<vmem_shared>>) dst(%arg11 : memref<128x64xf32, #tpu.memory_space<vmem>>)
    %run_scoped3A_64 = arith.constant 79 : i32
    "tpu.region"() ({
      %run_scoped3A_110 = tpu.sem_alloc : memref<!tpu.dma_semaphore, #tpu.memory_space<semaphore_mem>>
      %dma_start3A_111 = arith.constant 0 : i32
      %dma_start3A_112 = tpu.memref_slice %arg9[%run_scoped3A_64, %dma_start3A_111] : memref<80x128xi32, #tpu.memory_space<vmem>> -> memref<1x128xi32, #tpu.memory_space<vmem>>
      %dma_start3A_113 = tpu.memref_squeeze %dma_start3A_112 : memref<1x128xi32, #tpu.memory_space<vmem>> -> memref<128xi32, #tpu.memory_space<vmem>>
      %dma_start3A_114 = arith.constant 0 : i32
      %dma_start3A_115 = arith.constant 0 : i32
      %dma_start3A_116 = tpu.memref_slice %arg7[%dma_start3A_114, %dma_start3A_115] : memref<10112x64xf32, #tpu.memory_space<vmem_shared>> -> memref<10112x64xf32, #tpu.memory_space<vmem_shared>>
      tpu.enqueue_indirect_dma source(%arg11 : memref<128x64xf32, #tpu.memory_space<vmem>>) target(%dma_start3A_116 : memref<10112x64xf32, #tpu.memory_space<vmem_shared>>) offsets(%dma_start3A_113 : memref<128xi32, #tpu.memory_space<vmem>>) semaphore(%run_scoped3A_110 : memref<!tpu.dma_semaphore, #tpu.memory_space<semaphore_mem>>) {add = true}
      %dma_wait3A_117 = arith.constant 0 : i32
      %dma_wait3A_118 = tpu.memref_slice %arg9[%run_scoped3A_64, %dma_wait3A_117] : memref<80x128xi32, #tpu.memory_space<vmem>> -> memref<1x128xi32, #tpu.memory_space<vmem>>
      %dma_wait3A_119 = tpu.memref_squeeze %dma_wait3A_118 : memref<1x128xi32, #tpu.memory_space<vmem>> -> memref<128xi32, #tpu.memory_space<vmem>>
      %dma_wait3A_120 = arith.constant 0 : i32
      %dma_wait3A_121 = arith.constant 0 : i32
      %dma_wait3A_122 = tpu.memref_slice %arg7[%dma_wait3A_120, %dma_wait3A_121] : memref<10112x64xf32, #tpu.memory_space<vmem_shared>> -> memref<10112x64xf32, #tpu.memory_space<vmem_shared>>
      tpu.wait_indirect_dma semaphore(%run_scoped3A_110 : memref<!tpu.dma_semaphore, #tpu.memory_space<semaphore_mem>>) src(%arg11 : memref<128x64xf32, #tpu.memory_space<vmem>>) dst(%dma_wait3A_122 : memref<10112x64xf32, #tpu.memory_space<vmem_shared>>)
      tpu.yield
    }) : () -> ()
    %mul3A_65 = arith.constant 160 : i32
    %mul3A_66 = arith.muli %arg1, %mul3A_65 : i32
    %add3A_67 = arith.constant 80 : i32
    %add3A_68 = arith.addi %mul3A_66, %add3A_67 : i32
    "tpu.region"() ({
      %run_scoped3A_110 = tpu.sem_alloc : memref<!tpu.dma_semaphore, #tpu.memory_space<semaphore_mem>>
      %dma_start3A_111 = arith.constant 0 : i32
      %dma_start3A_112 = tpu.memref_slice %arg3[%add3A_68, %dma_start3A_111] : memref<2560x128xi32, #tpu.memory_space<hbm>> -> memref<80x128xi32, #tpu.memory_space<hbm>>
      %dma_start3A_113 = arith.constant 0 : i32
      %dma_start3A_114 = tpu.memref_slice %arg3[%add3A_68, %dma_start3A_113] : memref<2560x128xi32, #tpu.memory_space<hbm>> -> memref<80x128xi32, #tpu.memory_space<hbm>>
      tpu.enqueue_dma source(%dma_start3A_114 : memref<80x128xi32, #tpu.memory_space<hbm>>) target(%arg8 : memref<80x128xi32, #tpu.memory_space<vmem>>) target_semaphore(%run_scoped3A_110 : memref<!tpu.dma_semaphore, #tpu.memory_space<semaphore_mem>>)
      %dma_wait3A_115 = arith.constant 0 : i32
      %dma_wait3A_116 = tpu.memref_slice %arg3[%add3A_68, %dma_wait3A_115] : memref<2560x128xi32, #tpu.memory_space<hbm>> -> memref<80x128xi32, #tpu.memory_space<hbm>>
      %dma_wait3A_117 = arith.constant 0 : i32
      %dma_wait3A_118 = tpu.memref_slice %arg3[%add3A_68, %dma_wait3A_117] : memref<2560x128xi32, #tpu.memory_space<hbm>> -> memref<80x128xi32, #tpu.memory_space<hbm>>
      tpu.wait_dma2 semaphore(%run_scoped3A_110 : memref<!tpu.dma_semaphore, #tpu.memory_space<semaphore_mem>>) src(%dma_wait3A_118 : memref<80x128xi32, #tpu.memory_space<hbm>>) dst(%arg8 : memref<80x128xi32, #tpu.memory_space<vmem>>)
      tpu.yield
    }) : () -> ()
    "tpu.region"() ({
      %run_scoped3A_110 = tpu.sem_alloc : memref<!tpu.dma_semaphore, #tpu.memory_space<semaphore_mem>>
      %dma_start3A_111 = arith.constant 0 : i32
      %dma_start3A_112 = tpu.memref_slice %arg4[%add3A_68, %dma_start3A_111] : memref<2560x128xi32, #tpu.memory_space<hbm>> -> memref<80x128xi32, #tpu.memory_space<hbm>>
      %dma_start3A_113 = arith.constant 0 : i32
      %dma_start3A_114 = tpu.memref_slice %arg4[%add3A_68, %dma_start3A_113] : memref<2560x128xi32, #tpu.memory_space<hbm>> -> memref<80x128xi32, #tpu.memory_space<hbm>>
      tpu.enqueue_dma source(%dma_start3A_114 : memref<80x128xi32, #tpu.memory_space<hbm>>) target(%arg9 : memref<80x128xi32, #tpu.memory_space<vmem>>) target_semaphore(%run_scoped3A_110 : memref<!tpu.dma_semaphore, #tpu.memory_space<semaphore_mem>>)
      %dma_wait3A_115 = arith.constant 0 : i32
      %dma_wait3A_116 = tpu.memref_slice %arg4[%add3A_68, %dma_wait3A_115] : memref<2560x128xi32, #tpu.memory_space<hbm>> -> memref<80x128xi32, #tpu.memory_space<hbm>>
      %dma_wait3A_117 = arith.constant 0 : i32
      %dma_wait3A_118 = tpu.memref_slice %arg4[%add3A_68, %dma_wait3A_117] : memref<2560x128xi32, #tpu.memory_space<hbm>> -> memref<80x128xi32, #tpu.memory_space<hbm>>
      tpu.wait_dma2 semaphore(%run_scoped3A_110 : memref<!tpu.dma_semaphore, #tpu.memory_space<semaphore_mem>>) src(%dma_wait3A_118 : memref<80x128xi32, #tpu.memory_space<hbm>>) dst(%arg9 : memref<80x128xi32, #tpu.memory_space<vmem>>)
      tpu.yield
    }) : () -> ()
    %dma_start3A_69 = arith.constant 0 : i32
    %dma_start3A_70 = arith.constant 0 : i32
    %dma_start3A_71 = tpu.memref_slice %arg8[%dma_start3A_69, %dma_start3A_70] : memref<80x128xi32, #tpu.memory_space<vmem>> -> memref<1x128xi32, #tpu.memory_space<vmem>>
    %dma_start3A_72 = tpu.memref_squeeze %dma_start3A_71 : memref<1x128xi32, #tpu.memory_space<vmem>> -> memref<128xi32, #tpu.memory_space<vmem>>
    %dma_start3A_73 = arith.constant 0 : i32
    %dma_start3A_74 = arith.constant 0 : i32
    %dma_start3A_75 = tpu.memref_slice %arg6[%dma_start3A_73, %dma_start3A_74] : memref<10112x64xf32, #tpu.memory_space<vmem_shared>> -> memref<10112x64xf32, #tpu.memory_space<vmem_shared>>
    tpu.enqueue_indirect_dma source(%dma_start3A_75 : memref<10112x64xf32, #tpu.memory_space<vmem_shared>>) target(%arg10 : memref<128x64xf32, #tpu.memory_space<vmem>>) offsets(%dma_start3A_72 : memref<128xi32, #tpu.memory_space<vmem>>) semaphore(%arg12 : memref<!tpu.dma_semaphore, #tpu.memory_space<semaphore_mem>>)
    %dma_start3A_76 = arith.constant 1 : i32
    %dma_start3A_77 = arith.constant 0 : i32
    %dma_start3A_78 = tpu.memref_slice %arg8[%dma_start3A_76, %dma_start3A_77] : memref<80x128xi32, #tpu.memory_space<vmem>> -> memref<1x128xi32, #tpu.memory_space<vmem>>
    %dma_start3A_79 = tpu.memref_squeeze %dma_start3A_78 : memref<1x128xi32, #tpu.memory_space<vmem>> -> memref<128xi32, #tpu.memory_space<vmem>>
    %dma_start3A_80 = arith.constant 0 : i32
    %dma_start3A_81 = arith.constant 0 : i32
    %dma_start3A_82 = tpu.memref_slice %arg6[%dma_start3A_80, %dma_start3A_81] : memref<10112x64xf32, #tpu.memory_space<vmem_shared>> -> memref<10112x64xf32, #tpu.memory_space<vmem_shared>>
    tpu.enqueue_indirect_dma source(%dma_start3A_82 : memref<10112x64xf32, #tpu.memory_space<vmem_shared>>) target(%arg11 : memref<128x64xf32, #tpu.memory_space<vmem>>) offsets(%dma_start3A_79 : memref<128xi32, #tpu.memory_space<vmem>>) semaphore(%arg13 : memref<!tpu.dma_semaphore, #tpu.memory_space<semaphore_mem>>)
    %scan3A_83 = arith.constant 0 : i32
    %scan3A_84 = arith.constant 0 : i32
    %scan3A_85 = arith.constant 39 : i32
    %scan3A_86 = arith.addi %scan3A_84, %scan3A_85 : i32
    %scan3A_87 = arith.constant 1 : i32
    scf.for %scan3A_110 = %scan3A_84 to %scan3A_86 step %scan3A_87  : i32 {
      %mul3A_111 = arith.constant 2 : i32
      %mul3A_112 = arith.muli %mul3A_111, %scan3A_110 : i32
      %dma_wait3A_113 = arith.constant 0 : i32
      %dma_wait3A_114 = tpu.memref_slice %arg8[%mul3A_112, %dma_wait3A_113] : memref<80x128xi32, #tpu.memory_space<vmem>> -> memref<1x128xi32, #tpu.memory_space<vmem>>
      %dma_wait3A_115 = tpu.memref_squeeze %dma_wait3A_114 : memref<1x128xi32, #tpu.memory_space<vmem>> -> memref<128xi32, #tpu.memory_space<vmem>>
      %dma_wait3A_116 = arith.constant 0 : i32
      %dma_wait3A_117 = arith.constant 0 : i32
      %dma_wait3A_118 = tpu.memref_slice %arg6[%dma_wait3A_116, %dma_wait3A_117] : memref<10112x64xf32, #tpu.memory_space<vmem_shared>> -> memref<10112x64xf32, #tpu.memory_space<vmem_shared>>
      tpu.wait_indirect_dma semaphore(%arg12 : memref<!tpu.dma_semaphore, #tpu.memory_space<semaphore_mem>>) src(%dma_wait3A_118 : memref<10112x64xf32, #tpu.memory_space<vmem_shared>>) dst(%arg10 : memref<128x64xf32, #tpu.memory_space<vmem>>)
      "tpu.region"() ({
        %run_scoped3A_145 = tpu.sem_alloc : memref<!tpu.dma_semaphore, #tpu.memory_space<semaphore_mem>>
        %dma_start3A_146 = arith.constant 0 : i32
        %dma_start3A_147 = tpu.memref_slice %arg9[%mul3A_112, %dma_start3A_146] : memref<80x128xi32, #tpu.memory_space<vmem>> -> memref<1x128xi32, #tpu.memory_space<vmem>>
        %dma_start3A_148 = tpu.memref_squeeze %dma_start3A_147 : memref<1x128xi32, #tpu.memory_space<vmem>> -> memref<128xi32, #tpu.memory_space<vmem>>
        %dma_start3A_149 = arith.constant 0 : i32
        %dma_start3A_150 = arith.constant 0 : i32
        %dma_start3A_151 = tpu.memref_slice %arg7[%dma_start3A_149, %dma_start3A_150] : memref<10112x64xf32, #tpu.memory_space<vmem_shared>> -> memref<10112x64xf32, #tpu.memory_space<vmem_shared>>
        tpu.enqueue_indirect_dma source(%arg10 : memref<128x64xf32, #tpu.memory_space<vmem>>) target(%dma_start3A_151 : memref<10112x64xf32, #tpu.memory_space<vmem_shared>>) offsets(%dma_start3A_148 : memref<128xi32, #tpu.memory_space<vmem>>) semaphore(%run_scoped3A_145 : memref<!tpu.dma_semaphore, #tpu.memory_space<semaphore_mem>>) {add = true}
        %dma_wait3A_152 = arith.constant 0 : i32
        %dma_wait3A_153 = tpu.memref_slice %arg9[%mul3A_112, %dma_wait3A_152] : memref<80x128xi32, #tpu.memory_space<vmem>> -> memref<1x128xi32, #tpu.memory_space<vmem>>
        %dma_wait3A_154 = tpu.memref_squeeze %dma_wait3A_153 : memref<1x128xi32, #tpu.memory_space<vmem>> -> memref<128xi32, #tpu.memory_space<vmem>>
        %dma_wait3A_155 = arith.constant 0 : i32
        %dma_wait3A_156 = arith.constant 0 : i32
        %dma_wait3A_157 = tpu.memref_slice %arg7[%dma_wait3A_155, %dma_wait3A_156] : memref<10112x64xf32, #tpu.memory_space<vmem_shared>> -> memref<10112x64xf32, #tpu.memory_space<vmem_shared>>
        tpu.wait_indirect_dma semaphore(%run_scoped3A_145 : memref<!tpu.dma_semaphore, #tpu.memory_space<semaphore_mem>>) src(%arg10 : memref<128x64xf32, #tpu.memory_space<vmem>>) dst(%dma_wait3A_157 : memref<10112x64xf32, #tpu.memory_space<vmem_shared>>)
        tpu.yield
      }) : () -> ()
      %add3A_119 = arith.constant 2 : i32
      %add3A_120 = arith.addi %mul3A_112, %add3A_119 : i32
      %dma_start3A_121 = arith.constant 0 : i32
      %dma_start3A_122 = tpu.memref_slice %arg8[%add3A_120, %dma_start3A_121] : memref<80x128xi32, #tpu.memory_space<vmem>> -> memref<1x128xi32, #tpu.memory_space<vmem>>
      %dma_start3A_123 = tpu.memref_squeeze %dma_start3A_122 : memref<1x128xi32, #tpu.memory_space<vmem>> -> memref<128xi32, #tpu.memory_space<vmem>>
      %dma_start3A_124 = arith.constant 0 : i32
      %dma_start3A_125 = arith.constant 0 : i32
      %dma_start3A_126 = tpu.memref_slice %arg6[%dma_start3A_124, %dma_start3A_125] : memref<10112x64xf32, #tpu.memory_space<vmem_shared>> -> memref<10112x64xf32, #tpu.memory_space<vmem_shared>>
      tpu.enqueue_indirect_dma source(%dma_start3A_126 : memref<10112x64xf32, #tpu.memory_space<vmem_shared>>) target(%arg10 : memref<128x64xf32, #tpu.memory_space<vmem>>) offsets(%dma_start3A_123 : memref<128xi32, #tpu.memory_space<vmem>>) semaphore(%arg12 : memref<!tpu.dma_semaphore, #tpu.memory_space<semaphore_mem>>)
      %add3A_127 = arith.constant 1 : i32
      %add3A_128 = arith.addi %mul3A_112, %add3A_127 : i32
      %dma_wait3A_129 = arith.constant 0 : i32
      %dma_wait3A_130 = tpu.memref_slice %arg8[%add3A_128, %dma_wait3A_129] : memref<80x128xi32, #tpu.memory_space<vmem>> -> memref<1x128xi32, #tpu.memory_space<vmem>>
      %dma_wait3A_131 = tpu.memref_squeeze %dma_wait3A_130 : memref<1x128xi32, #tpu.memory_space<vmem>> -> memref<128xi32, #tpu.memory_space<vmem>>
      %dma_wait3A_132 = arith.constant 0 : i32
      %dma_wait3A_133 = arith.constant 0 : i32
      %dma_wait3A_134 = tpu.memref_slice %arg6[%dma_wait3A_132, %dma_wait3A_133] : memref<10112x64xf32, #tpu.memory_space<vmem_shared>> -> memref<10112x64xf32, #tpu.memory_space<vmem_shared>>
      tpu.wait_indirect_dma semaphore(%arg13 : memref<!tpu.dma_semaphore, #tpu.memory_space<semaphore_mem>>) src(%dma_wait3A_134 : memref<10112x64xf32, #tpu.memory_space<vmem_shared>>) dst(%arg11 : memref<128x64xf32, #tpu.memory_space<vmem>>)
      %add3A_135 = arith.constant 1 : i32
      %add3A_136 = arith.addi %mul3A_112, %add3A_135 : i32
      "tpu.region"() ({
        %run_scoped3A_145 = tpu.sem_alloc : memref<!tpu.dma_semaphore, #tpu.memory_space<semaphore_mem>>
        %dma_start3A_146 = arith.constant 0 : i32
        %dma_start3A_147 = tpu.memref_slice %arg9[%add3A_136, %dma_start3A_146] : memref<80x128xi32, #tpu.memory_space<vmem>> -> memref<1x128xi32, #tpu.memory_space<vmem>>
        %dma_start3A_148 = tpu.memref_squeeze %dma_start3A_147 : memref<1x128xi32, #tpu.memory_space<vmem>> -> memref<128xi32, #tpu.memory_space<vmem>>
        %dma_start3A_149 = arith.constant 0 : i32
        %dma_start3A_150 = arith.constant 0 : i32
        %dma_start3A_151 = tpu.memref_slice %arg7[%dma_start3A_149, %dma_start3A_150] : memref<10112x64xf32, #tpu.memory_space<vmem_shared>> -> memref<10112x64xf32, #tpu.memory_space<vmem_shared>>
        tpu.enqueue_indirect_dma source(%arg11 : memref<128x64xf32, #tpu.memory_space<vmem>>) target(%dma_start3A_151 : memref<10112x64xf32, #tpu.memory_space<vmem_shared>>) offsets(%dma_start3A_148 : memref<128xi32, #tpu.memory_space<vmem>>) semaphore(%run_scoped3A_145 : memref<!tpu.dma_semaphore, #tpu.memory_space<semaphore_mem>>) {add = true}
        %dma_wait3A_152 = arith.constant 0 : i32
        %dma_wait3A_153 = tpu.memref_slice %arg9[%add3A_136, %dma_wait3A_152] : memref<80x128xi32, #tpu.memory_space<vmem>> -> memref<1x128xi32, #tpu.memory_space<vmem>>
        %dma_wait3A_154 = tpu.memref_squeeze %dma_wait3A_153 : memref<1x128xi32, #tpu.memory_space<vmem>> -> memref<128xi32, #tpu.memory_space<vmem>>
        %dma_wait3A_155 = arith.constant 0 : i32
        %dma_wait3A_156 = arith.constant 0 : i32
        %dma_wait3A_157 = tpu.memref_slice %arg7[%dma_wait3A_155, %dma_wait3A_156] : memref<10112x64xf32, #tpu.memory_space<vmem_shared>> -> memref<10112x64xf32, #tpu.memory_space<vmem_shared>>
        tpu.wait_indirect_dma semaphore(%run_scoped3A_145 : memref<!tpu.dma_semaphore, #tpu.memory_space<semaphore_mem>>) src(%arg11 : memref<128x64xf32, #tpu.memory_space<vmem>>) dst(%dma_wait3A_157 : memref<10112x64xf32, #tpu.memory_space<vmem_shared>>)
        tpu.yield
      }) : () -> ()
      %add3A_137 = arith.constant 3 : i32
      %add3A_138 = arith.addi %mul3A_112, %add3A_137 : i32
      %dma_start3A_139 = arith.constant 0 : i32
      %dma_start3A_140 = tpu.memref_slice %arg8[%add3A_138, %dma_start3A_139] : memref<80x128xi32, #tpu.memory_space<vmem>> -> memref<1x128xi32, #tpu.memory_space<vmem>>
      %dma_start3A_141 = tpu.memref_squeeze %dma_start3A_140 : memref<1x128xi32, #tpu.memory_space<vmem>> -> memref<128xi32, #tpu.memory_space<vmem>>
      %dma_start3A_142 = arith.constant 0 : i32
      %dma_start3A_143 = arith.constant 0 : i32
      %dma_start3A_144 = tpu.memref_slice %arg6[%dma_start3A_142, %dma_start3A_143] : memref<10112x64xf32, #tpu.memory_space<vmem_shared>> -> memref<10112x64xf32, #tpu.memory_space<vmem_shared>>
      tpu.enqueue_indirect_dma source(%dma_start3A_144 : memref<10112x64xf32, #tpu.memory_space<vmem_shared>>) target(%arg11 : memref<128x64xf32, #tpu.memory_space<vmem>>) offsets(%dma_start3A_141 : memref<128xi32, #tpu.memory_space<vmem>>) semaphore(%arg13 : memref<!tpu.dma_semaphore, #tpu.memory_space<semaphore_mem>>)
    }
    %scan3A_88 = arith.constant 39 : i32
    %dma_wait3A_89 = arith.constant 78 : i32
    %dma_wait3A_90 = arith.constant 0 : i32
    %dma_wait3A_91 = tpu.memref_slice %arg8[%dma_wait3A_89, %dma_wait3A_90] : memref<80x128xi32, #tpu.memory_space<vmem>> -> memref<1x128xi32, #tpu.memory_space<vmem>>
    %dma_wait3A_92 = tpu.memref_squeeze %dma_wait3A_91 : memref<1x128xi32, #tpu.memory_space<vmem>> -> memref<128xi32, #tpu.memory_space<vmem>>
    %dma_wait3A_93 = arith.constant 0 : i32
    %dma_wait3A_94 = arith.constant 0 : i32
    %dma_wait3A_95 = tpu.memref_slice %arg6[%dma_wait3A_93, %dma_wait3A_94] : memref<10112x64xf32, #tpu.memory_space<vmem_shared>> -> memref<10112x64xf32, #tpu.memory_space<vmem_shared>>
    tpu.wait_indirect_dma semaphore(%arg12 : memref<!tpu.dma_semaphore, #tpu.memory_space<semaphore_mem>>) src(%dma_wait3A_95 : memref<10112x64xf32, #tpu.memory_space<vmem_shared>>) dst(%arg10 : memref<128x64xf32, #tpu.memory_space<vmem>>)
    %run_scoped3A_96 = arith.constant 78 : i32
    "tpu.region"() ({
      %run_scoped3A_110 = tpu.sem_alloc : memref<!tpu.dma_semaphore, #tpu.memory_space<semaphore_mem>>
      %dma_start3A_111 = arith.constant 0 : i32
      %dma_start3A_112 = tpu.memref_slice %arg9[%run_scoped3A_96, %dma_start3A_111] : memref<80x128xi32, #tpu.memory_space<vmem>> -> memref<1x128xi32, #tpu.memory_space<vmem>>
      %dma_start3A_113 = tpu.memref_squeeze %dma_start3A_112 : memref<1x128xi32, #tpu.memory_space<vmem>> -> memref<128xi32, #tpu.memory_space<vmem>>
      %dma_start3A_114 = arith.constant 0 : i32
      %dma_start3A_115 = arith.constant 0 : i32
      %dma_start3A_116 = tpu.memref_slice %arg7[%dma_start3A_114, %dma_start3A_115] : memref<10112x64xf32, #tpu.memory_space<vmem_shared>> -> memref<10112x64xf32, #tpu.memory_space<vmem_shared>>
      tpu.enqueue_indirect_dma source(%arg10 : memref<128x64xf32, #tpu.memory_space<vmem>>) target(%dma_start3A_116 : memref<10112x64xf32, #tpu.memory_space<vmem_shared>>) offsets(%dma_start3A_113 : memref<128xi32, #tpu.memory_space<vmem>>) semaphore(%run_scoped3A_110 : memref<!tpu.dma_semaphore, #tpu.memory_space<semaphore_mem>>) {add = true}
      %dma_wait3A_117 = arith.constant 0 : i32
      %dma_wait3A_118 = tpu.memref_slice %arg9[%run_scoped3A_96, %dma_wait3A_117] : memref<80x128xi32, #tpu.memory_space<vmem>> -> memref<1x128xi32, #tpu.memory_space<vmem>>
      %dma_wait3A_119 = tpu.memref_squeeze %dma_wait3A_118 : memref<1x128xi32, #tpu.memory_space<vmem>> -> memref<128xi32, #tpu.memory_space<vmem>>
      %dma_wait3A_120 = arith.constant 0 : i32
      %dma_wait3A_121 = arith.constant 0 : i32
      %dma_wait3A_122 = tpu.memref_slice %arg7[%dma_wait3A_120, %dma_wait3A_121] : memref<10112x64xf32, #tpu.memory_space<vmem_shared>> -> memref<10112x64xf32, #tpu.memory_space<vmem_shared>>
      tpu.wait_indirect_dma semaphore(%run_scoped3A_110 : memref<!tpu.dma_semaphore, #tpu.memory_space<semaphore_mem>>) src(%arg10 : memref<128x64xf32, #tpu.memory_space<vmem>>) dst(%dma_wait3A_122 : memref<10112x64xf32, #tpu.memory_space<vmem_shared>>)
      tpu.yield
    }) : () -> ()
    %dma_wait3A_97 = arith.constant 79 : i32
    %dma_wait3A_98 = arith.constant 0 : i32
    %dma_wait3A_99 = tpu.memref_slice %arg8[%dma_wait3A_97, %dma_wait3A_98] : memref<80x128xi32, #tpu.memory_space<vmem>> -> memref<1x128xi32, #tpu.memory_space<vmem>>
    %dma_wait3A_100 = tpu.memref_squeeze %dma_wait3A_99 : memref<1x128xi32, #tpu.memory_space<vmem>> -> memref<128xi32, #tpu.memory_space<vmem>>
    %dma_wait3A_101 = arith.constant 0 : i32
    %dma_wait3A_102 = arith.constant 0 : i32
    %dma_wait3A_103 = tpu.memref_slice %arg6[%dma_wait3A_101, %dma_wait3A_102] : memref<10112x64xf32, #tpu.memory_space<vmem_shared>> -> memref<10112x64xf32, #tpu.memory_space<vmem_shared>>
    tpu.wait_indirect_dma semaphore(%arg13 : memref<!tpu.dma_semaphore, #tpu.memory_space<semaphore_mem>>) src(%dma_wait3A_103 : memref<10112x64xf32, #tpu.memory_space<vmem_shared>>) dst(%arg11 : memref<128x64xf32, #tpu.memory_space<vmem>>)
    %run_scoped3A_104 = arith.constant 79 : i32
    "tpu.region"() ({
      %run_scoped3A_110 = tpu.sem_alloc : memref<!tpu.dma_semaphore, #tpu.memory_space<semaphore_mem>>
      %dma_start3A_111 = arith.constant 0 : i32
      %dma_start3A_112 = tpu.memref_slice %arg9[%run_scoped3A_104, %dma_start3A_111] : memref<80x128xi32, #tpu.memory_space<vmem>> -> memref<1x128xi32, #tpu.memory_space<vmem>>
      %dma_start3A_113 = tpu.memref_squeeze %dma_start3A_112 : memref<1x128xi32, #tpu.memory_space<vmem>> -> memref<128xi32, #tpu.memory_space<vmem>>
      %dma_start3A_114 = arith.constant 0 : i32
      %dma_start3A_115 = arith.constant 0 : i32
      %dma_start3A_116 = tpu.memref_slice %arg7[%dma_start3A_114, %dma_start3A_115] : memref<10112x64xf32, #tpu.memory_space<vmem_shared>> -> memref<10112x64xf32, #tpu.memory_space<vmem_shared>>
      tpu.enqueue_indirect_dma source(%arg11 : memref<128x64xf32, #tpu.memory_space<vmem>>) target(%dma_start3A_116 : memref<10112x64xf32, #tpu.memory_space<vmem_shared>>) offsets(%dma_start3A_113 : memref<128xi32, #tpu.memory_space<vmem>>) semaphore(%run_scoped3A_110 : memref<!tpu.dma_semaphore, #tpu.memory_space<semaphore_mem>>) {add = true}
      %dma_wait3A_117 = arith.constant 0 : i32
      %dma_wait3A_118 = tpu.memref_slice %arg9[%run_scoped3A_104, %dma_wait3A_117] : memref<80x128xi32, #tpu.memory_space<vmem>> -> memref<1x128xi32, #tpu.memory_space<vmem>>
      %dma_wait3A_119 = tpu.memref_squeeze %dma_wait3A_118 : memref<1x128xi32, #tpu.memory_space<vmem>> -> memref<128xi32, #tpu.memory_space<vmem>>
      %dma_wait3A_120 = arith.constant 0 : i32
      %dma_wait3A_121 = arith.constant 0 : i32
      %dma_wait3A_122 = tpu.memref_slice %arg7[%dma_wait3A_120, %dma_wait3A_121] : memref<10112x64xf32, #tpu.memory_space<vmem_shared>> -> memref<10112x64xf32, #tpu.memory_space<vmem_shared>>
      tpu.wait_indirect_dma semaphore(%run_scoped3A_110 : memref<!tpu.dma_semaphore, #tpu.memory_space<semaphore_mem>>) src(%arg11 : memref<128x64xf32, #tpu.memory_space<vmem>>) dst(%dma_wait3A_122 : memref<10112x64xf32, #tpu.memory_space<vmem_shared>>)
      tpu.yield
    }) : () -> ()
    %barrier3A_105 = arith.constant 0 : index
    tpu.barrier barrier_id(%barrier3A_105)
    %mul3A_106 = arith.constant 632 : i32
    %mul3A_107 = arith.muli %arg1, %mul3A_106 : i32
    %mul3A_108 = arith.constant 632 : i32
    %mul3A_109 = arith.muli %arg1, %mul3A_108 : i32
    "tpu.region"() ({
      %run_scoped3A_110 = tpu.sem_alloc : memref<!tpu.dma_semaphore, #tpu.memory_space<semaphore_mem>>
      %dma_start3A_111 = arith.constant 0 : i32
      %dma_start3A_112 = tpu.memref_slice %arg5[%arg0, %mul3A_109, %dma_start3A_111] : memref<2x10112x64xf32, #tpu.memory_space<hbm>> -> memref<1x632x64xf32, #tpu.memory_space<hbm>>
      %dma_start3A_113 = tpu.memref_squeeze %dma_start3A_112 : memref<1x632x64xf32, #tpu.memory_space<hbm>> -> memref<632x64xf32, #tpu.memory_space<hbm>>
      %dma_start3A_114 = arith.constant 0 : i32
      %dma_start3A_115 = tpu.memref_slice %arg7[%mul3A_107, %dma_start3A_114] : memref<10112x64xf32, #tpu.memory_space<vmem_shared>> -> memref<632x64xf32, #tpu.memory_space<vmem_shared>>
      tpu.enqueue_dma source(%dma_start3A_115 : memref<632x64xf32, #tpu.memory_space<vmem_shared>>) target(%dma_start3A_113 : memref<632x64xf32, #tpu.memory_space<hbm>>) target_semaphore(%run_scoped3A_110 : memref<!tpu.dma_semaphore, #tpu.memory_space<semaphore_mem>>)
      %dma_wait3A_116 = arith.constant 0 : i32
      %dma_wait3A_117 = tpu.memref_slice %arg5[%arg0, %mul3A_109, %dma_wait3A_116] : memref<2x10112x64xf32, #tpu.memory_space<hbm>> -> memref<1x632x64xf32, #tpu.memory_space<hbm>>
      %dma_wait3A_118 = tpu.memref_squeeze %dma_wait3A_117 : memref<1x632x64xf32, #tpu.memory_space<hbm>> -> memref<632x64xf32, #tpu.memory_space<hbm>>
      %dma_wait3A_119 = arith.constant 0 : i32
      %dma_wait3A_120 = tpu.memref_slice %arg7[%mul3A_107, %dma_wait3A_119] : memref<10112x64xf32, #tpu.memory_space<vmem_shared>> -> memref<632x64xf32, #tpu.memory_space<vmem_shared>>
      tpu.wait_dma2 semaphore(%run_scoped3A_110 : memref<!tpu.dma_semaphore, #tpu.memory_space<semaphore_mem>>) src(%dma_wait3A_120 : memref<632x64xf32, #tpu.memory_space<vmem_shared>>) dst(%dma_wait3A_118 : memref<632x64xf32, #tpu.memory_space<hbm>>)
      tpu.yield
    }) : () -> ()
    return
  }
}

#map = affine_map<(d0, d1) -> (0, 0, 0)>
#map1 = affine_map<(d0, d1) -> (0, 0)>
module attributes {stable_mosaic.version = 14 : i64} {
  func.func @_agg_body(%arg0: i32, %arg1: i32, %arg2: memref<2x10112x64xf32, #tpu.memory_space<hbm>>, %arg3: memref<2560x128xi32, #tpu.memory_space<hbm>>, %arg4: memref<2560x128xi32, #tpu.memory_space<hbm>>, %arg5: memref<2x10112x64xf32, #tpu.memory_space<hbm>>, %arg6: memref<10112x64xf32, #tpu.memory_space<vmem_shared>>, %arg7: memref<10112x64xf32, #tpu.memory_space<vmem_shared>>, %arg8: memref<80x128xi32, #tpu.memory_space<vmem>>, %arg9: memref<80x128xi32, #tpu.memory_space<vmem>>, %arg10: memref<128x64xf32, #tpu.memory_space<vmem>>, %arg11: memref<128x64xf32, #tpu.memory_space<vmem>>, %arg12: memref<!tpu.dma_semaphore, #tpu.memory_space<semaphore_mem>>, %arg13: memref<!tpu.dma_semaphore, #tpu.memory_space<semaphore_mem>>) attributes {dimension_semantics = [#tpu.dimension_semantics<core_parallel>, #tpu.dimension_semantics<subcore_parallel>], iteration_bounds = array<i64: 2, 16>, scalar_prefetch = 0 : i64, scratch_operands = 8 : i64, tpu.core_type = #tpu.core_type<sc_vector_subcore>, window_params = [{transform_indices = #map}, {transform_indices = #map1}, {transform_indices = #map1}, {transform_indices = #map}]} {
    %mul3A = arith.constant 632 : i32
    %mul3A_0 = arith.muli %arg1, %mul3A : i32
    %mul3A_1 = arith.constant 632 : i32
    %mul3A_2 = arith.muli %arg1, %mul3A_1 : i32
    "tpu.region"() ({
      %run_scoped3A_110 = tpu.sem_alloc : memref<!tpu.dma_semaphore, #tpu.memory_space<semaphore_mem>>
      %dma_start3A_111 = arith.constant 0 : i32
      %dma_start3A_112 = tpu.memref_slice %arg6[%mul3A_2, %dma_start3A_111] : memref<10112x64xf32, #tpu.memory_space<vmem_shared>> -> memref<632x64xf32, #tpu.memory_space<vmem_shared>>
      %dma_start3A_113 = arith.constant 0 : i32
      %dma_start3A_114 = tpu.memref_slice %arg2[%arg0, %mul3A_0, %dma_start3A_113] : memref<2x10112x64xf32, #tpu.memory_space<hbm>> -> memref<1x632x64xf32, #tpu.memory_space<hbm>>
      %dma_start3A_115 = tpu.memref_squeeze %dma_start3A_114 : memref<1x632x64xf32, #tpu.memory_space<hbm>> -> memref<632x64xf32, #tpu.memory_space<hbm>>
      tpu.enqueue_dma source(%dma_start3A_115 : memref<632x64xf32, #tpu.memory_space<hbm>>) target(%dma_start3A_112 : memref<632x64xf32, #tpu.memory_space<vmem_shared>>) target_semaphore(%run_scoped3A_110 : memref<!tpu.dma_semaphore, #tpu.memory_space<semaphore_mem>>)
      %dma_wait3A_116 = arith.constant 0 : i32
      %dma_wait3A_117 = tpu.memref_slice %arg6[%mul3A_2, %dma_wait3A_116] : memref<10112x64xf32, #tpu.memory_space<vmem_shared>> -> memref<632x64xf32, #tpu.memory_space<vmem_shared>>
      %dma_wait3A_118 = arith.constant 0 : i32
      %dma_wait3A_119 = tpu.memref_slice %arg2[%arg0, %mul3A_0, %dma_wait3A_118] : memref<2x10112x64xf32, #tpu.memory_space<hbm>> -> memref<1x632x64xf32, #tpu.memory_space<hbm>>
      %dma_wait3A_120 = tpu.memref_squeeze %dma_wait3A_119 : memref<1x632x64xf32, #tpu.memory_space<hbm>> -> memref<632x64xf32, #tpu.memory_space<hbm>>
      tpu.wait_dma2 semaphore(%run_scoped3A_110 : memref<!tpu.dma_semaphore, #tpu.memory_space<semaphore_mem>>) src(%dma_wait3A_120 : memref<632x64xf32, #tpu.memory_space<hbm>>) dst(%dma_wait3A_117 : memref<632x64xf32, #tpu.memory_space<vmem_shared>>)
      tpu.yield
    }) : () -> ()
    %broadcast_in_dim3A = arith.constant 0.000000e+00 : f32
    %broadcast_in_dim3A_3 = vector.broadcast %broadcast_in_dim3A : f32 to vector<16xf32>
    %scan3A = arith.constant 0 : i32
    %scan3A_4 = arith.constant 0 : i32
    %scan3A_5 = arith.constant 128 : i32
    %scan3A_6 = arith.addi %scan3A_4, %scan3A_5 : i32
    %scan3A_7 = arith.constant 1 : i32
    scf.for %scan3A_110 = %scan3A_4 to %scan3A_6 step %scan3A_7  : i32 {
      %swap3A = arith.index_cast %scan3A_110 : i32 to index
      %swap3A_111 = arith.constant 0 : index
      %swap3A_112 = tpu.vector_load %arg10[%swap3A, %swap3A_111] {strides = array<i32>} : memref<128x64xf32, #tpu.memory_space<vmem>>, vector<1x16xf32>,
      %swap3A_113 = vector.shape_cast %swap3A_112 : vector<1x16xf32> to vector<16xf32>
      %swap3A_114 = vector.shape_cast %broadcast_in_dim3A_3 : vector<16xf32> to vector<1x16xf32>
      tpu.vector_store %arg10[%swap3A, %swap3A_111], %swap3A_114 {strides = array<i32>} : memref<128x64xf32, #tpu.memory_space<vmem>>, vector<1x16xf32>,
      %swap3A_115 = arith.index_cast %scan3A_110 : i32 to index
      %swap3A_116 = arith.constant 16 : index
      %swap3A_117 = tpu.vector_load %arg10[%swap3A_115, %swap3A_116] {strides = array<i32>} : memref<128x64xf32, #tpu.memory_space<vmem>>, vector<1x16xf32>,
      %swap3A_118 = vector.shape_cast %swap3A_117 : vector<1x16xf32> to vector<16xf32>
      %swap3A_119 = vector.shape_cast %broadcast_in_dim3A_3 : vector<16xf32> to vector<1x16xf32>
      tpu.vector_store %arg10[%swap3A_115, %swap3A_116], %swap3A_119 {strides = array<i32>} : memref<128x64xf32, #tpu.memory_space<vmem>>, vector<1x16xf32>,
      %swap3A_120 = arith.index_cast %scan3A_110 : i32 to index
      %swap3A_121 = arith.constant 32 : index
      %swap3A_122 = tpu.vector_load %arg10[%swap3A_120, %swap3A_121] {strides = array<i32>} : memref<128x64xf32, #tpu.memory_space<vmem>>, vector<1x16xf32>,
      %swap3A_123 = vector.shape_cast %swap3A_122 : vector<1x16xf32> to vector<16xf32>
      %swap3A_124 = vector.shape_cast %broadcast_in_dim3A_3 : vector<16xf32> to vector<1x16xf32>
      tpu.vector_store %arg10[%swap3A_120, %swap3A_121], %swap3A_124 {strides = array<i32>} : memref<128x64xf32, #tpu.memory_space<vmem>>, vector<1x16xf32>,
      %swap3A_125 = arith.index_cast %scan3A_110 : i32 to index
      %swap3A_126 = arith.constant 48 : index
      %swap3A_127 = tpu.vector_load %arg10[%swap3A_125, %swap3A_126] {strides = array<i32>} : memref<128x64xf32, #tpu.memory_space<vmem>>, vector<1x16xf32>,
      %swap3A_128 = vector.shape_cast %swap3A_127 : vector<1x16xf32> to vector<16xf32>
      %swap3A_129 = vector.shape_cast %broadcast_in_dim3A_3 : vector<16xf32> to vector<1x16xf32>
      tpu.vector_store %arg10[%swap3A_125, %swap3A_126], %swap3A_129 {strides = array<i32>} : memref<128x64xf32, #tpu.memory_space<vmem>>, vector<1x16xf32>,
    }
    %scan3A_8 = arith.constant 128 : i32
    %mul3A_9 = arith.constant 632 : i32
    %mul3A_10 = arith.muli %arg1, %mul3A_9 : i32
    %add3A = arith.constant 0 : i32
    %add3A_11 = arith.addi %mul3A_10, %add3A : i32
    "tpu.region"() ({
      %run_scoped3A_110 = tpu.sem_alloc : memref<!tpu.dma_semaphore, #tpu.memory_space<semaphore_mem>>
      %dma_start3A_111 = arith.constant 0 : i32
      %dma_start3A_112 = tpu.memref_slice %arg7[%add3A_11, %dma_start3A_111] : memref<10112x64xf32, #tpu.memory_space<vmem_shared>> -> memref<128x64xf32, #tpu.memory_space<vmem_shared>>
      %dma_start3A_113 = arith.constant 0 : i32
      %dma_start3A_114 = tpu.memref_slice %arg7[%add3A_11, %dma_start3A_113] : memref<10112x64xf32, #tpu.memory_space<vmem_shared>> -> memref<128x64xf32, #tpu.memory_space<vmem_shared>>
      tpu.enqueue_dma source(%arg10 : memref<128x64xf32, #tpu.memory_space<vmem>>) target(%dma_start3A_114 : memref<128x64xf32, #tpu.memory_space<vmem_shared>>) target_semaphore(%run_scoped3A_110 : memref<!tpu.dma_semaphore, #tpu.memory_space<semaphore_mem>>)
      %dma_wait3A_115 = arith.constant 0 : i32
      %dma_wait3A_116 = tpu.memref_slice %arg7[%add3A_11, %dma_wait3A_115] : memref<10112x64xf32, #tpu.memory_space<vmem_shared>> -> memref<128x64xf32, #tpu.memory_space<vmem_shared>>
      %dma_wait3A_117 = arith.constant 0 : i32
      %dma_wait3A_118 = tpu.memref_slice %arg7[%add3A_11, %dma_wait3A_117] : memref<10112x64xf32, #tpu.memory_space<vmem_shared>> -> memref<128x64xf32, #tpu.memory_space<vmem_shared>>
      tpu.wait_dma2 semaphore(%run_scoped3A_110 : memref<!tpu.dma_semaphore, #tpu.memory_space<semaphore_mem>>) src(%arg10 : memref<128x64xf32, #tpu.memory_space<vmem>>) dst(%dma_wait3A_118 : memref<128x64xf32, #tpu.memory_space<vmem_shared>>)
      tpu.yield
    }) : () -> ()
    %mul3A_12 = arith.constant 632 : i32
    %mul3A_13 = arith.muli %arg1, %mul3A_12 : i32
    %add3A_14 = arith.constant 128 : i32
    %add3A_15 = arith.addi %mul3A_13, %add3A_14 : i32
    "tpu.region"() ({
      %run_scoped3A_110 = tpu.sem_alloc : memref<!tpu.dma_semaphore, #tpu.memory_space<semaphore_mem>>
      %dma_start3A_111 = arith.constant 0 : i32
      %dma_start3A_112 = tpu.memref_slice %arg7[%add3A_15, %dma_start3A_111] : memref<10112x64xf32, #tpu.memory_space<vmem_shared>> -> memref<128x64xf32, #tpu.memory_space<vmem_shared>>
      %dma_start3A_113 = arith.constant 0 : i32
      %dma_start3A_114 = tpu.memref_slice %arg7[%add3A_15, %dma_start3A_113] : memref<10112x64xf32, #tpu.memory_space<vmem_shared>> -> memref<128x64xf32, #tpu.memory_space<vmem_shared>>
      tpu.enqueue_dma source(%arg10 : memref<128x64xf32, #tpu.memory_space<vmem>>) target(%dma_start3A_114 : memref<128x64xf32, #tpu.memory_space<vmem_shared>>) target_semaphore(%run_scoped3A_110 : memref<!tpu.dma_semaphore, #tpu.memory_space<semaphore_mem>>)
      %dma_wait3A_115 = arith.constant 0 : i32
      %dma_wait3A_116 = tpu.memref_slice %arg7[%add3A_15, %dma_wait3A_115] : memref<10112x64xf32, #tpu.memory_space<vmem_shared>> -> memref<128x64xf32, #tpu.memory_space<vmem_shared>>
      %dma_wait3A_117 = arith.constant 0 : i32
      %dma_wait3A_118 = tpu.memref_slice %arg7[%add3A_15, %dma_wait3A_117] : memref<10112x64xf32, #tpu.memory_space<vmem_shared>> -> memref<128x64xf32, #tpu.memory_space<vmem_shared>>
      tpu.wait_dma2 semaphore(%run_scoped3A_110 : memref<!tpu.dma_semaphore, #tpu.memory_space<semaphore_mem>>) src(%arg10 : memref<128x64xf32, #tpu.memory_space<vmem>>) dst(%dma_wait3A_118 : memref<128x64xf32, #tpu.memory_space<vmem_shared>>)
      tpu.yield
    }) : () -> ()
    %mul3A_16 = arith.constant 632 : i32
    %mul3A_17 = arith.muli %arg1, %mul3A_16 : i32
    %add3A_18 = arith.constant 256 : i32
    %add3A_19 = arith.addi %mul3A_17, %add3A_18 : i32
    "tpu.region"() ({
      %run_scoped3A_110 = tpu.sem_alloc : memref<!tpu.dma_semaphore, #tpu.memory_space<semaphore_mem>>
      %dma_start3A_111 = arith.constant 0 : i32
      %dma_start3A_112 = tpu.memref_slice %arg7[%add3A_19, %dma_start3A_111] : memref<10112x64xf32, #tpu.memory_space<vmem_shared>> -> memref<128x64xf32, #tpu.memory_space<vmem_shared>>
      %dma_start3A_113 = arith.constant 0 : i32
      %dma_start3A_114 = tpu.memref_slice %arg7[%add3A_19, %dma_start3A_113] : memref<10112x64xf32, #tpu.memory_space<vmem_shared>> -> memref<128x64xf32, #tpu.memory_space<vmem_shared>>
      tpu.enqueue_dma source(%arg10 : memref<128x64xf32, #tpu.memory_space<vmem>>) target(%dma_start3A_114 : memref<128x64xf32, #tpu.memory_space<vmem_shared>>) target_semaphore(%run_scoped3A_110 : memref<!tpu.dma_semaphore, #tpu.memory_space<semaphore_mem>>)
      %dma_wait3A_115 = arith.constant 0 : i32
      %dma_wait3A_116 = tpu.memref_slice %arg7[%add3A_19, %dma_wait3A_115] : memref<10112x64xf32, #tpu.memory_space<vmem_shared>> -> memref<128x64xf32, #tpu.memory_space<vmem_shared>>
      %dma_wait3A_117 = arith.constant 0 : i32
      %dma_wait3A_118 = tpu.memref_slice %arg7[%add3A_19, %dma_wait3A_117] : memref<10112x64xf32, #tpu.memory_space<vmem_shared>> -> memref<128x64xf32, #tpu.memory_space<vmem_shared>>
      tpu.wait_dma2 semaphore(%run_scoped3A_110 : memref<!tpu.dma_semaphore, #tpu.memory_space<semaphore_mem>>) src(%arg10 : memref<128x64xf32, #tpu.memory_space<vmem>>) dst(%dma_wait3A_118 : memref<128x64xf32, #tpu.memory_space<vmem_shared>>)
      tpu.yield
    }) : () -> ()
    %mul3A_20 = arith.constant 632 : i32
    %mul3A_21 = arith.muli %arg1, %mul3A_20 : i32
    %add3A_22 = arith.constant 384 : i32
    %add3A_23 = arith.addi %mul3A_21, %add3A_22 : i32
    "tpu.region"() ({
      %run_scoped3A_110 = tpu.sem_alloc : memref<!tpu.dma_semaphore, #tpu.memory_space<semaphore_mem>>
      %dma_start3A_111 = arith.constant 0 : i32
      %dma_start3A_112 = tpu.memref_slice %arg7[%add3A_23, %dma_start3A_111] : memref<10112x64xf32, #tpu.memory_space<vmem_shared>> -> memref<128x64xf32, #tpu.memory_space<vmem_shared>>
      %dma_start3A_113 = arith.constant 0 : i32
      %dma_start3A_114 = tpu.memref_slice %arg7[%add3A_23, %dma_start3A_113] : memref<10112x64xf32, #tpu.memory_space<vmem_shared>> -> memref<128x64xf32, #tpu.memory_space<vmem_shared>>
      tpu.enqueue_dma source(%arg10 : memref<128x64xf32, #tpu.memory_space<vmem>>) target(%dma_start3A_114 : memref<128x64xf32, #tpu.memory_space<vmem_shared>>) target_semaphore(%run_scoped3A_110 : memref<!tpu.dma_semaphore, #tpu.memory_space<semaphore_mem>>)
      %dma_wait3A_115 = arith.constant 0 : i32
      %dma_wait3A_116 = tpu.memref_slice %arg7[%add3A_23, %dma_wait3A_115] : memref<10112x64xf32, #tpu.memory_space<vmem_shared>> -> memref<128x64xf32, #tpu.memory_space<vmem_shared>>
      %dma_wait3A_117 = arith.constant 0 : i32
      %dma_wait3A_118 = tpu.memref_slice %arg7[%add3A_23, %dma_wait3A_117] : memref<10112x64xf32, #tpu.memory_space<vmem_shared>> -> memref<128x64xf32, #tpu.memory_space<vmem_shared>>
      tpu.wait_dma2 semaphore(%run_scoped3A_110 : memref<!tpu.dma_semaphore, #tpu.memory_space<semaphore_mem>>) src(%arg10 : memref<128x64xf32, #tpu.memory_space<vmem>>) dst(%dma_wait3A_118 : memref<128x64xf32, #tpu.memory_space<vmem_shared>>)
      tpu.yield
    }) : () -> ()
    %mul3A_24 = arith.constant 632 : i32
    %mul3A_25 = arith.muli %arg1, %mul3A_24 : i32
    %add3A_26 = arith.constant 512 : i32
    %add3A_27 = arith.addi %mul3A_25, %add3A_26 : i32
    "tpu.region"() ({
      %run_scoped3A_110 = tpu.sem_alloc : memref<!tpu.dma_semaphore, #tpu.memory_space<semaphore_mem>>
      %dma_start3A_111 = arith.constant 0 : i32
      %dma_start3A_112 = arith.constant 0 : i32
      %dma_start3A_113 = tpu.memref_slice %arg10[%dma_start3A_111, %dma_start3A_112] : memref<128x64xf32, #tpu.memory_space<vmem>> -> memref<120x64xf32, #tpu.memory_space<vmem>>
      %dma_start3A_114 = arith.constant 0 : i32
      %dma_start3A_115 = tpu.memref_slice %arg7[%add3A_27, %dma_start3A_114] : memref<10112x64xf32, #tpu.memory_space<vmem_shared>> -> memref<120x64xf32, #tpu.memory_space<vmem_shared>>
      %dma_start3A_116 = arith.constant 0 : i32
      %dma_start3A_117 = tpu.memref_slice %arg7[%add3A_27, %dma_start3A_116] : memref<10112x64xf32, #tpu.memory_space<vmem_shared>> -> memref<120x64xf32, #tpu.memory_space<vmem_shared>>
      %dma_start3A_118 = arith.constant 0 : i32
      %dma_start3A_119 = arith.constant 0 : i32
      %dma_start3A_120 = tpu.memref_slice %arg10[%dma_start3A_118, %dma_start3A_119] : memref<128x64xf32, #tpu.memory_space<vmem>> -> memref<120x64xf32, #tpu.memory_space<vmem>>
      tpu.enqueue_dma source(%dma_start3A_120 : memref<120x64xf32, #tpu.memory_space<vmem>>) target(%dma_start3A_117 : memref<120x64xf32, #tpu.memory_space<vmem_shared>>) target_semaphore(%run_scoped3A_110 : memref<!tpu.dma_semaphore, #tpu.memory_space<semaphore_mem>>)
      %dma_wait3A_121 = arith.constant 0 : i32
      %dma_wait3A_122 = arith.constant 0 : i32
      %dma_wait3A_123 = tpu.memref_slice %arg10[%dma_wait3A_121, %dma_wait3A_122] : memref<128x64xf32, #tpu.memory_space<vmem>> -> memref<120x64xf32, #tpu.memory_space<vmem>>
      %dma_wait3A_124 = arith.constant 0 : i32
      %dma_wait3A_125 = tpu.memref_slice %arg7[%add3A_27, %dma_wait3A_124] : memref<10112x64xf32, #tpu.memory_space<vmem_shared>> -> memref<120x64xf32, #tpu.memory_space<vmem_shared>>
      %dma_wait3A_126 = arith.constant 0 : i32
      %dma_wait3A_127 = tpu.memref_slice %arg7[%add3A_27, %dma_wait3A_126] : memref<10112x64xf32, #tpu.memory_space<vmem_shared>> -> memref<120x64xf32, #tpu.memory_space<vmem_shared>>
      %dma_wait3A_128 = arith.constant 0 : i32
      %dma_wait3A_129 = arith.constant 0 : i32
      %dma_wait3A_130 = tpu.memref_slice %arg10[%dma_wait3A_128, %dma_wait3A_129] : memref<128x64xf32, #tpu.memory_space<vmem>> -> memref<120x64xf32, #tpu.memory_space<vmem>>
      tpu.wait_dma2 semaphore(%run_scoped3A_110 : memref<!tpu.dma_semaphore, #tpu.memory_space<semaphore_mem>>) src(%dma_wait3A_130 : memref<120x64xf32, #tpu.memory_space<vmem>>) dst(%dma_wait3A_127 : memref<120x64xf32, #tpu.memory_space<vmem_shared>>)
      tpu.yield
    }) : () -> ()
    %barrier3A = arith.constant 0 : index
    tpu.barrier barrier_id(%barrier3A)
    %mul3A_28 = arith.constant 160 : i32
    %mul3A_29 = arith.muli %arg1, %mul3A_28 : i32
    %add3A_30 = arith.constant 0 : i32
    %add3A_31 = arith.addi %mul3A_29, %add3A_30 : i32
    "tpu.region"() ({
      %run_scoped3A_110 = tpu.sem_alloc : memref<!tpu.dma_semaphore, #tpu.memory_space<semaphore_mem>>
      %dma_start3A_111 = arith.constant 0 : i32
      %dma_start3A_112 = tpu.memref_slice %arg3[%add3A_31, %dma_start3A_111] : memref<2560x128xi32, #tpu.memory_space<hbm>> -> memref<80x128xi32, #tpu.memory_space<hbm>>
      %dma_start3A_113 = arith.constant 0 : i32
      %dma_start3A_114 = tpu.memref_slice %arg3[%add3A_31, %dma_start3A_113] : memref<2560x128xi32, #tpu.memory_space<hbm>> -> memref<80x128xi32, #tpu.memory_space<hbm>>
      tpu.enqueue_dma source(%dma_start3A_114 : memref<80x128xi32, #tpu.memory_space<hbm>>) target(%arg8 : memref<80x128xi32, #tpu.memory_space<vmem>>) target_semaphore(%run_scoped3A_110 : memref<!tpu.dma_semaphore, #tpu.memory_space<semaphore_mem>>)
      %dma_wait3A_115 = arith.constant 0 : i32
      %dma_wait3A_116 = tpu.memref_slice %arg3[%add3A_31, %dma_wait3A_115] : memref<2560x128xi32, #tpu.memory_space<hbm>> -> memref<80x128xi32, #tpu.memory_space<hbm>>
      %dma_wait3A_117 = arith.constant 0 : i32
      %dma_wait3A_118 = tpu.memref_slice %arg3[%add3A_31, %dma_wait3A_117] : memref<2560x128xi32, #tpu.memory_space<hbm>> -> memref<80x128xi32, #tpu.memory_space<hbm>>
      tpu.wait_dma2 semaphore(%run_scoped3A_110 : memref<!tpu.dma_semaphore, #tpu.memory_space<semaphore_mem>>) src(%dma_wait3A_118 : memref<80x128xi32, #tpu.memory_space<hbm>>) dst(%arg8 : memref<80x128xi32, #tpu.memory_space<vmem>>)
      tpu.yield
    }) : () -> ()
    "tpu.region"() ({
      %run_scoped3A_110 = tpu.sem_alloc : memref<!tpu.dma_semaphore, #tpu.memory_space<semaphore_mem>>
      %dma_start3A_111 = arith.constant 0 : i32
      %dma_start3A_112 = tpu.memref_slice %arg4[%add3A_31, %dma_start3A_111] : memref<2560x128xi32, #tpu.memory_space<hbm>> -> memref<80x128xi32, #tpu.memory_space<hbm>>
      %dma_start3A_113 = arith.constant 0 : i32
      %dma_start3A_114 = tpu.memref_slice %arg4[%add3A_31, %dma_start3A_113] : memref<2560x128xi32, #tpu.memory_space<hbm>> -> memref<80x128xi32, #tpu.memory_space<hbm>>
      tpu.enqueue_dma source(%dma_start3A_114 : memref<80x128xi32, #tpu.memory_space<hbm>>) target(%arg9 : memref<80x128xi32, #tpu.memory_space<vmem>>) target_semaphore(%run_scoped3A_110 : memref<!tpu.dma_semaphore, #tpu.memory_space<semaphore_mem>>)
      %dma_wait3A_115 = arith.constant 0 : i32
      %dma_wait3A_116 = tpu.memref_slice %arg4[%add3A_31, %dma_wait3A_115] : memref<2560x128xi32, #tpu.memory_space<hbm>> -> memref<80x128xi32, #tpu.memory_space<hbm>>
      %dma_wait3A_117 = arith.constant 0 : i32
      %dma_wait3A_118 = tpu.memref_slice %arg4[%add3A_31, %dma_wait3A_117] : memref<2560x128xi32, #tpu.memory_space<hbm>> -> memref<80x128xi32, #tpu.memory_space<hbm>>
      tpu.wait_dma2 semaphore(%run_scoped3A_110 : memref<!tpu.dma_semaphore, #tpu.memory_space<semaphore_mem>>) src(%dma_wait3A_118 : memref<80x128xi32, #tpu.memory_space<hbm>>) dst(%arg9 : memref<80x128xi32, #tpu.memory_space<vmem>>)
      tpu.yield
    }) : () -> ()
    %dma_start3A = arith.constant 0 : i32
    %dma_start3A_32 = arith.constant 0 : i32
    %dma_start3A_33 = tpu.memref_slice %arg8[%dma_start3A, %dma_start3A_32] : memref<80x128xi32, #tpu.memory_space<vmem>> -> memref<1x128xi32, #tpu.memory_space<vmem>>
    %dma_start3A_34 = tpu.memref_squeeze %dma_start3A_33 : memref<1x128xi32, #tpu.memory_space<vmem>> -> memref<128xi32, #tpu.memory_space<vmem>>
    %dma_start3A_35 = arith.constant 0 : i32
    %dma_start3A_36 = arith.constant 0 : i32
    %dma_start3A_37 = tpu.memref_slice %arg6[%dma_start3A_35, %dma_start3A_36] : memref<10112x64xf32, #tpu.memory_space<vmem_shared>> -> memref<10112x64xf32, #tpu.memory_space<vmem_shared>>
    tpu.enqueue_indirect_dma source(%dma_start3A_37 : memref<10112x64xf32, #tpu.memory_space<vmem_shared>>) target(%arg10 : memref<128x64xf32, #tpu.memory_space<vmem>>) offsets(%dma_start3A_34 : memref<128xi32, #tpu.memory_space<vmem>>) semaphore(%arg12 : memref<!tpu.dma_semaphore, #tpu.memory_space<semaphore_mem>>)
    %dma_start3A_38 = arith.constant 1 : i32
    %dma_start3A_39 = arith.constant 0 : i32
    %dma_start3A_40 = tpu.memref_slice %arg8[%dma_start3A_38, %dma_start3A_39] : memref<80x128xi32, #tpu.memory_space<vmem>> -> memref<1x128xi32, #tpu.memory_space<vmem>>
    %dma_start3A_41 = tpu.memref_squeeze %dma_start3A_40 : memref<1x128xi32, #tpu.memory_space<vmem>> -> memref<128xi32, #tpu.memory_space<vmem>>
    %dma_start3A_42 = arith.constant 0 : i32
    %dma_start3A_43 = arith.constant 0 : i32
    %dma_start3A_44 = tpu.memref_slice %arg6[%dma_start3A_42, %dma_start3A_43] : memref<10112x64xf32, #tpu.memory_space<vmem_shared>> -> memref<10112x64xf32, #tpu.memory_space<vmem_shared>>
    tpu.enqueue_indirect_dma source(%dma_start3A_44 : memref<10112x64xf32, #tpu.memory_space<vmem_shared>>) target(%arg11 : memref<128x64xf32, #tpu.memory_space<vmem>>) offsets(%dma_start3A_41 : memref<128xi32, #tpu.memory_space<vmem>>) semaphore(%arg13 : memref<!tpu.dma_semaphore, #tpu.memory_space<semaphore_mem>>)
    %scan3A_45 = arith.constant 0 : i32
    %scan3A_46 = arith.constant 0 : i32
    %scan3A_47 = arith.constant 39 : i32
    %scan3A_48 = arith.addi %scan3A_46, %scan3A_47 : i32
    %scan3A_49 = arith.constant 1 : i32
    scf.for %scan3A_110 = %scan3A_46 to %scan3A_48 step %scan3A_49  : i32 {
      %mul3A_111 = arith.constant 2 : i32
      %mul3A_112 = arith.muli %mul3A_111, %scan3A_110 : i32
      %dma_wait3A_113 = arith.constant 0 : i32
      %dma_wait3A_114 = tpu.memref_slice %arg8[%mul3A_112, %dma_wait3A_113] : memref<80x128xi32, #tpu.memory_space<vmem>> -> memref<1x128xi32, #tpu.memory_space<vmem>>
      %dma_wait3A_115 = tpu.memref_squeeze %dma_wait3A_114 : memref<1x128xi32, #tpu.memory_space<vmem>> -> memref<128xi32, #tpu.memory_space<vmem>>
      %dma_wait3A_116 = arith.constant 0 : i32
      %dma_wait3A_117 = arith.constant 0 : i32
      %dma_wait3A_118 = tpu.memref_slice %arg6[%dma_wait3A_116, %dma_wait3A_117] : memref<10112x64xf32, #tpu.memory_space<vmem_shared>> -> memref<10112x64xf32, #tpu.memory_space<vmem_shared>>
      tpu.wait_indirect_dma semaphore(%arg12 : memref<!tpu.dma_semaphore, #tpu.memory_space<semaphore_mem>>) src(%dma_wait3A_118 : memref<10112x64xf32, #tpu.memory_space<vmem_shared>>) dst(%arg10 : memref<128x64xf32, #tpu.memory_space<vmem>>)
      "tpu.region"() ({
        %run_scoped3A_145 = tpu.sem_alloc : memref<!tpu.dma_semaphore, #tpu.memory_space<semaphore_mem>>
        %dma_start3A_146 = arith.constant 0 : i32
        %dma_start3A_147 = tpu.memref_slice %arg9[%mul3A_112, %dma_start3A_146] : memref<80x128xi32, #tpu.memory_space<vmem>> -> memref<1x128xi32, #tpu.memory_space<vmem>>
        %dma_start3A_148 = tpu.memref_squeeze %dma_start3A_147 : memref<1x128xi32, #tpu.memory_space<vmem>> -> memref<128xi32, #tpu.memory_space<vmem>>
        %dma_start3A_149 = arith.constant 0 : i32
        %dma_start3A_150 = arith.constant 0 : i32
        %dma_start3A_151 = tpu.memref_slice %arg7[%dma_start3A_149, %dma_start3A_150] : memref<10112x64xf32, #tpu.memory_space<vmem_shared>> -> memref<10112x64xf32, #tpu.memory_space<vmem_shared>>
        tpu.enqueue_indirect_dma source(%arg10 : memref<128x64xf32, #tpu.memory_space<vmem>>) target(%dma_start3A_151 : memref<10112x64xf32, #tpu.memory_space<vmem_shared>>) offsets(%dma_start3A_148 : memref<128xi32, #tpu.memory_space<vmem>>) semaphore(%run_scoped3A_145 : memref<!tpu.dma_semaphore, #tpu.memory_space<semaphore_mem>>) {add = true}
        %dma_wait3A_152 = arith.constant 0 : i32
        %dma_wait3A_153 = tpu.memref_slice %arg9[%mul3A_112, %dma_wait3A_152] : memref<80x128xi32, #tpu.memory_space<vmem>> -> memref<1x128xi32, #tpu.memory_space<vmem>>
        %dma_wait3A_154 = tpu.memref_squeeze %dma_wait3A_153 : memref<1x128xi32, #tpu.memory_space<vmem>> -> memref<128xi32, #tpu.memory_space<vmem>>
        %dma_wait3A_155 = arith.constant 0 : i32
        %dma_wait3A_156 = arith.constant 0 : i32
        %dma_wait3A_157 = tpu.memref_slice %arg7[%dma_wait3A_155, %dma_wait3A_156] : memref<10112x64xf32, #tpu.memory_space<vmem_shared>> -> memref<10112x64xf32, #tpu.memory_space<vmem_shared>>
        tpu.wait_indirect_dma semaphore(%run_scoped3A_145 : memref<!tpu.dma_semaphore, #tpu.memory_space<semaphore_mem>>) src(%arg10 : memref<128x64xf32, #tpu.memory_space<vmem>>) dst(%dma_wait3A_157 : memref<10112x64xf32, #tpu.memory_space<vmem_shared>>)
        tpu.yield
      }) : () -> ()
      %add3A_119 = arith.constant 2 : i32
      %add3A_120 = arith.addi %mul3A_112, %add3A_119 : i32
      %dma_start3A_121 = arith.constant 0 : i32
      %dma_start3A_122 = tpu.memref_slice %arg8[%add3A_120, %dma_start3A_121] : memref<80x128xi32, #tpu.memory_space<vmem>> -> memref<1x128xi32, #tpu.memory_space<vmem>>
      %dma_start3A_123 = tpu.memref_squeeze %dma_start3A_122 : memref<1x128xi32, #tpu.memory_space<vmem>> -> memref<128xi32, #tpu.memory_space<vmem>>
      %dma_start3A_124 = arith.constant 0 : i32
      %dma_start3A_125 = arith.constant 0 : i32
      %dma_start3A_126 = tpu.memref_slice %arg6[%dma_start3A_124, %dma_start3A_125] : memref<10112x64xf32, #tpu.memory_space<vmem_shared>> -> memref<10112x64xf32, #tpu.memory_space<vmem_shared>>
      tpu.enqueue_indirect_dma source(%dma_start3A_126 : memref<10112x64xf32, #tpu.memory_space<vmem_shared>>) target(%arg10 : memref<128x64xf32, #tpu.memory_space<vmem>>) offsets(%dma_start3A_123 : memref<128xi32, #tpu.memory_space<vmem>>) semaphore(%arg12 : memref<!tpu.dma_semaphore, #tpu.memory_space<semaphore_mem>>)
      %add3A_127 = arith.constant 1 : i32
      %add3A_128 = arith.addi %mul3A_112, %add3A_127 : i32
      %dma_wait3A_129 = arith.constant 0 : i32
      %dma_wait3A_130 = tpu.memref_slice %arg8[%add3A_128, %dma_wait3A_129] : memref<80x128xi32, #tpu.memory_space<vmem>> -> memref<1x128xi32, #tpu.memory_space<vmem>>
      %dma_wait3A_131 = tpu.memref_squeeze %dma_wait3A_130 : memref<1x128xi32, #tpu.memory_space<vmem>> -> memref<128xi32, #tpu.memory_space<vmem>>
      %dma_wait3A_132 = arith.constant 0 : i32
      %dma_wait3A_133 = arith.constant 0 : i32
      %dma_wait3A_134 = tpu.memref_slice %arg6[%dma_wait3A_132, %dma_wait3A_133] : memref<10112x64xf32, #tpu.memory_space<vmem_shared>> -> memref<10112x64xf32, #tpu.memory_space<vmem_shared>>
      tpu.wait_indirect_dma semaphore(%arg13 : memref<!tpu.dma_semaphore, #tpu.memory_space<semaphore_mem>>) src(%dma_wait3A_134 : memref<10112x64xf32, #tpu.memory_space<vmem_shared>>) dst(%arg11 : memref<128x64xf32, #tpu.memory_space<vmem>>)
      %add3A_135 = arith.constant 1 : i32
      %add3A_136 = arith.addi %mul3A_112, %add3A_135 : i32
      "tpu.region"() ({
        %run_scoped3A_145 = tpu.sem_alloc : memref<!tpu.dma_semaphore, #tpu.memory_space<semaphore_mem>>
        %dma_start3A_146 = arith.constant 0 : i32
        %dma_start3A_147 = tpu.memref_slice %arg9[%add3A_136, %dma_start3A_146] : memref<80x128xi32, #tpu.memory_space<vmem>> -> memref<1x128xi32, #tpu.memory_space<vmem>>
        %dma_start3A_148 = tpu.memref_squeeze %dma_start3A_147 : memref<1x128xi32, #tpu.memory_space<vmem>> -> memref<128xi32, #tpu.memory_space<vmem>>
        %dma_start3A_149 = arith.constant 0 : i32
        %dma_start3A_150 = arith.constant 0 : i32
        %dma_start3A_151 = tpu.memref_slice %arg7[%dma_start3A_149, %dma_start3A_150] : memref<10112x64xf32, #tpu.memory_space<vmem_shared>> -> memref<10112x64xf32, #tpu.memory_space<vmem_shared>>
        tpu.enqueue_indirect_dma source(%arg11 : memref<128x64xf32, #tpu.memory_space<vmem>>) target(%dma_start3A_151 : memref<10112x64xf32, #tpu.memory_space<vmem_shared>>) offsets(%dma_start3A_148 : memref<128xi32, #tpu.memory_space<vmem>>) semaphore(%run_scoped3A_145 : memref<!tpu.dma_semaphore, #tpu.memory_space<semaphore_mem>>) {add = true}
        %dma_wait3A_152 = arith.constant 0 : i32
        %dma_wait3A_153 = tpu.memref_slice %arg9[%add3A_136, %dma_wait3A_152] : memref<80x128xi32, #tpu.memory_space<vmem>> -> memref<1x128xi32, #tpu.memory_space<vmem>>
        %dma_wait3A_154 = tpu.memref_squeeze %dma_wait3A_153 : memref<1x128xi32, #tpu.memory_space<vmem>> -> memref<128xi32, #tpu.memory_space<vmem>>
        %dma_wait3A_155 = arith.constant 0 : i32
        %dma_wait3A_156 = arith.constant 0 : i32
        %dma_wait3A_157 = tpu.memref_slice %arg7[%dma_wait3A_155, %dma_wait3A_156] : memref<10112x64xf32, #tpu.memory_space<vmem_shared>> -> memref<10112x64xf32, #tpu.memory_space<vmem_shared>>
        tpu.wait_indirect_dma semaphore(%run_scoped3A_145 : memref<!tpu.dma_semaphore, #tpu.memory_space<semaphore_mem>>) src(%arg11 : memref<128x64xf32, #tpu.memory_space<vmem>>) dst(%dma_wait3A_157 : memref<10112x64xf32, #tpu.memory_space<vmem_shared>>)
        tpu.yield
      }) : () -> ()
      %add3A_137 = arith.constant 3 : i32
      %add3A_138 = arith.addi %mul3A_112, %add3A_137 : i32
      %dma_start3A_139 = arith.constant 0 : i32
      %dma_start3A_140 = tpu.memref_slice %arg8[%add3A_138, %dma_start3A_139] : memref<80x128xi32, #tpu.memory_space<vmem>> -> memref<1x128xi32, #tpu.memory_space<vmem>>
      %dma_start3A_141 = tpu.memref_squeeze %dma_start3A_140 : memref<1x128xi32, #tpu.memory_space<vmem>> -> memref<128xi32, #tpu.memory_space<vmem>>
      %dma_start3A_142 = arith.constant 0 : i32
      %dma_start3A_143 = arith.constant 0 : i32
      %dma_start3A_144 = tpu.memref_slice %arg6[%dma_start3A_142, %dma_start3A_143] : memref<10112x64xf32, #tpu.memory_space<vmem_shared>> -> memref<10112x64xf32, #tpu.memory_space<vmem_shared>>
      tpu.enqueue_indirect_dma source(%dma_start3A_144 : memref<10112x64xf32, #tpu.memory_space<vmem_shared>>) target(%arg11 : memref<128x64xf32, #tpu.memory_space<vmem>>) offsets(%dma_start3A_141 : memref<128xi32, #tpu.memory_space<vmem>>) semaphore(%arg13 : memref<!tpu.dma_semaphore, #tpu.memory_space<semaphore_mem>>)
    }
    %scan3A_50 = arith.constant 39 : i32
    %dma_wait3A = arith.constant 78 : i32
    %dma_wait3A_51 = arith.constant 0 : i32
    %dma_wait3A_52 = tpu.memref_slice %arg8[%dma_wait3A, %dma_wait3A_51] : memref<80x128xi32, #tpu.memory_space<vmem>> -> memref<1x128xi32, #tpu.memory_space<vmem>>
    %dma_wait3A_53 = tpu.memref_squeeze %dma_wait3A_52 : memref<1x128xi32, #tpu.memory_space<vmem>> -> memref<128xi32, #tpu.memory_space<vmem>>
    %dma_wait3A_54 = arith.constant 0 : i32
    %dma_wait3A_55 = arith.constant 0 : i32
    %dma_wait3A_56 = tpu.memref_slice %arg6[%dma_wait3A_54, %dma_wait3A_55] : memref<10112x64xf32, #tpu.memory_space<vmem_shared>> -> memref<10112x64xf32, #tpu.memory_space<vmem_shared>>
    tpu.wait_indirect_dma semaphore(%arg12 : memref<!tpu.dma_semaphore, #tpu.memory_space<semaphore_mem>>) src(%dma_wait3A_56 : memref<10112x64xf32, #tpu.memory_space<vmem_shared>>) dst(%arg10 : memref<128x64xf32, #tpu.memory_space<vmem>>)
    %run_scoped3A = arith.constant 78 : i32
    "tpu.region"() ({
      %run_scoped3A_110 = tpu.sem_alloc : memref<!tpu.dma_semaphore, #tpu.memory_space<semaphore_mem>>
      %dma_start3A_111 = arith.constant 0 : i32
      %dma_start3A_112 = tpu.memref_slice %arg9[%run_scoped3A, %dma_start3A_111] : memref<80x128xi32, #tpu.memory_space<vmem>> -> memref<1x128xi32, #tpu.memory_space<vmem>>
      %dma_start3A_113 = tpu.memref_squeeze %dma_start3A_112 : memref<1x128xi32, #tpu.memory_space<vmem>> -> memref<128xi32, #tpu.memory_space<vmem>>
      %dma_start3A_114 = arith.constant 0 : i32
      %dma_start3A_115 = arith.constant 0 : i32
      %dma_start3A_116 = tpu.memref_slice %arg7[%dma_start3A_114, %dma_start3A_115] : memref<10112x64xf32, #tpu.memory_space<vmem_shared>> -> memref<10112x64xf32, #tpu.memory_space<vmem_shared>>
      tpu.enqueue_indirect_dma source(%arg10 : memref<128x64xf32, #tpu.memory_space<vmem>>) target(%dma_start3A_116 : memref<10112x64xf32, #tpu.memory_space<vmem_shared>>) offsets(%dma_start3A_113 : memref<128xi32, #tpu.memory_space<vmem>>) semaphore(%run_scoped3A_110 : memref<!tpu.dma_semaphore, #tpu.memory_space<semaphore_mem>>) {add = true}
      %dma_wait3A_117 = arith.constant 0 : i32
      %dma_wait3A_118 = tpu.memref_slice %arg9[%run_scoped3A, %dma_wait3A_117] : memref<80x128xi32, #tpu.memory_space<vmem>> -> memref<1x128xi32, #tpu.memory_space<vmem>>
      %dma_wait3A_119 = tpu.memref_squeeze %dma_wait3A_118 : memref<1x128xi32, #tpu.memory_space<vmem>> -> memref<128xi32, #tpu.memory_space<vmem>>
      %dma_wait3A_120 = arith.constant 0 : i32
      %dma_wait3A_121 = arith.constant 0 : i32
      %dma_wait3A_122 = tpu.memref_slice %arg7[%dma_wait3A_120, %dma_wait3A_121] : memref<10112x64xf32, #tpu.memory_space<vmem_shared>> -> memref<10112x64xf32, #tpu.memory_space<vmem_shared>>
      tpu.wait_indirect_dma semaphore(%run_scoped3A_110 : memref<!tpu.dma_semaphore, #tpu.memory_space<semaphore_mem>>) src(%arg10 : memref<128x64xf32, #tpu.memory_space<vmem>>) dst(%dma_wait3A_122 : memref<10112x64xf32, #tpu.memory_space<vmem_shared>>)
      tpu.yield
    }) : () -> ()
    %dma_wait3A_57 = arith.constant 79 : i32
    %dma_wait3A_58 = arith.constant 0 : i32
    %dma_wait3A_59 = tpu.memref_slice %arg8[%dma_wait3A_57, %dma_wait3A_58] : memref<80x128xi32, #tpu.memory_space<vmem>> -> memref<1x128xi32, #tpu.memory_space<vmem>>
    %dma_wait3A_60 = tpu.memref_squeeze %dma_wait3A_59 : memref<1x128xi32, #tpu.memory_space<vmem>> -> memref<128xi32, #tpu.memory_space<vmem>>
    %dma_wait3A_61 = arith.constant 0 : i32
    %dma_wait3A_62 = arith.constant 0 : i32
    %dma_wait3A_63 = tpu.memref_slice %arg6[%dma_wait3A_61, %dma_wait3A_62] : memref<10112x64xf32, #tpu.memory_space<vmem_shared>> -> memref<10112x64xf32, #tpu.memory_space<vmem_shared>>
    tpu.wait_indirect_dma semaphore(%arg13 : memref<!tpu.dma_semaphore, #tpu.memory_space<semaphore_mem>>) src(%dma_wait3A_63 : memref<10112x64xf32, #tpu.memory_space<vmem_shared>>) dst(%arg11 : memref<128x64xf32, #tpu.memory_space<vmem>>)
    %run_scoped3A_64 = arith.constant 79 : i32
    "tpu.region"() ({
      %run_scoped3A_110 = tpu.sem_alloc : memref<!tpu.dma_semaphore, #tpu.memory_space<semaphore_mem>>
      %dma_start3A_111 = arith.constant 0 : i32
      %dma_start3A_112 = tpu.memref_slice %arg9[%run_scoped3A_64, %dma_start3A_111] : memref<80x128xi32, #tpu.memory_space<vmem>> -> memref<1x128xi32, #tpu.memory_space<vmem>>
      %dma_start3A_113 = tpu.memref_squeeze %dma_start3A_112 : memref<1x128xi32, #tpu.memory_space<vmem>> -> memref<128xi32, #tpu.memory_space<vmem>>
      %dma_start3A_114 = arith.constant 0 : i32
      %dma_start3A_115 = arith.constant 0 : i32
      %dma_start3A_116 = tpu.memref_slice %arg7[%dma_start3A_114, %dma_start3A_115] : memref<10112x64xf32, #tpu.memory_space<vmem_shared>> -> memref<10112x64xf32, #tpu.memory_space<vmem_shared>>
      tpu.enqueue_indirect_dma source(%arg11 : memref<128x64xf32, #tpu.memory_space<vmem>>) target(%dma_start3A_116 : memref<10112x64xf32, #tpu.memory_space<vmem_shared>>) offsets(%dma_start3A_113 : memref<128xi32, #tpu.memory_space<vmem>>) semaphore(%run_scoped3A_110 : memref<!tpu.dma_semaphore, #tpu.memory_space<semaphore_mem>>) {add = true}
      %dma_wait3A_117 = arith.constant 0 : i32
      %dma_wait3A_118 = tpu.memref_slice %arg9[%run_scoped3A_64, %dma_wait3A_117] : memref<80x128xi32, #tpu.memory_space<vmem>> -> memref<1x128xi32, #tpu.memory_space<vmem>>
      %dma_wait3A_119 = tpu.memref_squeeze %dma_wait3A_118 : memref<1x128xi32, #tpu.memory_space<vmem>> -> memref<128xi32, #tpu.memory_space<vmem>>
      %dma_wait3A_120 = arith.constant 0 : i32
      %dma_wait3A_121 = arith.constant 0 : i32
      %dma_wait3A_122 = tpu.memref_slice %arg7[%dma_wait3A_120, %dma_wait3A_121] : memref<10112x64xf32, #tpu.memory_space<vmem_shared>> -> memref<10112x64xf32, #tpu.memory_space<vmem_shared>>
      tpu.wait_indirect_dma semaphore(%run_scoped3A_110 : memref<!tpu.dma_semaphore, #tpu.memory_space<semaphore_mem>>) src(%arg11 : memref<128x64xf32, #tpu.memory_space<vmem>>) dst(%dma_wait3A_122 : memref<10112x64xf32, #tpu.memory_space<vmem_shared>>)
      tpu.yield
    }) : () -> ()
    %mul3A_65 = arith.constant 160 : i32
    %mul3A_66 = arith.muli %arg1, %mul3A_65 : i32
    %add3A_67 = arith.constant 80 : i32
    %add3A_68 = arith.addi %mul3A_66, %add3A_67 : i32
    "tpu.region"() ({
      %run_scoped3A_110 = tpu.sem_alloc : memref<!tpu.dma_semaphore, #tpu.memory_space<semaphore_mem>>
      %dma_start3A_111 = arith.constant 0 : i32
      %dma_start3A_112 = tpu.memref_slice %arg3[%add3A_68, %dma_start3A_111] : memref<2560x128xi32, #tpu.memory_space<hbm>> -> memref<80x128xi32, #tpu.memory_space<hbm>>
      %dma_start3A_113 = arith.constant 0 : i32
      %dma_start3A_114 = tpu.memref_slice %arg3[%add3A_68, %dma_start3A_113] : memref<2560x128xi32, #tpu.memory_space<hbm>> -> memref<80x128xi32, #tpu.memory_space<hbm>>
      tpu.enqueue_dma source(%dma_start3A_114 : memref<80x128xi32, #tpu.memory_space<hbm>>) target(%arg8 : memref<80x128xi32, #tpu.memory_space<vmem>>) target_semaphore(%run_scoped3A_110 : memref<!tpu.dma_semaphore, #tpu.memory_space<semaphore_mem>>)
      %dma_wait3A_115 = arith.constant 0 : i32
      %dma_wait3A_116 = tpu.memref_slice %arg3[%add3A_68, %dma_wait3A_115] : memref<2560x128xi32, #tpu.memory_space<hbm>> -> memref<80x128xi32, #tpu.memory_space<hbm>>
      %dma_wait3A_117 = arith.constant 0 : i32
      %dma_wait3A_118 = tpu.memref_slice %arg3[%add3A_68, %dma_wait3A_117] : memref<2560x128xi32, #tpu.memory_space<hbm>> -> memref<80x128xi32, #tpu.memory_space<hbm>>
      tpu.wait_dma2 semaphore(%run_scoped3A_110 : memref<!tpu.dma_semaphore, #tpu.memory_space<semaphore_mem>>) src(%dma_wait3A_118 : memref<80x128xi32, #tpu.memory_space<hbm>>) dst(%arg8 : memref<80x128xi32, #tpu.memory_space<vmem>>)
      tpu.yield
    }) : () -> ()
    "tpu.region"() ({
      %run_scoped3A_110 = tpu.sem_alloc : memref<!tpu.dma_semaphore, #tpu.memory_space<semaphore_mem>>
      %dma_start3A_111 = arith.constant 0 : i32
      %dma_start3A_112 = tpu.memref_slice %arg4[%add3A_68, %dma_start3A_111] : memref<2560x128xi32, #tpu.memory_space<hbm>> -> memref<80x128xi32, #tpu.memory_space<hbm>>
      %dma_start3A_113 = arith.constant 0 : i32
      %dma_start3A_114 = tpu.memref_slice %arg4[%add3A_68, %dma_start3A_113] : memref<2560x128xi32, #tpu.memory_space<hbm>> -> memref<80x128xi32, #tpu.memory_space<hbm>>
      tpu.enqueue_dma source(%dma_start3A_114 : memref<80x128xi32, #tpu.memory_space<hbm>>) target(%arg9 : memref<80x128xi32, #tpu.memory_space<vmem>>) target_semaphore(%run_scoped3A_110 : memref<!tpu.dma_semaphore, #tpu.memory_space<semaphore_mem>>)
      %dma_wait3A_115 = arith.constant 0 : i32
      %dma_wait3A_116 = tpu.memref_slice %arg4[%add3A_68, %dma_wait3A_115] : memref<2560x128xi32, #tpu.memory_space<hbm>> -> memref<80x128xi32, #tpu.memory_space<hbm>>
      %dma_wait3A_117 = arith.constant 0 : i32
      %dma_wait3A_118 = tpu.memref_slice %arg4[%add3A_68, %dma_wait3A_117] : memref<2560x128xi32, #tpu.memory_space<hbm>> -> memref<80x128xi32, #tpu.memory_space<hbm>>
      tpu.wait_dma2 semaphore(%run_scoped3A_110 : memref<!tpu.dma_semaphore, #tpu.memory_space<semaphore_mem>>) src(%dma_wait3A_118 : memref<80x128xi32, #tpu.memory_space<hbm>>) dst(%arg9 : memref<80x128xi32, #tpu.memory_space<vmem>>)
      tpu.yield
    }) : () -> ()
    %dma_start3A_69 = arith.constant 0 : i32
    %dma_start3A_70 = arith.constant 0 : i32
    %dma_start3A_71 = tpu.memref_slice %arg8[%dma_start3A_69, %dma_start3A_70] : memref<80x128xi32, #tpu.memory_space<vmem>> -> memref<1x128xi32, #tpu.memory_space<vmem>>
    %dma_start3A_72 = tpu.memref_squeeze %dma_start3A_71 : memref<1x128xi32, #tpu.memory_space<vmem>> -> memref<128xi32, #tpu.memory_space<vmem>>
    %dma_start3A_73 = arith.constant 0 : i32
    %dma_start3A_74 = arith.constant 0 : i32
    %dma_start3A_75 = tpu.memref_slice %arg6[%dma_start3A_73, %dma_start3A_74] : memref<10112x64xf32, #tpu.memory_space<vmem_shared>> -> memref<10112x64xf32, #tpu.memory_space<vmem_shared>>
    tpu.enqueue_indirect_dma source(%dma_start3A_75 : memref<10112x64xf32, #tpu.memory_space<vmem_shared>>) target(%arg10 : memref<128x64xf32, #tpu.memory_space<vmem>>) offsets(%dma_start3A_72 : memref<128xi32, #tpu.memory_space<vmem>>) semaphore(%arg12 : memref<!tpu.dma_semaphore, #tpu.memory_space<semaphore_mem>>)
    %dma_start3A_76 = arith.constant 1 : i32
    %dma_start3A_77 = arith.constant 0 : i32
    %dma_start3A_78 = tpu.memref_slice %arg8[%dma_start3A_76, %dma_start3A_77] : memref<80x128xi32, #tpu.memory_space<vmem>> -> memref<1x128xi32, #tpu.memory_space<vmem>>
    %dma_start3A_79 = tpu.memref_squeeze %dma_start3A_78 : memref<1x128xi32, #tpu.memory_space<vmem>> -> memref<128xi32, #tpu.memory_space<vmem>>
    %dma_start3A_80 = arith.constant 0 : i32
    %dma_start3A_81 = arith.constant 0 : i32
    %dma_start3A_82 = tpu.memref_slice %arg6[%dma_start3A_80, %dma_start3A_81] : memref<10112x64xf32, #tpu.memory_space<vmem_shared>> -> memref<10112x64xf32, #tpu.memory_space<vmem_shared>>
    tpu.enqueue_indirect_dma source(%dma_start3A_82 : memref<10112x64xf32, #tpu.memory_space<vmem_shared>>) target(%arg11 : memref<128x64xf32, #tpu.memory_space<vmem>>) offsets(%dma_start3A_79 : memref<128xi32, #tpu.memory_space<vmem>>) semaphore(%arg13 : memref<!tpu.dma_semaphore, #tpu.memory_space<semaphore_mem>>)
    %scan3A_83 = arith.constant 0 : i32
    %scan3A_84 = arith.constant 0 : i32
    %scan3A_85 = arith.constant 39 : i32
    %scan3A_86 = arith.addi %scan3A_84, %scan3A_85 : i32
    %scan3A_87 = arith.constant 1 : i32
    scf.for %scan3A_110 = %scan3A_84 to %scan3A_86 step %scan3A_87  : i32 {
      %mul3A_111 = arith.constant 2 : i32
      %mul3A_112 = arith.muli %mul3A_111, %scan3A_110 : i32
      %dma_wait3A_113 = arith.constant 0 : i32
      %dma_wait3A_114 = tpu.memref_slice %arg8[%mul3A_112, %dma_wait3A_113] : memref<80x128xi32, #tpu.memory_space<vmem>> -> memref<1x128xi32, #tpu.memory_space<vmem>>
      %dma_wait3A_115 = tpu.memref_squeeze %dma_wait3A_114 : memref<1x128xi32, #tpu.memory_space<vmem>> -> memref<128xi32, #tpu.memory_space<vmem>>
      %dma_wait3A_116 = arith.constant 0 : i32
      %dma_wait3A_117 = arith.constant 0 : i32
      %dma_wait3A_118 = tpu.memref_slice %arg6[%dma_wait3A_116, %dma_wait3A_117] : memref<10112x64xf32, #tpu.memory_space<vmem_shared>> -> memref<10112x64xf32, #tpu.memory_space<vmem_shared>>
      tpu.wait_indirect_dma semaphore(%arg12 : memref<!tpu.dma_semaphore, #tpu.memory_space<semaphore_mem>>) src(%dma_wait3A_118 : memref<10112x64xf32, #tpu.memory_space<vmem_shared>>) dst(%arg10 : memref<128x64xf32, #tpu.memory_space<vmem>>)
      "tpu.region"() ({
        %run_scoped3A_145 = tpu.sem_alloc : memref<!tpu.dma_semaphore, #tpu.memory_space<semaphore_mem>>
        %dma_start3A_146 = arith.constant 0 : i32
        %dma_start3A_147 = tpu.memref_slice %arg9[%mul3A_112, %dma_start3A_146] : memref<80x128xi32, #tpu.memory_space<vmem>> -> memref<1x128xi32, #tpu.memory_space<vmem>>
        %dma_start3A_148 = tpu.memref_squeeze %dma_start3A_147 : memref<1x128xi32, #tpu.memory_space<vmem>> -> memref<128xi32, #tpu.memory_space<vmem>>
        %dma_start3A_149 = arith.constant 0 : i32
        %dma_start3A_150 = arith.constant 0 : i32
        %dma_start3A_151 = tpu.memref_slice %arg7[%dma_start3A_149, %dma_start3A_150] : memref<10112x64xf32, #tpu.memory_space<vmem_shared>> -> memref<10112x64xf32, #tpu.memory_space<vmem_shared>>
        tpu.enqueue_indirect_dma source(%arg10 : memref<128x64xf32, #tpu.memory_space<vmem>>) target(%dma_start3A_151 : memref<10112x64xf32, #tpu.memory_space<vmem_shared>>) offsets(%dma_start3A_148 : memref<128xi32, #tpu.memory_space<vmem>>) semaphore(%run_scoped3A_145 : memref<!tpu.dma_semaphore, #tpu.memory_space<semaphore_mem>>) {add = true}
        %dma_wait3A_152 = arith.constant 0 : i32
        %dma_wait3A_153 = tpu.memref_slice %arg9[%mul3A_112, %dma_wait3A_152] : memref<80x128xi32, #tpu.memory_space<vmem>> -> memref<1x128xi32, #tpu.memory_space<vmem>>
        %dma_wait3A_154 = tpu.memref_squeeze %dma_wait3A_153 : memref<1x128xi32, #tpu.memory_space<vmem>> -> memref<128xi32, #tpu.memory_space<vmem>>
        %dma_wait3A_155 = arith.constant 0 : i32
        %dma_wait3A_156 = arith.constant 0 : i32
        %dma_wait3A_157 = tpu.memref_slice %arg7[%dma_wait3A_155, %dma_wait3A_156] : memref<10112x64xf32, #tpu.memory_space<vmem_shared>> -> memref<10112x64xf32, #tpu.memory_space<vmem_shared>>
        tpu.wait_indirect_dma semaphore(%run_scoped3A_145 : memref<!tpu.dma_semaphore, #tpu.memory_space<semaphore_mem>>) src(%arg10 : memref<128x64xf32, #tpu.memory_space<vmem>>) dst(%dma_wait3A_157 : memref<10112x64xf32, #tpu.memory_space<vmem_shared>>)
        tpu.yield
      }) : () -> ()
      %add3A_119 = arith.constant 2 : i32
      %add3A_120 = arith.addi %mul3A_112, %add3A_119 : i32
      %dma_start3A_121 = arith.constant 0 : i32
      %dma_start3A_122 = tpu.memref_slice %arg8[%add3A_120, %dma_start3A_121] : memref<80x128xi32, #tpu.memory_space<vmem>> -> memref<1x128xi32, #tpu.memory_space<vmem>>
      %dma_start3A_123 = tpu.memref_squeeze %dma_start3A_122 : memref<1x128xi32, #tpu.memory_space<vmem>> -> memref<128xi32, #tpu.memory_space<vmem>>
      %dma_start3A_124 = arith.constant 0 : i32
      %dma_start3A_125 = arith.constant 0 : i32
      %dma_start3A_126 = tpu.memref_slice %arg6[%dma_start3A_124, %dma_start3A_125] : memref<10112x64xf32, #tpu.memory_space<vmem_shared>> -> memref<10112x64xf32, #tpu.memory_space<vmem_shared>>
      tpu.enqueue_indirect_dma source(%dma_start3A_126 : memref<10112x64xf32, #tpu.memory_space<vmem_shared>>) target(%arg10 : memref<128x64xf32, #tpu.memory_space<vmem>>) offsets(%dma_start3A_123 : memref<128xi32, #tpu.memory_space<vmem>>) semaphore(%arg12 : memref<!tpu.dma_semaphore, #tpu.memory_space<semaphore_mem>>)
      %add3A_127 = arith.constant 1 : i32
      %add3A_128 = arith.addi %mul3A_112, %add3A_127 : i32
      %dma_wait3A_129 = arith.constant 0 : i32
      %dma_wait3A_130 = tpu.memref_slice %arg8[%add3A_128, %dma_wait3A_129] : memref<80x128xi32, #tpu.memory_space<vmem>> -> memref<1x128xi32, #tpu.memory_space<vmem>>
      %dma_wait3A_131 = tpu.memref_squeeze %dma_wait3A_130 : memref<1x128xi32, #tpu.memory_space<vmem>> -> memref<128xi32, #tpu.memory_space<vmem>>
      %dma_wait3A_132 = arith.constant 0 : i32
      %dma_wait3A_133 = arith.constant 0 : i32
      %dma_wait3A_134 = tpu.memref_slice %arg6[%dma_wait3A_132, %dma_wait3A_133] : memref<10112x64xf32, #tpu.memory_space<vmem_shared>> -> memref<10112x64xf32, #tpu.memory_space<vmem_shared>>
      tpu.wait_indirect_dma semaphore(%arg13 : memref<!tpu.dma_semaphore, #tpu.memory_space<semaphore_mem>>) src(%dma_wait3A_134 : memref<10112x64xf32, #tpu.memory_space<vmem_shared>>) dst(%arg11 : memref<128x64xf32, #tpu.memory_space<vmem>>)
      %add3A_135 = arith.constant 1 : i32
      %add3A_136 = arith.addi %mul3A_112, %add3A_135 : i32
      "tpu.region"() ({
        %run_scoped3A_145 = tpu.sem_alloc : memref<!tpu.dma_semaphore, #tpu.memory_space<semaphore_mem>>
        %dma_start3A_146 = arith.constant 0 : i32
        %dma_start3A_147 = tpu.memref_slice %arg9[%add3A_136, %dma_start3A_146] : memref<80x128xi32, #tpu.memory_space<vmem>> -> memref<1x128xi32, #tpu.memory_space<vmem>>
        %dma_start3A_148 = tpu.memref_squeeze %dma_start3A_147 : memref<1x128xi32, #tpu.memory_space<vmem>> -> memref<128xi32, #tpu.memory_space<vmem>>
        %dma_start3A_149 = arith.constant 0 : i32
        %dma_start3A_150 = arith.constant 0 : i32
        %dma_start3A_151 = tpu.memref_slice %arg7[%dma_start3A_149, %dma_start3A_150] : memref<10112x64xf32, #tpu.memory_space<vmem_shared>> -> memref<10112x64xf32, #tpu.memory_space<vmem_shared>>
        tpu.enqueue_indirect_dma source(%arg11 : memref<128x64xf32, #tpu.memory_space<vmem>>) target(%dma_start3A_151 : memref<10112x64xf32, #tpu.memory_space<vmem_shared>>) offsets(%dma_start3A_148 : memref<128xi32, #tpu.memory_space<vmem>>) semaphore(%run_scoped3A_145 : memref<!tpu.dma_semaphore, #tpu.memory_space<semaphore_mem>>) {add = true}
        %dma_wait3A_152 = arith.constant 0 : i32
        %dma_wait3A_153 = tpu.memref_slice %arg9[%add3A_136, %dma_wait3A_152] : memref<80x128xi32, #tpu.memory_space<vmem>> -> memref<1x128xi32, #tpu.memory_space<vmem>>
        %dma_wait3A_154 = tpu.memref_squeeze %dma_wait3A_153 : memref<1x128xi32, #tpu.memory_space<vmem>> -> memref<128xi32, #tpu.memory_space<vmem>>
        %dma_wait3A_155 = arith.constant 0 : i32
        %dma_wait3A_156 = arith.constant 0 : i32
        %dma_wait3A_157 = tpu.memref_slice %arg7[%dma_wait3A_155, %dma_wait3A_156] : memref<10112x64xf32, #tpu.memory_space<vmem_shared>> -> memref<10112x64xf32, #tpu.memory_space<vmem_shared>>
        tpu.wait_indirect_dma semaphore(%run_scoped3A_145 : memref<!tpu.dma_semaphore, #tpu.memory_space<semaphore_mem>>) src(%arg11 : memref<128x64xf32, #tpu.memory_space<vmem>>) dst(%dma_wait3A_157 : memref<10112x64xf32, #tpu.memory_space<vmem_shared>>)
        tpu.yield
      }) : () -> ()
      %add3A_137 = arith.constant 3 : i32
      %add3A_138 = arith.addi %mul3A_112, %add3A_137 : i32
      %dma_start3A_139 = arith.constant 0 : i32
      %dma_start3A_140 = tpu.memref_slice %arg8[%add3A_138, %dma_start3A_139] : memref<80x128xi32, #tpu.memory_space<vmem>> -> memref<1x128xi32, #tpu.memory_space<vmem>>
      %dma_start3A_141 = tpu.memref_squeeze %dma_start3A_140 : memref<1x128xi32, #tpu.memory_space<vmem>> -> memref<128xi32, #tpu.memory_space<vmem>>
      %dma_start3A_142 = arith.constant 0 : i32
      %dma_start3A_143 = arith.constant 0 : i32
      %dma_start3A_144 = tpu.memref_slice %arg6[%dma_start3A_142, %dma_start3A_143] : memref<10112x64xf32, #tpu.memory_space<vmem_shared>> -> memref<10112x64xf32, #tpu.memory_space<vmem_shared>>
      tpu.enqueue_indirect_dma source(%dma_start3A_144 : memref<10112x64xf32, #tpu.memory_space<vmem_shared>>) target(%arg11 : memref<128x64xf32, #tpu.memory_space<vmem>>) offsets(%dma_start3A_141 : memref<128xi32, #tpu.memory_space<vmem>>) semaphore(%arg13 : memref<!tpu.dma_semaphore, #tpu.memory_space<semaphore_mem>>)
    }
    %scan3A_88 = arith.constant 39 : i32
    %dma_wait3A_89 = arith.constant 78 : i32
    %dma_wait3A_90 = arith.constant 0 : i32
    %dma_wait3A_91 = tpu.memref_slice %arg8[%dma_wait3A_89, %dma_wait3A_90] : memref<80x128xi32, #tpu.memory_space<vmem>> -> memref<1x128xi32, #tpu.memory_space<vmem>>
    %dma_wait3A_92 = tpu.memref_squeeze %dma_wait3A_91 : memref<1x128xi32, #tpu.memory_space<vmem>> -> memref<128xi32, #tpu.memory_space<vmem>>
    %dma_wait3A_93 = arith.constant 0 : i32
    %dma_wait3A_94 = arith.constant 0 : i32
    %dma_wait3A_95 = tpu.memref_slice %arg6[%dma_wait3A_93, %dma_wait3A_94] : memref<10112x64xf32, #tpu.memory_space<vmem_shared>> -> memref<10112x64xf32, #tpu.memory_space<vmem_shared>>
    tpu.wait_indirect_dma semaphore(%arg12 : memref<!tpu.dma_semaphore, #tpu.memory_space<semaphore_mem>>) src(%dma_wait3A_95 : memref<10112x64xf32, #tpu.memory_space<vmem_shared>>) dst(%arg10 : memref<128x64xf32, #tpu.memory_space<vmem>>)
    %run_scoped3A_96 = arith.constant 78 : i32
    "tpu.region"() ({
      %run_scoped3A_110 = tpu.sem_alloc : memref<!tpu.dma_semaphore, #tpu.memory_space<semaphore_mem>>
      %dma_start3A_111 = arith.constant 0 : i32
      %dma_start3A_112 = tpu.memref_slice %arg9[%run_scoped3A_96, %dma_start3A_111] : memref<80x128xi32, #tpu.memory_space<vmem>> -> memref<1x128xi32, #tpu.memory_space<vmem>>
      %dma_start3A_113 = tpu.memref_squeeze %dma_start3A_112 : memref<1x128xi32, #tpu.memory_space<vmem>> -> memref<128xi32, #tpu.memory_space<vmem>>
      %dma_start3A_114 = arith.constant 0 : i32
      %dma_start3A_115 = arith.constant 0 : i32
      %dma_start3A_116 = tpu.memref_slice %arg7[%dma_start3A_114, %dma_start3A_115] : memref<10112x64xf32, #tpu.memory_space<vmem_shared>> -> memref<10112x64xf32, #tpu.memory_space<vmem_shared>>
      tpu.enqueue_indirect_dma source(%arg10 : memref<128x64xf32, #tpu.memory_space<vmem>>) target(%dma_start3A_116 : memref<10112x64xf32, #tpu.memory_space<vmem_shared>>) offsets(%dma_start3A_113 : memref<128xi32, #tpu.memory_space<vmem>>) semaphore(%run_scoped3A_110 : memref<!tpu.dma_semaphore, #tpu.memory_space<semaphore_mem>>) {add = true}
      %dma_wait3A_117 = arith.constant 0 : i32
      %dma_wait3A_118 = tpu.memref_slice %arg9[%run_scoped3A_96, %dma_wait3A_117] : memref<80x128xi32, #tpu.memory_space<vmem>> -> memref<1x128xi32, #tpu.memory_space<vmem>>
      %dma_wait3A_119 = tpu.memref_squeeze %dma_wait3A_118 : memref<1x128xi32, #tpu.memory_space<vmem>> -> memref<128xi32, #tpu.memory_space<vmem>>
      %dma_wait3A_120 = arith.constant 0 : i32
      %dma_wait3A_121 = arith.constant 0 : i32
      %dma_wait3A_122 = tpu.memref_slice %arg7[%dma_wait3A_120, %dma_wait3A_121] : memref<10112x64xf32, #tpu.memory_space<vmem_shared>> -> memref<10112x64xf32, #tpu.memory_space<vmem_shared>>
      tpu.wait_indirect_dma semaphore(%run_scoped3A_110 : memref<!tpu.dma_semaphore, #tpu.memory_space<semaphore_mem>>) src(%arg10 : memref<128x64xf32, #tpu.memory_space<vmem>>) dst(%dma_wait3A_122 : memref<10112x64xf32, #tpu.memory_space<vmem_shared>>)
      tpu.yield
    }) : () -> ()
    %dma_wait3A_97 = arith.constant 79 : i32
    %dma_wait3A_98 = arith.constant 0 : i32
    %dma_wait3A_99 = tpu.memref_slice %arg8[%dma_wait3A_97, %dma_wait3A_98] : memref<80x128xi32, #tpu.memory_space<vmem>> -> memref<1x128xi32, #tpu.memory_space<vmem>>
    %dma_wait3A_100 = tpu.memref_squeeze %dma_wait3A_99 : memref<1x128xi32, #tpu.memory_space<vmem>> -> memref<128xi32, #tpu.memory_space<vmem>>
    %dma_wait3A_101 = arith.constant 0 : i32
    %dma_wait3A_102 = arith.constant 0 : i32
    %dma_wait3A_103 = tpu.memref_slice %arg6[%dma_wait3A_101, %dma_wait3A_102] : memref<10112x64xf32, #tpu.memory_space<vmem_shared>> -> memref<10112x64xf32, #tpu.memory_space<vmem_shared>>
    tpu.wait_indirect_dma semaphore(%arg13 : memref<!tpu.dma_semaphore, #tpu.memory_space<semaphore_mem>>) src(%dma_wait3A_103 : memref<10112x64xf32, #tpu.memory_space<vmem_shared>>) dst(%arg11 : memref<128x64xf32, #tpu.memory_space<vmem>>)
    %run_scoped3A_104 = arith.constant 79 : i32
    "tpu.region"() ({
      %run_scoped3A_110 = tpu.sem_alloc : memref<!tpu.dma_semaphore, #tpu.memory_space<semaphore_mem>>
      %dma_start3A_111 = arith.constant 0 : i32
      %dma_start3A_112 = tpu.memref_slice %arg9[%run_scoped3A_104, %dma_start3A_111] : memref<80x128xi32, #tpu.memory_space<vmem>> -> memref<1x128xi32, #tpu.memory_space<vmem>>
      %dma_start3A_113 = tpu.memref_squeeze %dma_start3A_112 : memref<1x128xi32, #tpu.memory_space<vmem>> -> memref<128xi32, #tpu.memory_space<vmem>>
      %dma_start3A_114 = arith.constant 0 : i32
      %dma_start3A_115 = arith.constant 0 : i32
      %dma_start3A_116 = tpu.memref_slice %arg7[%dma_start3A_114, %dma_start3A_115] : memref<10112x64xf32, #tpu.memory_space<vmem_shared>> -> memref<10112x64xf32, #tpu.memory_space<vmem_shared>>
      tpu.enqueue_indirect_dma source(%arg11 : memref<128x64xf32, #tpu.memory_space<vmem>>) target(%dma_start3A_116 : memref<10112x64xf32, #tpu.memory_space<vmem_shared>>) offsets(%dma_start3A_113 : memref<128xi32, #tpu.memory_space<vmem>>) semaphore(%run_scoped3A_110 : memref<!tpu.dma_semaphore, #tpu.memory_space<semaphore_mem>>) {add = true}
      %dma_wait3A_117 = arith.constant 0 : i32
      %dma_wait3A_118 = tpu.memref_slice %arg9[%run_scoped3A_104, %dma_wait3A_117] : memref<80x128xi32, #tpu.memory_space<vmem>> -> memref<1x128xi32, #tpu.memory_space<vmem>>
      %dma_wait3A_119 = tpu.memref_squeeze %dma_wait3A_118 : memref<1x128xi32, #tpu.memory_space<vmem>> -> memref<128xi32, #tpu.memory_space<vmem>>
      %dma_wait3A_120 = arith.constant 0 : i32
      %dma_wait3A_121 = arith.constant 0 : i32
      %dma_wait3A_122 = tpu.memref_slice %arg7[%dma_wait3A_120, %dma_wait3A_121] : memref<10112x64xf32, #tpu.memory_space<vmem_shared>> -> memref<10112x64xf32, #tpu.memory_space<vmem_shared>>
      tpu.wait_indirect_dma semaphore(%run_scoped3A_110 : memref<!tpu.dma_semaphore, #tpu.memory_space<semaphore_mem>>) src(%arg11 : memref<128x64xf32, #tpu.memory_space<vmem>>) dst(%dma_wait3A_122 : memref<10112x64xf32, #tpu.memory_space<vmem_shared>>)
      tpu.yield
    }) : () -> ()
    %barrier3A_105 = arith.constant 0 : index
    tpu.barrier barrier_id(%barrier3A_105)
    %mul3A_106 = arith.constant 632 : i32
    %mul3A_107 = arith.muli %arg1, %mul3A_106 : i32
    %mul3A_108 = arith.constant 632 : i32
    %mul3A_109 = arith.muli %arg1, %mul3A_108 : i32
    "tpu.region"() ({
      %run_scoped3A_110 = tpu.sem_alloc : memref<!tpu.dma_semaphore, #tpu.memory_space<semaphore_mem>>
      %dma_start3A_111 = arith.constant 0 : i32
      %dma_start3A_112 = tpu.memref_slice %arg5[%arg0, %mul3A_109, %dma_start3A_111] : memref<2x10112x64xf32, #tpu.memory_space<hbm>> -> memref<1x632x64xf32, #tpu.memory_space<hbm>>
      %dma_start3A_113 = tpu.memref_squeeze %dma_start3A_112 : memref<1x632x64xf32, #tpu.memory_space<hbm>> -> memref<632x64xf32, #tpu.memory_space<hbm>>
      %dma_start3A_114 = arith.constant 0 : i32
      %dma_start3A_115 = tpu.memref_slice %arg7[%mul3A_107, %dma_start3A_114] : memref<10112x64xf32, #tpu.memory_space<vmem_shared>> -> memref<632x64xf32, #tpu.memory_space<vmem_shared>>
      tpu.enqueue_dma source(%dma_start3A_115 : memref<632x64xf32, #tpu.memory_space<vmem_shared>>) target(%dma_start3A_113 : memref<632x64xf32, #tpu.memory_space<hbm>>) target_semaphore(%run_scoped3A_110 : memref<!tpu.dma_semaphore, #tpu.memory_space<semaphore_mem>>)
      %dma_wait3A_116 = arith.constant 0 : i32
      %dma_wait3A_117 = tpu.memref_slice %arg5[%arg0, %mul3A_109, %dma_wait3A_116] : memref<2x10112x64xf32, #tpu.memory_space<hbm>> -> memref<1x632x64xf32, #tpu.memory_space<hbm>>
      %dma_wait3A_118 = tpu.memref_squeeze %dma_wait3A_117 : memref<1x632x64xf32, #tpu.memory_space<hbm>> -> memref<632x64xf32, #tpu.memory_space<hbm>>
      %dma_wait3A_119 = arith.constant 0 : i32
      %dma_wait3A_120 = tpu.memref_slice %arg7[%mul3A_107, %dma_wait3A_119] : memref<10112x64xf32, #tpu.memory_space<vmem_shared>> -> memref<632x64xf32, #tpu.memory_space<vmem_shared>>
      tpu.wait_dma2 semaphore(%run_scoped3A_110 : memref<!tpu.dma_semaphore, #tpu.memory_space<semaphore_mem>>) src(%dma_wait3A_120 : memref<632x64xf32, #tpu.memory_space<vmem_shared>>) dst(%dma_wait3A_118 : memref<632x64xf32, #tpu.memory_space<hbm>>)
      tpu.yield
    }) : () -> ()
    return
  }
}

module attributes {stable_mosaic.version = 14 : i64} {
  func.func @_tc_pre_body(%arg0: memref<10000x128xf32, #tpu.memory_space<vmem>>, %arg1: memref<1x128xf32, #tpu.memory_space<vmem>>, %arg2: memref<1x128xf32, #tpu.memory_space<vmem>>, %arg3: memref<128x128xf32, #tpu.memory_space<vmem>>, %arg4: memref<1x128xf32, #tpu.memory_space<vmem>>, %arg5: memref<10000x128xf32, #tpu.memory_space<vmem>>, %arg6: memref<2x10112x64xf32, #tpu.memory_space<vmem>>) attributes {dimension_semantics = [], scalar_prefetch = 0 : i64, scratch_operands = 0 : i64, tpu.core_type = #tpu.core_type<tc>} {
    %get3A = arith.constant 0 : index
    %get3A_0 = arith.constant 0 : index
    %get3A_1 = vector.load %arg0[%get3A, %get3A_0] : memref<10000x128xf32, #tpu.memory_space<vmem>>, vector<10000x128xf32>
    %reduce_sum3A = arith.constant dense<0.000000e+00> : vector<128xf32>
    %reduce_sum3A_2 = vector.multi_reduction <add>, %get3A_1, %reduce_sum3A [0] : vector<10000x128xf32> to vector<128xf32>
    %broadcast_in_dim3A = vector.shape_cast %reduce_sum3A_2 : vector<128xf32> to vector<1x128xf32>
    %div3A = arith.constant 1.000000e+04 : f32
    %div3A_3 = vector.broadcast %div3A : f32 to vector<1x128xf32>
    %div3A_4 = arith.divf %broadcast_in_dim3A, %div3A_3 : vector<1x128xf32>
    %sub3A = vector.broadcast %div3A_4 : vector<1x128xf32> to vector<10000x128xf32>
    %sub3A_5 = arith.subf %get3A_1, %sub3A : vector<10000x128xf32>
    %mul3A = arith.mulf %sub3A_5, %sub3A_5 : vector<10000x128xf32>
    %reduce_sum3A_6 = arith.constant dense<0.000000e+00> : vector<128xf32>
    %reduce_sum3A_7 = vector.multi_reduction <add>, %mul3A, %reduce_sum3A_6 [0] : vector<10000x128xf32> to vector<128xf32>
    %broadcast_in_dim3A_8 = vector.shape_cast %reduce_sum3A_7 : vector<128xf32> to vector<1x128xf32>
    %div3A_9 = arith.constant 1.000000e+04 : f32
    %div3A_10 = vector.broadcast %div3A_9 : f32 to vector<1x128xf32>
    %div3A_11 = arith.divf %broadcast_in_dim3A_8, %div3A_10 : vector<1x128xf32>
    %add3A = arith.constant 9.99999974E-6 : f32
    %add3A_12 = vector.broadcast %add3A : f32 to vector<1x128xf32>
    %add3A_13 = arith.addf %div3A_11, %add3A_12 : vector<1x128xf32>
    %rsqrt3A = math.rsqrt %add3A_13 : vector<1x128xf32>
    %mul3A_14 = vector.broadcast %rsqrt3A : vector<1x128xf32> to vector<10000x128xf32>
    %mul3A_15 = arith.mulf %sub3A_5, %mul3A_14 : vector<10000x128xf32>
    %get3A_16 = arith.constant 0 : index
    %get3A_17 = arith.constant 0 : index
    %get3A_18 = vector.load %arg1[%get3A_16, %get3A_17] : memref<1x128xf32, #tpu.memory_space<vmem>>, vector<1x128xf32>
    %mul3A_19 = vector.broadcast %get3A_18 : vector<1x128xf32> to vector<10000x128xf32>
    %mul3A_20 = arith.mulf %mul3A_15, %mul3A_19 : vector<10000x128xf32>
    %get3A_21 = arith.constant 0 : index
    %get3A_22 = arith.constant 0 : index
    %get3A_23 = vector.load %arg2[%get3A_21, %get3A_22] : memref<1x128xf32, #tpu.memory_space<vmem>>, vector<1x128xf32>
    %add3A_24 = vector.broadcast %get3A_23 : vector<1x128xf32> to vector<10000x128xf32>
    %add3A_25 = arith.addf %mul3A_20, %add3A_24 : vector<10000x128xf32>
    %get3A_26 = arith.constant 0 : index
    %get3A_27 = arith.constant 0 : index
    %get3A_28 = vector.load %arg3[%get3A_26, %get3A_27] : memref<128x128xf32, #tpu.memory_space<vmem>>, vector<128x128xf32>
    %dot_general3A = arith.constant dense<0.000000e+00> : vector<10000x128xf32>
    %dot_general3A_29 = tpu.matmul %add3A_25, %get3A_28, %dot_general3A {dimension_numbers = #tpu.dot_dimension_numbers<[1], [0], [0], [1], [0, 0, 1, 1], [], []>, transpose_lhs_hint = false} : vector<10000x128xf32>, vector<128x128xf32>, vector<10000x128xf32> -> vector<10000x128xf32>
    %get3A_30 = arith.constant 0 : index
    %get3A_31 = arith.constant 0 : index
    %get3A_32 = vector.load %arg4[%get3A_30, %get3A_31] : memref<1x128xf32, #tpu.memory_space<vmem>>, vector<1x128xf32>
    %add3A_33 = vector.broadcast %get3A_32 : vector<1x128xf32> to vector<10000x128xf32>
    %add3A_34 = arith.addf %dot_general3A_29, %add3A_33 : vector<10000x128xf32>
    %max3A = arith.constant 0.000000e+00 : f32
    %max3A_35 = vector.broadcast %max3A : f32 to vector<10000x128xf32>
    %max3A_36 = arith.maximumf %add3A_34, %max3A_35 : vector<10000x128xf32>
    %swap3A = arith.constant 0 : index
    %swap3A_37 = arith.constant 0 : index
    %swap3A_38 = vector.load %arg5[%swap3A, %swap3A_37] : memref<10000x128xf32, #tpu.memory_space<vmem>>, vector<10000x128xf32>
    tpu.vector_store %arg5[%swap3A, %swap3A_37], %max3A_36 {strides = array<i32>} : memref<10000x128xf32, #tpu.memory_space<vmem>>, vector<10000x128xf32>,
    %slice3A = vector.extract_strided_slice %max3A_36 {offsets = [0, 0], sizes = [10000, 64], strides = [1, 1]} : vector<10000x128xf32> to vector<10000x64xf32>
    %swap3A_39 = arith.constant 0 : index
    %swap3A_40 = arith.constant 0 : index
    %swap3A_41 = arith.constant 0 : index
    %swap3A_42 = vector.load %arg6[%swap3A_39, %swap3A_40, %swap3A_41] : memref<2x10112x64xf32, #tpu.memory_space<vmem>>, vector<1x10000x64xf32>
    %swap3A_43 = vector.shape_cast %swap3A_42 : vector<1x10000x64xf32> to vector<10000x64xf32>
    %swap3A_44 = vector.shape_cast %slice3A : vector<10000x64xf32> to vector<1x10000x64xf32>
    tpu.vector_store %arg6[%swap3A_39, %swap3A_40, %swap3A_41], %swap3A_44 {strides = array<i32>} : memref<2x10112x64xf32, #tpu.memory_space<vmem>>, vector<1x10000x64xf32>,
    %slice3A_45 = vector.extract_strided_slice %max3A_36 {offsets = [0, 64], sizes = [10000, 64], strides = [1, 1]} : vector<10000x128xf32> to vector<10000x64xf32>
    %swap3A_46 = arith.constant 1 : index
    %swap3A_47 = arith.constant 0 : index
    %swap3A_48 = arith.constant 0 : index
    %swap3A_49 = vector.load %arg6[%swap3A_46, %swap3A_47, %swap3A_48] : memref<2x10112x64xf32, #tpu.memory_space<vmem>>, vector<1x10000x64xf32>
    %swap3A_50 = vector.shape_cast %swap3A_49 : vector<1x10000x64xf32> to vector<10000x64xf32>
    %swap3A_51 = vector.shape_cast %slice3A_45 : vector<10000x64xf32> to vector<1x10000x64xf32>
    tpu.vector_store %arg6[%swap3A_46, %swap3A_47, %swap3A_48], %swap3A_51 {strides = array<i32>} : memref<2x10112x64xf32, #tpu.memory_space<vmem>>, vector<1x10000x64xf32>,
    return
  }
}

module attributes {stable_mosaic.version = 14 : i64} {
  func.func @_tc_block_body(%arg0: memref<10000x128xf32, #tpu.memory_space<vmem>>, %arg1: memref<2x10112x64xf32, #tpu.memory_space<vmem>>, %arg2: memref<128x128xf32, #tpu.memory_space<vmem>>, %arg3: memref<1x128xf32, #tpu.memory_space<vmem>>, %arg4: memref<128x128xf32, #tpu.memory_space<vmem>>, %arg5: memref<1x128xf32, #tpu.memory_space<vmem>>, %arg6: memref<1x128xf32, #tpu.memory_space<vmem>>, %arg7: memref<1x128xf32, #tpu.memory_space<vmem>>, %arg8: memref<10000x128xf32, #tpu.memory_space<vmem>>, %arg9: memref<2x10112x64xf32, #tpu.memory_space<vmem>>) attributes {dimension_semantics = [], scalar_prefetch = 0 : i64, scratch_operands = 0 : i64, tpu.core_type = #tpu.core_type<tc>} {
    %get3A = arith.constant 0 : index
    %get3A_0 = arith.constant 0 : index
    %get3A_1 = vector.load %arg0[%get3A, %get3A_0] : memref<10000x128xf32, #tpu.memory_space<vmem>>, vector<10000x128xf32>
    %get3A_2 = arith.constant 0 : index
    %get3A_3 = arith.constant 0 : index
    %get3A_4 = arith.constant 0 : index
    %get3A_5 = vector.load %arg1[%get3A_2, %get3A_3, %get3A_4] : memref<2x10112x64xf32, #tpu.memory_space<vmem>>, vector<1x10000x64xf32>
    %get3A_6 = vector.shape_cast %get3A_5 : vector<1x10000x64xf32> to vector<10000x64xf32>
    %get3A_7 = arith.constant 1 : index
    %get3A_8 = arith.constant 0 : index
    %get3A_9 = arith.constant 0 : index
    %get3A_10 = vector.load %arg1[%get3A_7, %get3A_8, %get3A_9] : memref<2x10112x64xf32, #tpu.memory_space<vmem>>, vector<1x10000x64xf32>
    %get3A_11 = vector.shape_cast %get3A_10 : vector<1x10000x64xf32> to vector<10000x64xf32>
    %concatenate3A = tpu.concatenate %get3A_6, %get3A_11 in 1 : vector<10000x64xf32>, vector<10000x64xf32> -> vector<10000x128xf32>
    %add3A = arith.addf %get3A_1, %concatenate3A : vector<10000x128xf32>
    %get3A_12 = arith.constant 0 : index
    %get3A_13 = arith.constant 0 : index
    %get3A_14 = vector.load %arg2[%get3A_12, %get3A_13] : memref<128x128xf32, #tpu.memory_space<vmem>>, vector<128x128xf32>
    %dot_general3A = arith.constant dense<0.000000e+00> : vector<10000x128xf32>
    %dot_general3A_15 = tpu.matmul %add3A, %get3A_14, %dot_general3A {dimension_numbers = #tpu.dot_dimension_numbers<[1], [0], [0], [1], [0, 0, 1, 1], [], []>, transpose_lhs_hint = false} : vector<10000x128xf32>, vector<128x128xf32>, vector<10000x128xf32> -> vector<10000x128xf32>
    %get3A_16 = arith.constant 0 : index
    %get3A_17 = arith.constant 0 : index
    %get3A_18 = vector.load %arg3[%get3A_16, %get3A_17] : memref<1x128xf32, #tpu.memory_space<vmem>>, vector<1x128xf32>
    %add3A_19 = vector.broadcast %get3A_18 : vector<1x128xf32> to vector<10000x128xf32>
    %add3A_20 = arith.addf %dot_general3A_15, %add3A_19 : vector<10000x128xf32>
    %max3A = arith.constant 0.000000e+00 : f32
    %max3A_21 = vector.broadcast %max3A : f32 to vector<10000x128xf32>
    %max3A_22 = arith.maximumf %add3A_20, %max3A_21 : vector<10000x128xf32>
    %get3A_23 = arith.constant 0 : index
    %get3A_24 = arith.constant 0 : index
    %get3A_25 = vector.load %arg4[%get3A_23, %get3A_24] : memref<128x128xf32, #tpu.memory_space<vmem>>, vector<128x128xf32>
    %dot_general3A_26 = arith.constant dense<0.000000e+00> : vector<10000x128xf32>
    %dot_general3A_27 = tpu.matmul %max3A_22, %get3A_25, %dot_general3A_26 {dimension_numbers = #tpu.dot_dimension_numbers<[1], [0], [0], [1], [0, 0, 1, 1], [], []>, transpose_lhs_hint = false} : vector<10000x128xf32>, vector<128x128xf32>, vector<10000x128xf32> -> vector<10000x128xf32>
    %get3A_28 = arith.constant 0 : index
    %get3A_29 = arith.constant 0 : index
    %get3A_30 = vector.load %arg5[%get3A_28, %get3A_29] : memref<1x128xf32, #tpu.memory_space<vmem>>, vector<1x128xf32>
    %add3A_31 = vector.broadcast %get3A_30 : vector<1x128xf32> to vector<10000x128xf32>
    %add3A_32 = arith.addf %dot_general3A_27, %add3A_31 : vector<10000x128xf32>
    %reduce_sum3A = arith.constant dense<0.000000e+00> : vector<128xf32>
    %reduce_sum3A_33 = vector.multi_reduction <add>, %add3A_32, %reduce_sum3A [0] : vector<10000x128xf32> to vector<128xf32>
    %broadcast_in_dim3A = vector.shape_cast %reduce_sum3A_33 : vector<128xf32> to vector<1x128xf32>
    %div3A = arith.constant 1.000000e+04 : f32
    %div3A_34 = vector.broadcast %div3A : f32 to vector<1x128xf32>
    %div3A_35 = arith.divf %broadcast_in_dim3A, %div3A_34 : vector<1x128xf32>
    %sub3A = vector.broadcast %div3A_35 : vector<1x128xf32> to vector<10000x128xf32>
    %sub3A_36 = arith.subf %add3A_32, %sub3A : vector<10000x128xf32>
    %mul3A = arith.mulf %sub3A_36, %sub3A_36 : vector<10000x128xf32>
    %reduce_sum3A_37 = arith.constant dense<0.000000e+00> : vector<128xf32>
    %reduce_sum3A_38 = vector.multi_reduction <add>, %mul3A, %reduce_sum3A_37 [0] : vector<10000x128xf32> to vector<128xf32>
    %broadcast_in_dim3A_39 = vector.shape_cast %reduce_sum3A_38 : vector<128xf32> to vector<1x128xf32>
    %div3A_40 = arith.constant 1.000000e+04 : f32
    %div3A_41 = vector.broadcast %div3A_40 : f32 to vector<1x128xf32>
    %div3A_42 = arith.divf %broadcast_in_dim3A_39, %div3A_41 : vector<1x128xf32>
    %add3A_43 = arith.constant 9.99999974E-6 : f32
    %add3A_44 = vector.broadcast %add3A_43 : f32 to vector<1x128xf32>
    %add3A_45 = arith.addf %div3A_42, %add3A_44 : vector<1x128xf32>
    %rsqrt3A = math.rsqrt %add3A_45 : vector<1x128xf32>
    %mul3A_46 = vector.broadcast %rsqrt3A : vector<1x128xf32> to vector<10000x128xf32>
    %mul3A_47 = arith.mulf %sub3A_36, %mul3A_46 : vector<10000x128xf32>
    %get3A_48 = arith.constant 0 : index
    %get3A_49 = arith.constant 0 : index
    %get3A_50 = vector.load %arg6[%get3A_48, %get3A_49] : memref<1x128xf32, #tpu.memory_space<vmem>>, vector<1x128xf32>
    %mul3A_51 = vector.broadcast %get3A_50 : vector<1x128xf32> to vector<10000x128xf32>
    %mul3A_52 = arith.mulf %mul3A_47, %mul3A_51 : vector<10000x128xf32>
    %get3A_53 = arith.constant 0 : index
    %get3A_54 = arith.constant 0 : index
    %get3A_55 = vector.load %arg7[%get3A_53, %get3A_54] : memref<1x128xf32, #tpu.memory_space<vmem>>, vector<1x128xf32>
    %add3A_56 = vector.broadcast %get3A_55 : vector<1x128xf32> to vector<10000x128xf32>
    %add3A_57 = arith.addf %mul3A_52, %add3A_56 : vector<10000x128xf32>
    %max3A_58 = arith.constant 0.000000e+00 : f32
    %max3A_59 = vector.broadcast %max3A_58 : f32 to vector<10000x128xf32>
    %max3A_60 = arith.maximumf %add3A_57, %max3A_59 : vector<10000x128xf32>
    %add3A_61 = arith.addf %max3A_60, %get3A_1 : vector<10000x128xf32>
    %swap3A = arith.constant 0 : index
    %swap3A_62 = arith.constant 0 : index
    %swap3A_63 = vector.load %arg8[%swap3A, %swap3A_62] : memref<10000x128xf32, #tpu.memory_space<vmem>>, vector<10000x128xf32>
    tpu.vector_store %arg8[%swap3A, %swap3A_62], %add3A_61 {strides = array<i32>} : memref<10000x128xf32, #tpu.memory_space<vmem>>, vector<10000x128xf32>,
    %slice3A = vector.extract_strided_slice %add3A_61 {offsets = [0, 0], sizes = [10000, 64], strides = [1, 1]} : vector<10000x128xf32> to vector<10000x64xf32>
    %swap3A_64 = arith.constant 0 : index
    %swap3A_65 = arith.constant 0 : index
    %swap3A_66 = arith.constant 0 : index
    %swap3A_67 = vector.load %arg9[%swap3A_64, %swap3A_65, %swap3A_66] : memref<2x10112x64xf32, #tpu.memory_space<vmem>>, vector<1x10000x64xf32>
    %swap3A_68 = vector.shape_cast %swap3A_67 : vector<1x10000x64xf32> to vector<10000x64xf32>
    %swap3A_69 = vector.shape_cast %slice3A : vector<10000x64xf32> to vector<1x10000x64xf32>
    tpu.vector_store %arg9[%swap3A_64, %swap3A_65, %swap3A_66], %swap3A_69 {strides = array<i32>} : memref<2x10112x64xf32, #tpu.memory_space<vmem>>, vector<1x10000x64xf32>,
    %slice3A_70 = vector.extract_strided_slice %add3A_61 {offsets = [0, 64], sizes = [10000, 64], strides = [1, 1]} : vector<10000x128xf32> to vector<10000x64xf32>
    %swap3A_71 = arith.constant 1 : index
    %swap3A_72 = arith.constant 0 : index
    %swap3A_73 = arith.constant 0 : index
    %swap3A_74 = vector.load %arg9[%swap3A_71, %swap3A_72, %swap3A_73] : memref<2x10112x64xf32, #tpu.memory_space<vmem>>, vector<1x10000x64xf32>
    %swap3A_75 = vector.shape_cast %swap3A_74 : vector<1x10000x64xf32> to vector<10000x64xf32>
    %swap3A_76 = vector.shape_cast %slice3A_70 : vector<10000x64xf32> to vector<1x10000x64xf32>
    tpu.vector_store %arg9[%swap3A_71, %swap3A_72, %swap3A_73], %swap3A_76 {strides = array<i32>} : memref<2x10112x64xf32, #tpu.memory_space<vmem>>, vector<1x10000x64xf32>,
    return
  }
}

module attributes {stable_mosaic.version = 14 : i64} {
  func.func @_tc_block_body(%arg0: memref<10000x128xf32, #tpu.memory_space<vmem>>, %arg1: memref<2x10112x64xf32, #tpu.memory_space<vmem>>, %arg2: memref<128x128xf32, #tpu.memory_space<vmem>>, %arg3: memref<1x128xf32, #tpu.memory_space<vmem>>, %arg4: memref<128x128xf32, #tpu.memory_space<vmem>>, %arg5: memref<1x128xf32, #tpu.memory_space<vmem>>, %arg6: memref<1x128xf32, #tpu.memory_space<vmem>>, %arg7: memref<1x128xf32, #tpu.memory_space<vmem>>, %arg8: memref<10000x128xf32, #tpu.memory_space<vmem>>, %arg9: memref<2x10112x64xf32, #tpu.memory_space<vmem>>) attributes {dimension_semantics = [], scalar_prefetch = 0 : i64, scratch_operands = 0 : i64, tpu.core_type = #tpu.core_type<tc>} {
    %get3A = arith.constant 0 : index
    %get3A_0 = arith.constant 0 : index
    %get3A_1 = vector.load %arg0[%get3A, %get3A_0] : memref<10000x128xf32, #tpu.memory_space<vmem>>, vector<10000x128xf32>
    %get3A_2 = arith.constant 0 : index
    %get3A_3 = arith.constant 0 : index
    %get3A_4 = arith.constant 0 : index
    %get3A_5 = vector.load %arg1[%get3A_2, %get3A_3, %get3A_4] : memref<2x10112x64xf32, #tpu.memory_space<vmem>>, vector<1x10000x64xf32>
    %get3A_6 = vector.shape_cast %get3A_5 : vector<1x10000x64xf32> to vector<10000x64xf32>
    %get3A_7 = arith.constant 1 : index
    %get3A_8 = arith.constant 0 : index
    %get3A_9 = arith.constant 0 : index
    %get3A_10 = vector.load %arg1[%get3A_7, %get3A_8, %get3A_9] : memref<2x10112x64xf32, #tpu.memory_space<vmem>>, vector<1x10000x64xf32>
    %get3A_11 = vector.shape_cast %get3A_10 : vector<1x10000x64xf32> to vector<10000x64xf32>
    %concatenate3A = tpu.concatenate %get3A_6, %get3A_11 in 1 : vector<10000x64xf32>, vector<10000x64xf32> -> vector<10000x128xf32>
    %add3A = arith.addf %get3A_1, %concatenate3A : vector<10000x128xf32>
    %get3A_12 = arith.constant 0 : index
    %get3A_13 = arith.constant 0 : index
    %get3A_14 = vector.load %arg2[%get3A_12, %get3A_13] : memref<128x128xf32, #tpu.memory_space<vmem>>, vector<128x128xf32>
    %dot_general3A = arith.constant dense<0.000000e+00> : vector<10000x128xf32>
    %dot_general3A_15 = tpu.matmul %add3A, %get3A_14, %dot_general3A {dimension_numbers = #tpu.dot_dimension_numbers<[1], [0], [0], [1], [0, 0, 1, 1], [], []>, transpose_lhs_hint = false} : vector<10000x128xf32>, vector<128x128xf32>, vector<10000x128xf32> -> vector<10000x128xf32>
    %get3A_16 = arith.constant 0 : index
    %get3A_17 = arith.constant 0 : index
    %get3A_18 = vector.load %arg3[%get3A_16, %get3A_17] : memref<1x128xf32, #tpu.memory_space<vmem>>, vector<1x128xf32>
    %add3A_19 = vector.broadcast %get3A_18 : vector<1x128xf32> to vector<10000x128xf32>
    %add3A_20 = arith.addf %dot_general3A_15, %add3A_19 : vector<10000x128xf32>
    %max3A = arith.constant 0.000000e+00 : f32
    %max3A_21 = vector.broadcast %max3A : f32 to vector<10000x128xf32>
    %max3A_22 = arith.maximumf %add3A_20, %max3A_21 : vector<10000x128xf32>
    %get3A_23 = arith.constant 0 : index
    %get3A_24 = arith.constant 0 : index
    %get3A_25 = vector.load %arg4[%get3A_23, %get3A_24] : memref<128x128xf32, #tpu.memory_space<vmem>>, vector<128x128xf32>
    %dot_general3A_26 = arith.constant dense<0.000000e+00> : vector<10000x128xf32>
    %dot_general3A_27 = tpu.matmul %max3A_22, %get3A_25, %dot_general3A_26 {dimension_numbers = #tpu.dot_dimension_numbers<[1], [0], [0], [1], [0, 0, 1, 1], [], []>, transpose_lhs_hint = false} : vector<10000x128xf32>, vector<128x128xf32>, vector<10000x128xf32> -> vector<10000x128xf32>
    %get3A_28 = arith.constant 0 : index
    %get3A_29 = arith.constant 0 : index
    %get3A_30 = vector.load %arg5[%get3A_28, %get3A_29] : memref<1x128xf32, #tpu.memory_space<vmem>>, vector<1x128xf32>
    %add3A_31 = vector.broadcast %get3A_30 : vector<1x128xf32> to vector<10000x128xf32>
    %add3A_32 = arith.addf %dot_general3A_27, %add3A_31 : vector<10000x128xf32>
    %reduce_sum3A = arith.constant dense<0.000000e+00> : vector<128xf32>
    %reduce_sum3A_33 = vector.multi_reduction <add>, %add3A_32, %reduce_sum3A [0] : vector<10000x128xf32> to vector<128xf32>
    %broadcast_in_dim3A = vector.shape_cast %reduce_sum3A_33 : vector<128xf32> to vector<1x128xf32>
    %div3A = arith.constant 1.000000e+04 : f32
    %div3A_34 = vector.broadcast %div3A : f32 to vector<1x128xf32>
    %div3A_35 = arith.divf %broadcast_in_dim3A, %div3A_34 : vector<1x128xf32>
    %sub3A = vector.broadcast %div3A_35 : vector<1x128xf32> to vector<10000x128xf32>
    %sub3A_36 = arith.subf %add3A_32, %sub3A : vector<10000x128xf32>
    %mul3A = arith.mulf %sub3A_36, %sub3A_36 : vector<10000x128xf32>
    %reduce_sum3A_37 = arith.constant dense<0.000000e+00> : vector<128xf32>
    %reduce_sum3A_38 = vector.multi_reduction <add>, %mul3A, %reduce_sum3A_37 [0] : vector<10000x128xf32> to vector<128xf32>
    %broadcast_in_dim3A_39 = vector.shape_cast %reduce_sum3A_38 : vector<128xf32> to vector<1x128xf32>
    %div3A_40 = arith.constant 1.000000e+04 : f32
    %div3A_41 = vector.broadcast %div3A_40 : f32 to vector<1x128xf32>
    %div3A_42 = arith.divf %broadcast_in_dim3A_39, %div3A_41 : vector<1x128xf32>
    %add3A_43 = arith.constant 9.99999974E-6 : f32
    %add3A_44 = vector.broadcast %add3A_43 : f32 to vector<1x128xf32>
    %add3A_45 = arith.addf %div3A_42, %add3A_44 : vector<1x128xf32>
    %rsqrt3A = math.rsqrt %add3A_45 : vector<1x128xf32>
    %mul3A_46 = vector.broadcast %rsqrt3A : vector<1x128xf32> to vector<10000x128xf32>
    %mul3A_47 = arith.mulf %sub3A_36, %mul3A_46 : vector<10000x128xf32>
    %get3A_48 = arith.constant 0 : index
    %get3A_49 = arith.constant 0 : index
    %get3A_50 = vector.load %arg6[%get3A_48, %get3A_49] : memref<1x128xf32, #tpu.memory_space<vmem>>, vector<1x128xf32>
    %mul3A_51 = vector.broadcast %get3A_50 : vector<1x128xf32> to vector<10000x128xf32>
    %mul3A_52 = arith.mulf %mul3A_47, %mul3A_51 : vector<10000x128xf32>
    %get3A_53 = arith.constant 0 : index
    %get3A_54 = arith.constant 0 : index
    %get3A_55 = vector.load %arg7[%get3A_53, %get3A_54] : memref<1x128xf32, #tpu.memory_space<vmem>>, vector<1x128xf32>
    %add3A_56 = vector.broadcast %get3A_55 : vector<1x128xf32> to vector<10000x128xf32>
    %add3A_57 = arith.addf %mul3A_52, %add3A_56 : vector<10000x128xf32>
    %max3A_58 = arith.constant 0.000000e+00 : f32
    %max3A_59 = vector.broadcast %max3A_58 : f32 to vector<10000x128xf32>
    %max3A_60 = arith.maximumf %add3A_57, %max3A_59 : vector<10000x128xf32>
    %add3A_61 = arith.addf %max3A_60, %get3A_1 : vector<10000x128xf32>
    %swap3A = arith.constant 0 : index
    %swap3A_62 = arith.constant 0 : index
    %swap3A_63 = vector.load %arg8[%swap3A, %swap3A_62] : memref<10000x128xf32, #tpu.memory_space<vmem>>, vector<10000x128xf32>
    tpu.vector_store %arg8[%swap3A, %swap3A_62], %add3A_61 {strides = array<i32>} : memref<10000x128xf32, #tpu.memory_space<vmem>>, vector<10000x128xf32>,
    %slice3A = vector.extract_strided_slice %add3A_61 {offsets = [0, 0], sizes = [10000, 64], strides = [1, 1]} : vector<10000x128xf32> to vector<10000x64xf32>
    %swap3A_64 = arith.constant 0 : index
    %swap3A_65 = arith.constant 0 : index
    %swap3A_66 = arith.constant 0 : index
    %swap3A_67 = vector.load %arg9[%swap3A_64, %swap3A_65, %swap3A_66] : memref<2x10112x64xf32, #tpu.memory_space<vmem>>, vector<1x10000x64xf32>
    %swap3A_68 = vector.shape_cast %swap3A_67 : vector<1x10000x64xf32> to vector<10000x64xf32>
    %swap3A_69 = vector.shape_cast %slice3A : vector<10000x64xf32> to vector<1x10000x64xf32>
    tpu.vector_store %arg9[%swap3A_64, %swap3A_65, %swap3A_66], %swap3A_69 {strides = array<i32>} : memref<2x10112x64xf32, #tpu.memory_space<vmem>>, vector<1x10000x64xf32>,
    %slice3A_70 = vector.extract_strided_slice %add3A_61 {offsets = [0, 64], sizes = [10000, 64], strides = [1, 1]} : vector<10000x128xf32> to vector<10000x64xf32>
    %swap3A_71 = arith.constant 1 : index
    %swap3A_72 = arith.constant 0 : index
    %swap3A_73 = arith.constant 0 : index
    %swap3A_74 = vector.load %arg9[%swap3A_71, %swap3A_72, %swap3A_73] : memref<2x10112x64xf32, #tpu.memory_space<vmem>>, vector<1x10000x64xf32>
    %swap3A_75 = vector.shape_cast %swap3A_74 : vector<1x10000x64xf32> to vector<10000x64xf32>
    %swap3A_76 = vector.shape_cast %slice3A_70 : vector<10000x64xf32> to vector<1x10000x64xf32>
    tpu.vector_store %arg9[%swap3A_71, %swap3A_72, %swap3A_73], %swap3A_76 {strides = array<i32>} : memref<2x10112x64xf32, #tpu.memory_space<vmem>>, vector<1x10000x64xf32>,
    return
  }
}

module attributes {stable_mosaic.version = 14 : i64} {
  func.func @_tc_post_body(%arg0: memref<10000x128xf32, #tpu.memory_space<vmem>>, %arg1: memref<128x128xf32, #tpu.memory_space<vmem>>, %arg2: memref<1x128xf32, #tpu.memory_space<vmem>>, %arg3: memref<8x128xf32, #tpu.memory_space<vmem>>, %arg4: memref<8x128xf32, #tpu.memory_space<vmem>>) attributes {dimension_semantics = [], scalar_prefetch = 0 : i64, scratch_operands = 0 : i64, tpu.core_type = #tpu.core_type<tc>} {
    %get3A = arith.constant 0 : index
    %get3A_0 = arith.constant 0 : index
    %get3A_1 = vector.load %arg0[%get3A, %get3A_0] : memref<10000x128xf32, #tpu.memory_space<vmem>>, vector<10000x128xf32>
    %reduce_sum3A = arith.constant dense<0.000000e+00> : vector<128xf32>
    %reduce_sum3A_2 = vector.multi_reduction <add>, %get3A_1, %reduce_sum3A [0] : vector<10000x128xf32> to vector<128xf32>
    %broadcast_in_dim3A = vector.shape_cast %reduce_sum3A_2 : vector<128xf32> to vector<1x128xf32>
    %div3A = arith.constant 1.000000e+04 : f32
    %div3A_3 = vector.broadcast %div3A : f32 to vector<1x128xf32>
    %div3A_4 = arith.divf %broadcast_in_dim3A, %div3A_3 : vector<1x128xf32>
    %broadcast_in_dim3A_5 = vector.shape_cast %div3A_4 : vector<1x128xf32> to vector<1x128xf32>
    %broadcast_in_dim3A_6 = vector.broadcast %broadcast_in_dim3A_5 : vector<1x128xf32> to vector<8x128xf32>
    %swap3A = arith.constant 0 : index
    %swap3A_7 = arith.constant 0 : index
    %swap3A_8 = vector.load %arg3[%swap3A, %swap3A_7] : memref<8x128xf32, #tpu.memory_space<vmem>>, vector<8x128xf32>
    tpu.vector_store %arg3[%swap3A, %swap3A_7], %broadcast_in_dim3A_6 {strides = array<i32>} : memref<8x128xf32, #tpu.memory_space<vmem>>, vector<8x128xf32>,
    %get3A_9 = arith.constant 0 : index
    %get3A_10 = arith.constant 0 : index
    %get3A_11 = vector.load %arg1[%get3A_9, %get3A_10] : memref<128x128xf32, #tpu.memory_space<vmem>>, vector<128x128xf32>
    %dot_general3A = arith.constant dense<0.000000e+00> : vector<8x128xf32>
    %dot_general3A_12 = tpu.matmul %broadcast_in_dim3A_6, %get3A_11, %dot_general3A {dimension_numbers = #tpu.dot_dimension_numbers<[1], [0], [0], [1], [0, 0, 1, 1], [], []>, transpose_lhs_hint = false} : vector<8x128xf32>, vector<128x128xf32>, vector<8x128xf32> -> vector<8x128xf32>
    %get3A_13 = arith.constant 0 : index
    %get3A_14 = arith.constant 0 : index
    %get3A_15 = vector.load %arg2[%get3A_13, %get3A_14] : memref<1x128xf32, #tpu.memory_space<vmem>>, vector<1x128xf32>
    %add3A = vector.broadcast %get3A_15 : vector<1x128xf32> to vector<8x128xf32>
    %add3A_16 = arith.addf %dot_general3A_12, %add3A : vector<8x128xf32>
    %swap3A_17 = arith.constant 0 : index
    %swap3A_18 = arith.constant 0 : index
    %swap3A_19 = vector.load %arg4[%swap3A_17, %swap3A_18] : memref<8x128xf32, #tpu.memory_space<vmem>>, vector<8x128xf32>
    tpu.vector_store %arg4[%swap3A_17, %swap3A_18], %add3A_16 {strides = array<i32>} : memref<8x128xf32, #tpu.memory_space<vmem>>, vector<8x128xf32>,
    return
  }
}

</mosaic_0001>

<sc_bundles>
// kernel: kernel.10.cloned.1.call-start
scs
__scs_entry_jumppad:
0x0: {  	(pc) =	sbr.rel $0x88, $3  }
0x1: {  	(tag) =	ssettag $0x0;
	lr =	simm.s32 $0x1  }
0x2: {  	[smem:$0x3F93] =	sst lr;
	_ =	strace $0xD0000000  }
0x3: {  	_ = 	snop  }
0x4: {  	_ = 	snop  }
0x5: {  	_ = 	snop  }
0x6: {  	_ = 	snop  }
0x7: {  	_ = 	snop  }
__scs_overlays_trampoline_lowered:
0x8: {  	[smem:$0x3FA2] =	sst s0  }
0x9: {  	[smem:$0x3FA3] =	sst s1  }
0xa: {  	[smem:$0x3FA4] =	sst s2  }
0xb: {  	[smem:$0x3FA5] =	sst s3  }
0xc: {  	[smem:$0x3FA6] =	sst s4  }
0xd: {  	[smem:$0x3FA7] =	sst s5  }
0xe: {  	[smem:$0x3FA8] =	sst s6  }
0xf: {  	[smem:$0x3FA9] =	sst s7  }
0x10: {  	[smem:$0x3FAA] =	sst s8  }
0x11: {  	[smem:$0x3FAB] =	sst s9;
	s0 =	simm.s32 @!p0 $0x0  }
0x12: {  	s1 =	sld [smem:$0x3F91];
	s0 =	simm.s32 @p0 $0x1  }
0x13: {  	[smem:$0x3FAC] =	sst s0;
	s0 =	simm.s32 @!p1 $0x0  }
0x14: {  	s2 =	sld [smem:$0x3F90];
	s0 =	simm.s32 @p1 $0x1  }
0x15: {  	[smem:$0x3FAD] =	sst s0;
	s0 =	simm.s32 @!p2 $0x0  }
0x16: {  	s3 =	sld [smem:$0x3FDB];
	s0 =	simm.s32 @p2 $0x1  }
0x17: {  	s4 =	simm.s32 $0x1BF5;
	[smem:$0x3FAF] =	sst s0  }
0x18: {  	s0 =	sld [smem:$0x3F92];
	_ =	swait.ge [sflag:s4], $0x0  }
0x19: {  	s7 =	sld [smem:$0x3F93]  }
0x1a: {  	s8 =	sadd.s32 $0xFFFFE003, lr  }
0x1b: {  	s9 =	sadd.s32 $0xFFFFFEF7, lr;
	s5 =	simm.s32 $0xFFFFFFFF;
	p2 =	slt.u32 s8, $0xFFFFF086  }
0x1c: {  	p1 =	slt.u32 s9, $0xF7A;
	s5 =	simm.s32 @!p2 $0x0  }
0x1d: {  	s5 =	simm.s32 @p1 $0x1;
	p0 =	seq.s32 s7, s2  }
0x1e: {  	s7 =	smul.u32 @!p0 $0xF7A, s2;
	p2 =	seq.s32 @!p0 s5, $0x0  }
0x1f: {  	s9 =	smul.u32 $0xF7A, s1;
	s8 =	simm.s32 @!p0 $0x1BF5;
	p2 =	por !p2, p0  }
0x20: {  	[sflag:s8] =	ssyncset.s32 @!p0 $0xFFFFF086;
	s6 =	sadd.s32 @!p0 s3, s7;
	s7 =	simm.s32 @!p0 $0x108  }
0x21: {  	s3 =	sadd.s32 s3, s9;
	s6 =	sadd.s32 @!p0 $0x88, s6;
	s7 =	simm.s32 @p2 $0x1082  }
0x22: {  	[simem:s7], [sflag:s8] =	dma.local @!p0 [hbm:s6], $0xF7A  }
0x23: {  	s9 =	sor.u32 $0xD0000000, s2;
	s6 =	simm.s32 $0x108;
	_ =	swait.ge @!p0 [sflag:s8], $0x0  }
0x24: {  	s3 =	sadd.s32 $0x88, s3;
	s6 =	simm.s32 @!p1 $0x1082;
	[sflag:s4] =	ssyncset.s32 $0xFFFFF086  }
0x25: {  	[simem:s6], [sflag:s4] =	dma.local [hbm:s3], $0xF7A  }
0x26: {  	[smem:$0x3F93] =	sst s1;
	(tag) =	ssettag s2;
	_ =	strace s9  }
0x27: {  	s1 =	sld [smem:$0x3FA3]  }
0x28: {  	s2 =	sld [smem:$0x3FA4]  }
0x29: {  	s4 =	sld [smem:$0x3FA6]  }
0x2a: {  	p0 =	seq.s32 s5, $0x0;
	s5 =	sld [smem:$0x3FA7]  }
0x2b: {  	s6 =	sld [smem:$0x3FA8]  }
0x2c: {  	s7 =	sld [smem:$0x3FA9]  }
0x2d: {  	s3 =	simm.s32 $0x108;
	s8 =	sld [smem:$0x3FAA]  }
0x2e: {  	s3 =	simm.s32 @!p0 $0x1082;
	s9 =	sld [smem:$0x3FAB]  }
0x2f: {  	lr =	sadd.s32 s0, s3;
	s0 =	sld [smem:$0x3FA2]  }
0x30: {  	s3 =	sld [smem:$0x3FA5]  }
0x31: {  	[smem:$0x3FAE] =	sst s10  }
0x32: {  	s10 =	sld [smem:$0x3FAC];
	_ =	sdelay $0x3  }
0x33: {  	p0 =	seq.s32 s10, $0x1;
	s10 =	sld [smem:$0x3FAE];
	_ =	sdelay $0x3  }
0x34: {  	[smem:$0x3FAE] =	sst s10  }
0x35: {  	s10 =	sld [smem:$0x3FAD];
	_ =	sdelay $0x3  }
0x36: {  	p1 =	seq.s32 s10, $0x1;
	s10 =	sld [smem:$0x3FAE];
	_ =	sdelay $0x3  }
0x37: {  	[smem:$0x3FAE] =	sst s10  }
0x38: {  	s10 =	sld [smem:$0x3FAF]  }
0x39: {  	_ = 	snop;
	(pc) =	sbr.ind lr, $3  }
0x3a: {  	_ = 	snop  }
0x3b: {  	_ = 	snop  }
0x3c: {  	p2 =	seq.s32 s10, $0x1;
	s10 =	sld [smem:$0x3FAE]  }
0x3d: {  	_ =	shalt  }
0x3e: {  	_ =	shalt  }
0x3f: {  	_ =	shalt  }
0x40: {  	_ =	shalt  }
0x41: {  	_ =	shalt  }
0x42: {  	_ =	shalt  }
0x43: {  	_ =	shalt  }
0x44: {  	_ =	shalt  }
0x45: {  	_ =	shalt  }
0x46: {  	_ =	shalt  }
0x47: {  	_ =	shalt  }
0x48: {  	_ =	shalt  }
0x49: {  	_ =	shalt  }
0x4a: {  	_ =	shalt  }
0x4b: {  	_ =	shalt  }
0x4c: {  	_ =	shalt  }
0x4d: {  	_ =	shalt  }
0x4e: {  	_ =	shalt  }
0x4f: {  	_ =	shalt  }
0x50: {  	_ =	shalt  }
0x51: {  	_ =	shalt  }
0x52: {  	_ =	shalt  }
0x53: {  	_ =	shalt  }
0x54: {  	_ =	shalt  }
0x55: {  	_ =	shalt  }
0x56: {  	_ =	shalt  }
0x57: {  	_ =	shalt  }
0x58: {  	_ =	shalt  }
0x59: {  	_ =	shalt  }
0x5a: {  	_ =	shalt  }
0x5b: {  	_ =	shalt  }
0x5c: {  	_ =	shalt  }
0x5d: {  	_ =	shalt  }
0x5e: {  	_ =	shalt  }
0x5f: {  	_ =	shalt  }
0x60: {  	_ =	shalt  }
0x61: {  	_ =	shalt  }
0x62: {  	_ =	shalt  }
0x63: {  	_ =	shalt  }
0x64: {  	_ =	shalt  }
0x65: {  	_ =	shalt  }
0x66: {  	_ =	shalt  }
0x67: {  	_ =	shalt  }
0x68: {  	_ =	shalt  }
0x69: {  	_ =	shalt  }
0x6a: {  	_ =	shalt  }
0x6b: {  	_ =	shalt  }
0x6c: {  	_ =	shalt  }
0x6d: {  	_ =	shalt  }
0x6e: {  	_ =	shalt  }
0x6f: {  	_ =	shalt  }
0x70: {  	_ =	shalt  }
0x71: {  	_ =	shalt  }
0x72: {  	_ =	shalt  }
0x73: {  	_ =	shalt  }
0x74: {  	_ =	shalt  }
0x75: {  	_ =	shalt  }
0x76: {  	_ =	shalt  }
0x77: {  	_ =	shalt  }
0x78: {  	_ =	shalt  }
0x79: {  	_ =	shalt  }
0x7a: {  	_ =	shalt  }
0x7b: {  	_ =	shalt  }
0x7c: {  	_ =	shalt  }
0x7d: {  	_ =	shalt  }
0x7e: {  	_ =	shalt  }
0x7f: {  	_ =	shalt  }
0x80: {  	_ =	shalt  }
0x81: {  	_ =	shalt  }
0x82: {  	_ =	shalt  }
0x83: {  	_ =	shalt  }
0x84: {  	_ =	shalt  }
0x85: {  	_ =	shalt  }
0x86: {  	_ =	shalt  }
0x87: {  	_ =	shalt  }
.Lfunc_end0:
.L_simem_size_0:
called_computation_lowered:
.L_overlay_start_0:
0x88: {  	s2 =	sld [smem:$0x3FD9]  }
0x89: {  	s3 =	sld [smem:$0x3FFE];
	_ =	sdelay $0x1  }
0x8a: {  	s1 =	srdreg.scid  }
0x8b: {  	s0 =	sand.u32 $0x1, s1  }
0x8c: {  	s16 =	sshll.u32 s0, $0xA;
	s2 =	sadd.s32 s3, s2  }
0x8d: {  	s2 =	sadd.s32 s2, s16  }
0x8e: {  	[smem:$0x3FBA] =	sst s2  }
0x8f: {  	_ = 	snop  }
0x90: {  	(tm) =	ssettm $0x1  }
0x91: {  	s17 =	sld [smem:$0x3FFB];
	_ =	sdelay $0x3  }
0x92: {  	_ =	strace s17  }
0x93: {  	s2 =	sld [smem:$0x3FFC];
	_ =	sdelay $0x3  }
0x94: {  	_ =	strace s2  }
0x95: {  	s2 =	sld [smem:$0x3FFD];
	_ =	sdelay $0x3  }
0x96: {  	_ =	strace s2  }
0x97: {  	_ =	strace $0x8FFFFFFF  }
0x98: {  	s18 =	sld [smem:$0x3FDB];
	_ =	sdelay $0x1  }
0x99: {  	s19 =	simm.s32 $_scs_section_size  }
0x9a: {  	s4 =	simm.s32 $_size__tile_overlayer_lowered;
	s5 =	simm.s32 $_tile_overlayer_lowered  }
0x9b: {  	s22 =	simm.s32 $0x1BFF;
	s21 =	sshll.u32 s5, $0x1;
	s2 =	sadd.s32 s19, s18  }
0x9c: {  	s6 =	simm.s32 $0x0;
	s20 =	sshll.u32 s4, $0x1;
	s4 =	sadd.s32 s21, s2  }
0x9d: {  	[timem:s6], [sflag:s22] =	dma.local [hbm:s4], s20  }
0x9e: {  	_ =	swait.ge [sflag:s22], s20  }
0x9f: {  	s3 =	ssub.s32 $0x0, s20;
	[sflag:s22] =	ssyncset.done $0x0  }
0xa0: {  	[sflag:s22] =	ssyncadd.s32 s3;
	_ =	sdelay $0x1  }
0xa1: {  	s23 =	simm.s32 $0x1B8B  }
0xa2: {  	_ =	swait.ge [sflag:s23], $0x1  }
0xa3: {  	[sflag:s23] =	ssyncset.done $0x0  }
0xa4: {  	s25 =	simm.s32 $0x1B8E;
	s24 =	sld [smem:$0x3FFE];
	[sflag:s23] =	ssyncadd.s32 $0xFFFFFFFF  }
0xa5: {  	s26 =	simm.s32 $execute0_lowered;
	[smem:$0x3FD2] =	sst s25  }
0xa6: {  	s4 =	sshll.u32 s26, $0x1;
	_ =	strace $0x80000046;
	[dreg:$0x1] =	wrdreg $0xFFFFFFFF  }
0xa7: {  	s28 =	simm.s32 $_size_execute0_lowered;
	s2 =	sadd.s32 s2, s4;
	[dreg:$0x0] =	wrdreg $0x0  }
0xa8: {  	s4 =	sshll.u32 s28, $0x1;
	[dreg:$0x2] =	wrdreg s2  }
0xa9: {  	[dreg:$0x3] =	wrdreg s4  }
0xaa: {  	[dreg:$0x4] =	wrdreg $0xC0  }
0xab: {  	_ =	task [dreg:s6], $0x5FFFF  }
0xac: {  	[dreg:$0x1] =	wrdreg $0xFFFFFFFF  }
0xad: {  	[dreg:$0x0] =	wrdreg $0x60  }
0xae: {  	[dreg:$0x2] =	wrdreg s24  }
0xaf: {  	[dreg:$0x3] =	wrdreg $0x0  }
0xb0: {  	[dreg:$0x4] =	wrdreg $0x9E000  }
0xb1: {  	[dreg:$0x5] =	wrdreg $0x9  }
0xb2: {  	_ =	task.clear_ibuf [dreg:s6], $0x6FFFF;
	_ =	strace $0x90000046  }
0xb3: {  	s29 =	simm.s32 $0x9;
	_ =	strace $0x80000048  }
0xb4: {  	_ =	swait.ge [sflag:s29], $0x1  }
0xb5: {  	[sflag:s29] =	ssyncadd.s32 $0xFFFFFFFF  }
0xb6: {  	_ =	strace $0x90000048  }
0xb7: {  	_ =	sfence  }
0xb8: {  	s30 =	sld [smem:$0x0];
	_ =	sdelay $0x2  }
0xb9: {  	s31 =	sshll.u32 s1, $0xD;
	s1 =	sshrl.u32 s1, $0x2  }
0xba: {  	s3 =	sand.u32 $0x4000, s31;
	s1 =	sadd.s32 s1, s30  }
0xbb: {  	s0 =	sor.u32 s3, s0;
	s1 =	sshll.u32 s1, $0x11  }
0xbc: {  	s0 =	sor.u32 s1, s0  }
0xbd: {  	s0 =	sadd.s32 $0x8F2B, s0  }
0xbe: {  	[sflag:s0] =	ssyncadd.remote.s32 $0x1  }
0xbf: {  	_ =	sfence.sel $0xFFFF  }
0xc0: {  	[dreg:$0x0] =	wrdreg $0xFFFFFFFF;
	(pc) =	sbr.abs _section_cstart, $3  }
0xc1: {  	[dreg:$0x1] =	wrdreg $0xFFFFFFFF  }
0xc2: {  	_ =	task.clear_ibuf [dreg:s6], $0x2FFFF;
	_ =	strace $0x9FFFFFFF  }
0xc3: {  	(tm) =	ssettm $0x7FFFFFFF  }
tec
execute0_lowered:
.L_overlay_start_1:
0x0: {  	(tag) =	ssettag $0x1  }
0x1: {  	s0 =	rddreg [dreg:$0x0]  }
0x2: {  	s2 =	rddreg [dreg:$0x1]  }
0x3: {  	s3 =	rddreg [dreg:$0x2]  }
0x4: {  	s5 =	srdreg.scid;
	s1 =	stileid.u32  }
0x5: {  	s4 =	simm.s32 $0x0;
	s19 =	simm.s32 $0x3;
	s20 =	simm.s32 $0x18C00  }
0x6: {  	s21 =	simm.s32 $0x13C00;
	s22 =	simm.s32 $0x16400;
	s23 =	simm.s32 $0x80  }
0x7: {  	s24 =	simm.s32 $0x13C80;
	s25 =	simm.s32 $0x1AC00;
	s28 =	simm.s32 $0x2  }
0x8: {  	s29 =	simm.s32 $0x18B00;
	s30 =	simm.s32 $0x18B80;
	s7 =	smul.u32 $0x9E00, s1  }
0x9: {  	s5 =	sand.u32 $0x1, s5;
	[smem:$0x7FF] =	sst s4;
	s9 =	smul.u32 $0x27800, s1  }
0xa: {  	s14 =	sadd.s32 $0x34600, s0;
	s15 =	sadd.s32 $0x2A600, s0;
	s10 =	smul.u32 $0x5000, s1  }
0xb: {  	s31 =	sshll.u32 s1, $0x6;
	s6 =	smul.u32 $0x9E000, s5;
	s5 =	ssub.s32 $0x2, s5  }
0xc: {  	s13 =	smul.u32 $0xA00, s1;
	_ =	strace $0x80000047;
	s8 =	sshrl.u32 s5, $0x1  }
0xd: {  	s18 =	sadd.s32 s7, s2;
	s26 =	sshrl.u32 s9, $0x2;
	s12 =	sshrl.u32 s10, $0x3  }
0xe: {  	s6 =	sadd.s32 s7, s6;
	s17 =	ssub.s32 s5, s8;
	s11 =	sadd.s32 s26, s3  }
0xf: {  	s7 =	sadd.s32 s7, s3;
	s16 =	sadd.s32 $0x500, s12;
	s12 =	sadd.s32 s14, s13  }
0x10: {  	s13 =	sadd.s32 s15, s13;
	s18 =	sshrl.u32 s18, $0x3;
	s26 =	simm.s32 $0x1  }
0x11: {  	s6 =	sshrl.u32 s6, $0x3;
	s8 =	sadd.s32 $0x2000, s11;
	s9 =	sadd.s32 $0x4000, s11  }
0x12: {  	s10 =	sadd.s32 $0x6000, s11;
	s11 =	sadd.s32 $0x8000, s11;
	s14 =	sadd.s32 s14, s16  }
0x13: {  	s15 =	sadd.s32 s15, s16;
	s17 =	smax.u32 s17, $0x1;
	s0 =	sadd.s32 s6, s0  }
0x14: {  	v0 =	vimm.f32 $0.0e+00;
	s6 =	sor.u32 $0x1C03, s31;
	s5 =	sadd.s32 $0x2E00, s0;
	s16 =	sadd.s32 $0x3E600, s0  }
.LBB2_1:
0x15: {  	[spmem:s18], [sflag:s6] =	dma.local [hbm:s5], $0x13C0  }
0x16: {  	_ =	swait.ge [sflag:s19], $0x13C0  }
0x17: {  	[sflag:s19] =	ssyncset.done $0x0  }
0x18: {  	s0 =	simm.s32 $0x100;
	s31 =	simm.s32 $0x0;
	[sflag:s19] =	ssyncadd.s32 $0xFFFFEC40  }
.LBB2_2:
0x19: {  	p0 =	sne.s32 s0, $0x7F00;
	[tilespmem:s31+$0x18C30] =	vst v0;
	s1 =	smov.u32 s0;
	s0 =	sadd.s32 $0x100, s0  }
.Ltmp0:
0x1a: {  	[tilespmem:s31+$0x18C20] =	vst v0;
	(pc) =	sbr.rel @p0 .LBB2_2-.Ltmp0, $3  }
0x1b: {  	[tilespmem:s31+$0x18C00] =	vst v0  }
0x1c: {  	[tilespmem:s31+$0x18C10] =	vst v0;
	_ =	sdelay $0x1  }
0x1d: {  	s31 =	sshra.s32 s1, $0x2  }
0x1e: {  	[tilespmem:s31+$0x18C30] =	vst v0  }
0x1f: {  	[tilespmem:s31+$0x18C20] =	vst v0  }
0x20: {  	[tilespmem:s31+$0x18C00] =	vst v0  }
0x21: {  	[tilespmem:s31+$0x18C10] =	vst v0  }
0x22: {  	[spmem:s7] =	stream.linear.scatter [tilespmem:s20], [sflag:$0x3], $0x2000, $0x38;
	[tilespmem:$0x1CC00] =	vst v63  }
0x23: {  	_ =	swait.ge [sflag:s19], $0x2000  }
0x24: {  	[sflag:s19] =	ssyncset.done $0x0  }
0x25: {  	[sflag:s19] =	ssyncadd.s32 $0xFFFFE000  }
0x26: {  	[spmem:s8] =	stream.linear.scatter [tilespmem:s20], [sflag:$0x3], $0x2000, $0x38;
	[tilespmem:$0x1CC00] =	vst v63  }
0x27: {  	_ =	swait.ge [sflag:s19], $0x2000  }
0x28: {  	[sflag:s19] =	ssyncset.done $0x0  }
0x29: {  	[sflag:s19] =	ssyncadd.s32 $0xFFFFE000  }
0x2a: {  	[spmem:s9] =	stream.linear.scatter [tilespmem:s20], [sflag:$0x3], $0x2000, $0x38;
	[tilespmem:$0x1CC00] =	vst v63  }
0x2b: {  	_ =	swait.ge [sflag:s19], $0x2000  }
0x2c: {  	[sflag:s19] =	ssyncset.done $0x0  }
0x2d: {  	[sflag:s19] =	ssyncadd.s32 $0xFFFFE000  }
0x2e: {  	[spmem:s10] =	stream.linear.scatter [tilespmem:s20], [sflag:$0x3], $0x2000, $0x38;
	[tilespmem:$0x1CC00] =	vst v63  }
0x2f: {  	_ =	swait.ge [sflag:s19], $0x2000  }
0x30: {  	[sflag:s19] =	ssyncset.done $0x0  }
0x31: {  	[sflag:s19] =	ssyncadd.s32 $0xFFFFE000  }
0x32: {  	[spmem:s11] =	stream.linear.scatter [tilespmem:s20], [sflag:$0x3], $0x1E00, $0x38;
	[tilespmem:$0x1CC00] =	vst v63  }
0x33: {  	_ =	swait.ge [sflag:s19], $0x1E00  }
0x34: {  	[sflag:s19] =	ssyncset.done $0x0  }
0x35: {  	[sflag:s19] =	ssyncadd.s32 $0xFFFFE200  }
0x36: {  	s0 =	simm.s32 $0x0;
	[bflag:$0x0] =	sbarrier.arrive $0xFFFF  }
0x37: {  	[tilespmem:s21], [sflag:$0x3] =	stream.linear.gather [hbm4b:s12+s0], $0x2800, $0x38;
	[tilespmem:$0x1CC00] =	vst v63  }
0x38: {  	_ =	swait.ge [sflag:s19], $0x2800  }
0x39: {  	[sflag:s19] =	ssyncset.done $0x0  }
0x3a: {  	[sflag:s19] =	ssyncadd.s32 $0xFFFFD800  }
0x3b: {  	[tilespmem:s22], [sflag:$0x3] =	stream.linear.gather [hbm4b:s13+s0], $0x2800, $0x38;
	[tilespmem:$0x1CC00] =	vst v63  }
0x3c: {  	_ =	swait.ge [sflag:s19], $0x2800  }
0x3d: {  	[sflag:s19] =	ssyncset.done $0x0  }
0x3e: {  	[sflag:s19] =	ssyncadd.s32 $0xFFFFD800  }
0x3f: {  	[tilespmem:s20], [sflag:$0x1] =	stream.indirect.gather [spmem:s2], $0x40, s21, s23, $0xb8;
	[tilespmem:$0x1CC00] =	vst v63  }
0x40: {  	_ = 	snop  }
0x41: {  	[tilespmem:s25], [sflag:$0x2] =	stream.indirect.gather [spmem:s2], $0x40, s24, s23, $0xb8;
	[tilespmem:$0x1CC00] =	vst v63  }
0x42: {  	_ =	swait.ge [sflag:s26], $0x2000  }
0x43: {  	[sflag:s26] =	ssyncset.done $0x0  }
0x44: {  	s1 =	simm.s32 $0x16400;
	[sflag:s26] =	ssyncadd.s32 $0xFFFFE000  }
0x45: {  	[spmem:s3] =	stream.indirect.scatter.add.f32 [tilespmem:s20], [sflag:$0x3], $0x40, s1, s23, $0xb8;
	[tilespmem:$0x1CC00] =	vst v63  }
0x46: {  	_ =	swait.ge [sflag:s19], $0x2000  }
0x47: {  	[sflag:s19] =	ssyncset.done $0x0  }
0x48: {  	s1 =	simm.s32 $0x13D00;
	[sflag:s19] =	ssyncadd.s32 $0xFFFFE000  }
0x49: {  	[tilespmem:s20], [sflag:$0x1] =	stream.indirect.gather [spmem:s2], $0x40, s1, s23, $0xb8;
	[tilespmem:$0x1CC00] =	vst v63  }
0x4a: {  	_ =	swait.ge [sflag:s28], $0x2000  }
0x4b: {  	[sflag:s28] =	ssyncset.done $0x0  }
0x4c: {  	s1 =	simm.s32 $0x16480;
	[sflag:s28] =	ssyncadd.s32 $0xFFFFE000  }
0x4d: {  	[spmem:s3] =	stream.indirect.scatter.add.f32 [tilespmem:s25], [sflag:$0x3], $0x40, s1, s23, $0xb8;
	[tilespmem:$0x1CC00] =	vst v63  }
0x4e: {  	_ =	swait.ge [sflag:s19], $0x2000  }
0x4f: {  	[sflag:s19] =	ssyncset.done $0x0  }
0x50: {  	s31 =	simm.s32 $0x400;
	s0 =	simm.s32 $0x13D80;
	[sflag:s19] =	ssyncadd.s32 $0xFFFFE000  }
.LBB2_4:
0x51: {  	[tilespmem:s25], [sflag:$0x2] =	stream.indirect.gather [spmem:s2], $0x40, s0, s23, $0xb8;
	[tilespmem:$0x1CC00] =	vst v63  }
0x52: {  	s0 =	smov.u32 s31  }
0x53: {  	p0 =	sne.s32 s31, $0x9800;
	s31 =	sadd.s32 $0x400, s31;
	_ =	swait.ge [sflag:s26], $0x2000  }
0x54: {  	s0 =	sshra.s32 s0, $0x2;
	[sflag:s26] =	ssyncset.done $0x0  }
0x55: {  	s1 =	sadd.s32 $0x16400, s0;
	[sflag:s26] =	ssyncadd.s32 $0xFFFFE000  }
0x56: {  	[spmem:s3] =	stream.indirect.scatter.add.f32 [tilespmem:s20], [sflag:$0x3], $0x40, s1, s23, $0xb8;
	[tilespmem:$0x1CC00] =	vst v63  }
0x57: {  	_ =	swait.ge [sflag:s19], $0x2000  }
0x58: {  	[sflag:s19] =	ssyncset.done $0x0  }
0x59: {  	s1 =	sadd.s32 $0x13D00, s0;
	[sflag:s19] =	ssyncadd.s32 $0xFFFFE000  }
0x5a: {  	[tilespmem:s20], [sflag:$0x1] =	stream.indirect.gather [spmem:s2], $0x40, s1, s23, $0xb8;
	[tilespmem:$0x1CC00] =	vst v63  }
0x5b: {  	_ =	swait.ge [sflag:s28], $0x2000  }
0x5c: {  	[sflag:s28] =	ssyncset.done $0x0  }
.Ltmp1:
0x5d: {  	s1 =	sadd.s32 $0x16480, s0;
	[sflag:s28] =	ssyncadd.s32 $0xFFFFE000;
	(pc) =	sbr.rel @p0 .LBB2_4-.Ltmp1, $4  }
0x5e: {  	[spmem:s3] =	stream.indirect.scatter.add.f32 [tilespmem:s25], [sflag:$0x3], $0x40, s1, s23, $0xb8;
	[tilespmem:$0x1CC00] =	vst v63  }
0x5f: {  	_ =	swait.ge [sflag:s19], $0x2000  }
0x60: {  	[sflag:s19] =	ssyncset.done $0x0  }
0x61: {  	s0 =	sadd.s32 $0x13D80, s0;
	[sflag:s19] =	ssyncadd.s32 $0xFFFFE000  }
0x62: {  	[tilespmem:s25], [sflag:$0x2] =	stream.indirect.gather [spmem:s2], $0x40, s0, s23, $0xb8;
	[tilespmem:$0x1CC00] =	vst v63  }
0x63: {  	_ =	swait.ge [sflag:s26], $0x2000  }
0x64: {  	[sflag:s26] =	ssyncset.done $0x0  }
0x65: {  	[sflag:s26] =	ssyncadd.s32 $0xFFFFE000  }
0x66: {  	[spmem:s3] =	stream.indirect.scatter.add.f32 [tilespmem:s20], [sflag:$0x3], $0x40, s29, s23, $0xb8;
	[tilespmem:$0x1CC00] =	vst v63  }
0x67: {  	_ =	swait.ge [sflag:s19], $0x2000  }
0x68: {  	[sflag:s19] =	ssyncset.done $0x0  }
0x69: {  	[sflag:s19] =	ssyncadd.s32 $0xFFFFE000  }
0x6a: {  	_ =	swait.ge [sflag:s28], $0x2000  }
0x6b: {  	[sflag:s28] =	ssyncset.done $0x0  }
0x6c: {  	[sflag:s28] =	ssyncadd.s32 $0xFFFFE000  }
0x6d: {  	[spmem:s3] =	stream.indirect.scatter.add.f32 [tilespmem:s25], [sflag:$0x3], $0x40, s30, s23, $0xb8;
	[tilespmem:$0x1CC00] =	vst v63  }
0x6e: {  	_ =	swait.ge [sflag:s19], $0x2000  }
0x6f: {  	[sflag:s19] =	ssyncset.done $0x0  }
0x70: {  	s1 =	simm.s32 $0x0;
	[sflag:s19] =	ssyncadd.s32 $0xFFFFE000  }
0x71: {  	[tilespmem:s21], [sflag:$0x3] =	stream.linear.gather [hbm4b:s14+s1], $0x2800, $0x38;
	[tilespmem:$0x1CC00] =	vst v63  }
0x72: {  	_ =	swait.ge [sflag:s19], $0x2800  }
0x73: {  	[sflag:s19] =	ssyncset.done $0x0  }
0x74: {  	[sflag:s19] =	ssyncadd.s32 $0xFFFFD800  }
0x75: {  	[tilespmem:s22], [sflag:$0x3] =	stream.linear.gather [hbm4b:s15+s1], $0x2800, $0x38;
	[tilespmem:$0x1CC00] =	vst v63  }
0x76: {  	_ =	swait.ge [sflag:s19], $0x2800  }
0x77: {  	[sflag:s19] =	ssyncset.done $0x0  }
0x78: {  	[sflag:s19] =	ssyncadd.s32 $0xFFFFD800  }
0x79: {  	[tilespmem:s20], [sflag:$0x1] =	stream.indirect.gather [spmem:s2], $0x40, s21, s23, $0xb8;
	[tilespmem:$0x1CC00] =	vst v63  }
0x7a: {  	_ = 	snop  }
0x7b: {  	[tilespmem:s25], [sflag:$0x2] =	stream.indirect.gather [spmem:s2], $0x40, s24, s23, $0xb8;
	[tilespmem:$0x1CC00] =	vst v63  }
0x7c: {  	_ =	swait.ge [sflag:s26], $0x2000  }
0x7d: {  	[sflag:s26] =	ssyncset.done $0x0  }
0x7e: {  	s1 =	simm.s32 $0x16400;
	[sflag:s26] =	ssyncadd.s32 $0xFFFFE000  }
0x7f: {  	[spmem:s3] =	stream.indirect.scatter.add.f32 [tilespmem:s20], [sflag:$0x3], $0x40, s1, s23, $0xb8;
	[tilespmem:$0x1CC00] =	vst v63  }
0x80: {  	_ =	swait.ge [sflag:s19], $0x2000  }
0x81: {  	[sflag:s19] =	ssyncset.done $0x0  }
0x82: {  	s1 =	simm.s32 $0x13D00;
	[sflag:s19] =	ssyncadd.s32 $0xFFFFE000  }
0x83: {  	[tilespmem:s20], [sflag:$0x1] =	stream.indirect.gather [spmem:s2], $0x40, s1, s23, $0xb8;
	[tilespmem:$0x1CC00] =	vst v63  }
0x84: {  	_ =	swait.ge [sflag:s28], $0x2000  }
0x85: {  	[sflag:s28] =	ssyncset.done $0x0  }
0x86: {  	s1 =	simm.s32 $0x16480;
	[sflag:s28] =	ssyncadd.s32 $0xFFFFE000  }
0x87: {  	[spmem:s3] =	stream.indirect.scatter.add.f32 [tilespmem:s25], [sflag:$0x3], $0x40, s1, s23, $0xb8;
	[tilespmem:$0x1CC00] =	vst v63  }
0x88: {  	_ =	swait.ge [sflag:s19], $0x2000  }
0x89: {  	[sflag:s19] =	ssyncset.done $0x0  }
0x8a: {  	s31 =	simm.s32 $0x400;
	s0 =	simm.s32 $0x13D80;
	[sflag:s19] =	ssyncadd.s32 $0xFFFFE000  }
.LBB2_6:
0x8b: {  	[tilespmem:s25], [sflag:$0x2] =	stream.indirect.gather [spmem:s2], $0x40, s0, s23, $0xb8;
	[tilespmem:$0x1CC00] =	vst v63  }
0x8c: {  	s0 =	smov.u32 s31  }
0x8d: {  	p0 =	sne.s32 s31, $0x9800;
	s31 =	sadd.s32 $0x400, s31;
	_ =	swait.ge [sflag:s26], $0x2000  }
0x8e: {  	s0 =	sshra.s32 s0, $0x2;
	[sflag:s26] =	ssyncset.done $0x0  }
0x8f: {  	s1 =	sadd.s32 $0x16400, s0;
	[sflag:s26] =	ssyncadd.s32 $0xFFFFE000  }
0x90: {  	[spmem:s3] =	stream.indirect.scatter.add.f32 [tilespmem:s20], [sflag:$0x3], $0x40, s1, s23, $0xb8;
	[tilespmem:$0x1CC00] =	vst v63  }
0x91: {  	_ =	swait.ge [sflag:s19], $0x2000  }
0x92: {  	[sflag:s19] =	ssyncset.done $0x0  }
0x93: {  	s1 =	sadd.s32 $0x13D00, s0;
	[sflag:s19] =	ssyncadd.s32 $0xFFFFE000  }
0x94: {  	[tilespmem:s20], [sflag:$0x1] =	stream.indirect.gather [spmem:s2], $0x40, s1, s23, $0xb8;
	[tilespmem:$0x1CC00] =	vst v63  }
0x95: {  	_ =	swait.ge [sflag:s28], $0x2000  }
0x96: {  	[sflag:s28] =	ssyncset.done $0x0  }
.Ltmp2:
0x97: {  	s1 =	sadd.s32 $0x16480, s0;
	[sflag:s28] =	ssyncadd.s32 $0xFFFFE000;
	(pc) =	sbr.rel @p0 .LBB2_6-.Ltmp2, $4  }
0x98: {  	[spmem:s3] =	stream.indirect.scatter.add.f32 [tilespmem:s25], [sflag:$0x3], $0x40, s1, s23, $0xb8;
	[tilespmem:$0x1CC00] =	vst v63  }
0x99: {  	_ =	swait.ge [sflag:s19], $0x2000  }
0x9a: {  	[sflag:s19] =	ssyncset.done $0x0  }
0x9b: {  	s0 =	sadd.s32 $0x13D80, s0;
	[sflag:s19] =	ssyncadd.s32 $0xFFFFE000  }
0x9c: {  	[tilespmem:s25], [sflag:$0x2] =	stream.indirect.gather [spmem:s2], $0x40, s0, s23, $0xb8;
	[tilespmem:$0x1CC00] =	vst v63  }
0x9d: {  	_ =	swait.ge [sflag:s26], $0x2000  }
0x9e: {  	[sflag:s26] =	ssyncset.done $0x0  }
0x9f: {  	[sflag:s26] =	ssyncadd.s32 $0xFFFFE000  }
0xa0: {  	[spmem:s3] =	stream.indirect.scatter.add.f32 [tilespmem:s20], [sflag:$0x3], $0x40, s29, s23, $0xb8;
	[tilespmem:$0x1CC00] =	vst v63  }
0xa1: {  	_ =	swait.ge [sflag:s19], $0x2000  }
0xa2: {  	[sflag:s19] =	ssyncset.done $0x0  }
0xa3: {  	[sflag:s19] =	ssyncadd.s32 $0xFFFFE000  }
0xa4: {  	_ =	swait.ge [sflag:s28], $0x2000  }
0xa5: {  	[sflag:s28] =	ssyncset.done $0x0  }
0xa6: {  	[sflag:s28] =	ssyncadd.s32 $0xFFFFE000  }
0xa7: {  	[spmem:s3] =	stream.indirect.scatter.add.f32 [tilespmem:s25], [sflag:$0x3], $0x40, s30, s23, $0xb8;
	[tilespmem:$0x1CC00] =	vst v63  }
0xa8: {  	_ =	swait.ge [sflag:s19], $0x2000  }
0xa9: {  	s4 =	sadd.s32 $0x1, s4;
	[sflag:s19] =	ssyncset.done $0x0  }
0xaa: {  	p0 =	sne.s32 s4, s17;
	[sflag:s19] =	ssyncadd.s32 $0xFFFFE000  }
.Ltmp3:
0xab: {  	s31 =	sshrl.u32 s7, $0x3;
	[bflag:$0x0] =	sbarrier.arrive $0xFFFF;
	(pc) =	sbr.rel @p0 .LBB2_1-.Ltmp3, $4  }
0xac: {  	[hbm:s16], [sflag:s6] =	dma.local [spmem:s31], $0x13C0  }
0xad: {  	_ =	swait.ge [sflag:s19], $0x13C0  }
0xae: {  	[sflag:s19] =	ssyncset.done $0x0  }
0xaf: {  	[sflag:s19] =	ssyncadd.s32 $0xFFFFEC40  }
0xb0: {  	_ =	sfence.sel $0x180000  }
0xb1: {  	[bflag:$0x0] =	sbarrier.arrive $0xFFFF  }
0xb2: {  	_ =	strace $0x90000047  }
0xb3: {  	s0 =	stileid.u32;
	[bflag:$0x2] =	sbarrier.arrive $0xFFFF  }
0xb4: {  	p0 =	sne.s32 s0, $0x0;
	s0 =	rddreg [dreg:$0x3]  }
0xb5: {  	s0 =	sadd.s32 @!p0 $0x100000, s0  }
0xb6: {  	[sflag:s0] =	ssyncadd.tile.s32 @!p0 $0x1;
	_ =	shalt  }
.Lfunc_end2:
_tile_overlayer_lowered:
.L_overlay_start_2:
0xb7: {  	(tag) =	ssettag $0x2  }
0xb8: {  	s0 =	rddreg [dreg:$0x0];
	s2 =	stileid.u32  }
0xb9: {  	s1 =	rddreg [dreg:$0x1];
	p0 =	sne.s32 s2, $0x0  }
0xba: {  	s3 =	rddreg [dreg:$0x2];
	[bflag:$0x3] =	sbarrier.arrive $0xFFFF;
	s2 =	simm.s32 @!p0 $0x1C03  }
0xbb: {  	[timem:s3], [sflag:s2] =	dma.local @!p0 [hbm:s0], s1  }
0xbc: {  	s0 =	simm.s32 @!p0 $0x3  }
0xbd: {  	_ =	swait.ge @!p0 [sflag:s0], s1  }
0xbe: {  	s1 =	ssub.s32 @!p0 $0x0, s1;
	[sflag:s0] =	ssyncset.done @!p0 $0x0  }
0xbf: {  	[sflag:s0] =	ssyncadd.s32 @!p0 s1  }
0xc0: {  	[bflag:$0x3] =	sbarrier.arrive $0xFFFF  }
0xc1: {  	_ =	shalt  }

// kernel: kernel.13.cloned.1.call-start
scs
__scs_entry_jumppad:
0x0: {  	(pc) =	sbr.rel $0x88, $3  }
0x1: {  	(tag) =	ssettag $0x0;
	lr =	simm.s32 $0x1  }
0x2: {  	[smem:$0x3F93] =	sst lr;
	_ =	strace $0xD0000000  }
0x3: {  	_ = 	snop  }
0x4: {  	_ = 	snop  }
0x5: {  	_ = 	snop  }
0x6: {  	_ = 	snop  }
0x7: {  	_ = 	snop  }
__scs_overlays_trampoline_lowered:
0x8: {  	[smem:$0x3FA2] =	sst s0  }
0x9: {  	[smem:$0x3FA3] =	sst s1  }
0xa: {  	[smem:$0x3FA4] =	sst s2  }
0xb: {  	[smem:$0x3FA5] =	sst s3  }
0xc: {  	[smem:$0x3FA6] =	sst s4  }
0xd: {  	[smem:$0x3FA7] =	sst s5  }
0xe: {  	[smem:$0x3FA8] =	sst s6  }
0xf: {  	[smem:$0x3FA9] =	sst s7  }
0x10: {  	[smem:$0x3FAA] =	sst s8  }
0x11: {  	[smem:$0x3FAB] =	sst s9;
	s0 =	simm.s32 @!p0 $0x0  }
0x12: {  	s1 =	sld [smem:$0x3F91];
	s0 =	simm.s32 @p0 $0x1  }
0x13: {  	[smem:$0x3FAC] =	sst s0;
	s0 =	simm.s32 @!p1 $0x0  }
0x14: {  	s2 =	sld [smem:$0x3F90];
	s0 =	simm.s32 @p1 $0x1  }
0x15: {  	[smem:$0x3FAD] =	sst s0;
	s0 =	simm.s32 @!p2 $0x0  }
0x16: {  	s3 =	sld [smem:$0x3FDB];
	s0 =	simm.s32 @p2 $0x1  }
0x17: {  	s4 =	simm.s32 $0x1BF5;
	[smem:$0x3FAF] =	sst s0  }
0x18: {  	s0 =	sld [smem:$0x3F92];
	_ =	swait.ge [sflag:s4], $0x0  }
0x19: {  	s7 =	sld [smem:$0x3F93]  }
0x1a: {  	s8 =	sadd.s32 $0xFFFFE003, lr  }
0x1b: {  	s9 =	sadd.s32 $0xFFFFFEF7, lr;
	s5 =	simm.s32 $0xFFFFFFFF;
	p2 =	slt.u32 s8, $0xFFFFF086  }
0x1c: {  	p1 =	slt.u32 s9, $0xF7A;
	s5 =	simm.s32 @!p2 $0x0  }
0x1d: {  	s5 =	simm.s32 @p1 $0x1;
	p0 =	seq.s32 s7, s2  }
0x1e: {  	s7 =	smul.u32 @!p0 $0xF7A, s2;
	p2 =	seq.s32 @!p0 s5, $0x0  }
0x1f: {  	s9 =	smul.u32 $0xF7A, s1;
	s8 =	simm.s32 @!p0 $0x1BF5;
	p2 =	por !p2, p0  }
0x20: {  	[sflag:s8] =	ssyncset.s32 @!p0 $0xFFFFF086;
	s6 =	sadd.s32 @!p0 s3, s7;
	s7 =	simm.s32 @!p0 $0x108  }
0x21: {  	s3 =	sadd.s32 s3, s9;
	s6 =	sadd.s32 @!p0 $0x88, s6;
	s7 =	simm.s32 @p2 $0x1082  }
0x22: {  	[simem:s7], [sflag:s8] =	dma.local @!p0 [hbm:s6], $0xF7A  }
0x23: {  	s9 =	sor.u32 $0xD0000000, s2;
	s6 =	simm.s32 $0x108;
	_ =	swait.ge @!p0 [sflag:s8], $0x0  }
0x24: {  	s3 =	sadd.s32 $0x88, s3;
	s6 =	simm.s32 @!p1 $0x1082;
	[sflag:s4] =	ssyncset.s32 $0xFFFFF086  }
0x25: {  	[simem:s6], [sflag:s4] =	dma.local [hbm:s3], $0xF7A  }
0x26: {  	[smem:$0x3F93] =	sst s1;
	(tag) =	ssettag s2;
	_ =	strace s9  }
0x27: {  	s1 =	sld [smem:$0x3FA3]  }
0x28: {  	s2 =	sld [smem:$0x3FA4]  }
0x29: {  	s4 =	sld [smem:$0x3FA6]  }
0x2a: {  	p0 =	seq.s32 s5, $0x0;
	s5 =	sld [smem:$0x3FA7]  }
0x2b: {  	s6 =	sld [smem:$0x3FA8]  }
0x2c: {  	s7 =	sld [smem:$0x3FA9]  }
0x2d: {  	s3 =	simm.s32 $0x108;
	s8 =	sld [smem:$0x3FAA]  }
0x2e: {  	s3 =	simm.s32 @!p0 $0x1082;
	s9 =	sld [smem:$0x3FAB]  }
0x2f: {  	lr =	sadd.s32 s0, s3;
	s0 =	sld [smem:$0x3FA2]  }
0x30: {  	s3 =	sld [smem:$0x3FA5]  }
0x31: {  	[smem:$0x3FAE] =	sst s10  }
0x32: {  	s10 =	sld [smem:$0x3FAC];
	_ =	sdelay $0x3  }
0x33: {  	p0 =	seq.s32 s10, $0x1;
	s10 =	sld [smem:$0x3FAE];
	_ =	sdelay $0x3  }
0x34: {  	[smem:$0x3FAE] =	sst s10  }
0x35: {  	s10 =	sld [smem:$0x3FAD];
	_ =	sdelay $0x3  }
0x36: {  	p1 =	seq.s32 s10, $0x1;
	s10 =	sld [smem:$0x3FAE];
	_ =	sdelay $0x3  }
0x37: {  	[smem:$0x3FAE] =	sst s10  }
0x38: {  	s10 =	sld [smem:$0x3FAF]  }
0x39: {  	_ = 	snop;
	(pc) =	sbr.ind lr, $3  }
0x3a: {  	_ = 	snop  }
0x3b: {  	_ = 	snop  }
0x3c: {  	p2 =	seq.s32 s10, $0x1;
	s10 =	sld [smem:$0x3FAE]  }
0x3d: {  	_ =	shalt  }
0x3e: {  	_ =	shalt  }
0x3f: {  	_ =	shalt  }
0x40: {  	_ =	shalt  }
0x41: {  	_ =	shalt  }
0x42: {  	_ =	shalt  }
0x43: {  	_ =	shalt  }
0x44: {  	_ =	shalt  }
0x45: {  	_ =	shalt  }
0x46: {  	_ =	shalt  }
0x47: {  	_ =	shalt  }
0x48: {  	_ =	shalt  }
0x49: {  	_ =	shalt  }
0x4a: {  	_ =	shalt  }
0x4b: {  	_ =	shalt  }
0x4c: {  	_ =	shalt  }
0x4d: {  	_ =	shalt  }
0x4e: {  	_ =	shalt  }
0x4f: {  	_ =	shalt  }
0x50: {  	_ =	shalt  }
0x51: {  	_ =	shalt  }
0x52: {  	_ =	shalt  }
0x53: {  	_ =	shalt  }
0x54: {  	_ =	shalt  }
0x55: {  	_ =	shalt  }
0x56: {  	_ =	shalt  }
0x57: {  	_ =	shalt  }
0x58: {  	_ =	shalt  }
0x59: {  	_ =	shalt  }
0x5a: {  	_ =	shalt  }
0x5b: {  	_ =	shalt  }
0x5c: {  	_ =	shalt  }
0x5d: {  	_ =	shalt  }
0x5e: {  	_ =	shalt  }
0x5f: {  	_ =	shalt  }
0x60: {  	_ =	shalt  }
0x61: {  	_ =	shalt  }
0x62: {  	_ =	shalt  }
0x63: {  	_ =	shalt  }
0x64: {  	_ =	shalt  }
0x65: {  	_ =	shalt  }
0x66: {  	_ =	shalt  }
0x67: {  	_ =	shalt  }
0x68: {  	_ =	shalt  }
0x69: {  	_ =	shalt  }
0x6a: {  	_ =	shalt  }
0x6b: {  	_ =	shalt  }
0x6c: {  	_ =	shalt  }
0x6d: {  	_ =	shalt  }
0x6e: {  	_ =	shalt  }
0x6f: {  	_ =	shalt  }
0x70: {  	_ =	shalt  }
0x71: {  	_ =	shalt  }
0x72: {  	_ =	shalt  }
0x73: {  	_ =	shalt  }
0x74: {  	_ =	shalt  }
0x75: {  	_ =	shalt  }
0x76: {  	_ =	shalt  }
0x77: {  	_ =	shalt  }
0x78: {  	_ =	shalt  }
0x79: {  	_ =	shalt  }
0x7a: {  	_ =	shalt  }
0x7b: {  	_ =	shalt  }
0x7c: {  	_ =	shalt  }
0x7d: {  	_ =	shalt  }
0x7e: {  	_ =	shalt  }
0x7f: {  	_ =	shalt  }
0x80: {  	_ =	shalt  }
0x81: {  	_ =	shalt  }
0x82: {  	_ =	shalt  }
0x83: {  	_ =	shalt  }
0x84: {  	_ =	shalt  }
0x85: {  	_ =	shalt  }
0x86: {  	_ =	shalt  }
0x87: {  	_ =	shalt  }
.Lfunc_end0:
.L_simem_size_0:
called_computation.1_lowered:
.L_overlay_start_0:
0x88: {  	s2 =	sld [smem:$0x3FD9]  }
0x89: {  	s3 =	sld [smem:$0x3FFE];
	_ =	sdelay $0x1  }
0x8a: {  	s1 =	srdreg.scid  }
0x8b: {  	s0 =	sand.u32 $0x1, s1  }
0x8c: {  	s16 =	sshll.u32 s0, $0xA;
	s2 =	sadd.s32 s3, s2  }
0x8d: {  	s2 =	sadd.s32 s2, s16  }
0x8e: {  	[smem:$0x3FBA] =	sst s2  }
0x8f: {  	_ = 	snop  }
0x90: {  	(tm) =	ssettm $0x1  }
0x91: {  	s17 =	sld [smem:$0x3FFB];
	_ =	sdelay $0x3  }
0x92: {  	_ =	strace s17  }
0x93: {  	s2 =	sld [smem:$0x3FFC];
	_ =	sdelay $0x3  }
0x94: {  	_ =	strace s2  }
0x95: {  	s2 =	sld [smem:$0x3FFD];
	_ =	sdelay $0x3  }
0x96: {  	_ =	strace s2  }
0x97: {  	_ =	strace $0x8FFFFFFF  }
0x98: {  	s18 =	sld [smem:$0x3FDB];
	_ =	sdelay $0x1  }
0x99: {  	s19 =	simm.s32 $_scs_section_size  }
0x9a: {  	s4 =	simm.s32 $_size__tile_overlayer_lowered;
	s5 =	simm.s32 $_tile_overlayer_lowered  }
0x9b: {  	s22 =	simm.s32 $0x1BFF;
	s21 =	sshll.u32 s5, $0x1;
	s2 =	sadd.s32 s19, s18  }
0x9c: {  	s6 =	simm.s32 $0x0;
	s20 =	sshll.u32 s4, $0x1;
	s4 =	sadd.s32 s21, s2  }
0x9d: {  	[timem:s6], [sflag:s22] =	dma.local [hbm:s4], s20  }
0x9e: {  	_ =	swait.ge [sflag:s22], s20  }
0x9f: {  	s3 =	ssub.s32 $0x0, s20;
	[sflag:s22] =	ssyncset.done $0x0  }
0xa0: {  	[sflag:s22] =	ssyncadd.s32 s3;
	_ =	sdelay $0x1  }
0xa1: {  	s23 =	simm.s32 $0x1B8B  }
0xa2: {  	_ =	swait.ge [sflag:s23], $0x1  }
0xa3: {  	[sflag:s23] =	ssyncset.done $0x0  }
0xa4: {  	s25 =	simm.s32 $0x1B8E;
	s24 =	sld [smem:$0x3FFE];
	[sflag:s23] =	ssyncadd.s32 $0xFFFFFFFF  }
0xa5: {  	s26 =	simm.s32 $execute0_lowered;
	[smem:$0x3FD2] =	sst s25  }
0xa6: {  	s4 =	sshll.u32 s26, $0x1;
	_ =	strace $0x80000049;
	[dreg:$0x1] =	wrdreg $0xFFFFFFFF  }
0xa7: {  	s28 =	simm.s32 $_size_execute0_lowered;
	s2 =	sadd.s32 s2, s4;
	[dreg:$0x0] =	wrdreg $0x0  }
0xa8: {  	s4 =	sshll.u32 s28, $0x1;
	[dreg:$0x2] =	wrdreg s2  }
0xa9: {  	[dreg:$0x3] =	wrdreg s4  }
0xaa: {  	[dreg:$0x4] =	wrdreg $0xC0  }
0xab: {  	_ =	task [dreg:s6], $0x5FFFF  }
0xac: {  	[dreg:$0x1] =	wrdreg $0xFFFFFFFF  }
0xad: {  	[dreg:$0x0] =	wrdreg $0x60  }
0xae: {  	[dreg:$0x2] =	wrdreg s24  }
0xaf: {  	[dreg:$0x3] =	wrdreg $0x0  }
0xb0: {  	[dreg:$0x4] =	wrdreg $0x9E000  }
0xb1: {  	[dreg:$0x5] =	wrdreg $0x9  }
0xb2: {  	_ =	task.clear_ibuf [dreg:s6], $0x6FFFF;
	_ =	strace $0x90000049  }
0xb3: {  	s29 =	simm.s32 $0x9;
	_ =	strace $0x8000004B  }
0xb4: {  	_ =	swait.ge [sflag:s29], $0x1  }
0xb5: {  	[sflag:s29] =	ssyncadd.s32 $0xFFFFFFFF  }
0xb6: {  	_ =	strace $0x9000004B  }
0xb7: {  	_ =	sfence  }
0xb8: {  	s30 =	sld [smem:$0x0];
	_ =	sdelay $0x2  }
0xb9: {  	s31 =	sshll.u32 s1, $0xD;
	s1 =	sshrl.u32 s1, $0x2  }
0xba: {  	s3 =	sand.u32 $0x4000, s31;
	s1 =	sadd.s32 s1, s30  }
0xbb: {  	s0 =	sor.u32 s3, s0;
	s1 =	sshll.u32 s1, $0x11  }
0xbc: {  	s0 =	sor.u32 s1, s0  }
0xbd: {  	s0 =	sadd.s32 $0x8F2B, s0  }
0xbe: {  	[sflag:s0] =	ssyncadd.remote.s32 $0x1  }
0xbf: {  	_ =	sfence.sel $0xFFFF  }
0xc0: {  	[dreg:$0x0] =	wrdreg $0xFFFFFFFF;
	(pc) =	sbr.abs _section_cstart, $3  }
0xc1: {  	[dreg:$0x1] =	wrdreg $0xFFFFFFFF  }
0xc2: {  	_ =	task.clear_ibuf [dreg:s6], $0x2FFFF;
	_ =	strace $0x9FFFFFFF  }
0xc3: {  	(tm) =	ssettm $0x7FFFFFFF  }
tec
execute0_lowered:
.L_overlay_start_1:
0x0: {  	(tag) =	ssettag $0x1  }
0x1: {  	s0 =	rddreg [dreg:$0x0]  }
0x2: {  	s2 =	rddreg [dreg:$0x1]  }
0x3: {  	s3 =	rddreg [dreg:$0x2]  }
0x4: {  	s5 =	srdreg.scid;
	s1 =	stileid.u32  }
0x5: {  	s4 =	simm.s32 $0x0;
	s19 =	simm.s32 $0x3;
	s20 =	simm.s32 $0x18C00  }
0x6: {  	s21 =	simm.s32 $0x13C00;
	s22 =	simm.s32 $0x16400;
	s23 =	simm.s32 $0x80  }
0x7: {  	s24 =	simm.s32 $0x13C80;
	s25 =	simm.s32 $0x1AC00;
	s28 =	simm.s32 $0x2  }
0x8: {  	s29 =	simm.s32 $0x18B00;
	s30 =	simm.s32 $0x18B80;
	s7 =	smul.u32 $0x9E00, s1  }
0x9: {  	s5 =	sand.u32 $0x1, s5;
	[smem:$0x7FF] =	sst s4;
	s9 =	smul.u32 $0x27800, s1  }
0xa: {  	s14 =	sadd.s32 $0x34600, s0;
	s15 =	sadd.s32 $0x2A600, s0;
	s10 =	smul.u32 $0x5000, s1  }
0xb: {  	s31 =	sshll.u32 s1, $0x6;
	s6 =	smul.u32 $0x9E000, s5;
	s5 =	ssub.s32 $0x2, s5  }
0xc: {  	s13 =	smul.u32 $0xA00, s1;
	_ =	strace $0x8000004A;
	s8 =	sshrl.u32 s5, $0x1  }
0xd: {  	s18 =	sadd.s32 s7, s2;
	s26 =	sshrl.u32 s9, $0x2;
	s12 =	sshrl.u32 s10, $0x3  }
0xe: {  	s6 =	sadd.s32 s7, s6;
	s17 =	ssub.s32 s5, s8;
	s11 =	sadd.s32 s26, s3  }
0xf: {  	s7 =	sadd.s32 s7, s3;
	s16 =	sadd.s32 $0x500, s12;
	s12 =	sadd.s32 s14, s13  }
0x10: {  	s13 =	sadd.s32 s15, s13;
	s18 =	sshrl.u32 s18, $0x3;
	s26 =	simm.s32 $0x1  }
0x11: {  	s6 =	sshrl.u32 s6, $0x3;
	s8 =	sadd.s32 $0x2000, s11;
	s9 =	sadd.s32 $0x4000, s11  }
0x12: {  	s10 =	sadd.s32 $0x6000, s11;
	s11 =	sadd.s32 $0x8000, s11;
	s14 =	sadd.s32 s14, s16  }
0x13: {  	s15 =	sadd.s32 s15, s16;
	s17 =	smax.u32 s17, $0x1;
	s0 =	sadd.s32 s6, s0  }
0x14: {  	v0 =	vimm.f32 $0.0e+00;
	s6 =	sor.u32 $0x1C03, s31;
	s5 =	sadd.s32 $0x2E00, s0;
	s16 =	sadd.s32 $0x3E600, s0  }
.LBB2_1:
0x15: {  	[spmem:s18], [sflag:s6] =	dma.local [hbm:s5], $0x13C0  }
0x16: {  	_ =	swait.ge [sflag:s19], $0x13C0  }
0x17: {  	[sflag:s19] =	ssyncset.done $0x0  }
0x18: {  	s0 =	simm.s32 $0x100;
	s31 =	simm.s32 $0x0;
	[sflag:s19] =	ssyncadd.s32 $0xFFFFEC40  }
.LBB2_2:
0x19: {  	p0 =	sne.s32 s0, $0x7F00;
	[tilespmem:s31+$0x18C30] =	vst v0;
	s1 =	smov.u32 s0;
	s0 =	sadd.s32 $0x100, s0  }
.Ltmp0:
0x1a: {  	[tilespmem:s31+$0x18C20] =	vst v0;
	(pc) =	sbr.rel @p0 .LBB2_2-.Ltmp0, $3  }
0x1b: {  	[tilespmem:s31+$0x18C00] =	vst v0  }
0x1c: {  	[tilespmem:s31+$0x18C10] =	vst v0;
	_ =	sdelay $0x1  }
0x1d: {  	s31 =	sshra.s32 s1, $0x2  }
0x1e: {  	[tilespmem:s31+$0x18C30] =	vst v0  }
0x1f: {  	[tilespmem:s31+$0x18C20] =	vst v0  }
0x20: {  	[tilespmem:s31+$0x18C00] =	vst v0  }
0x21: {  	[tilespmem:s31+$0x18C10] =	vst v0  }
0x22: {  	[spmem:s7] =	stream.linear.scatter [tilespmem:s20], [sflag:$0x3], $0x2000, $0x38;
	[tilespmem:$0x1CC00] =	vst v63  }
0x23: {  	_ =	swait.ge [sflag:s19], $0x2000  }
0x24: {  	[sflag:s19] =	ssyncset.done $0x0  }
0x25: {  	[sflag:s19] =	ssyncadd.s32 $0xFFFFE000  }
0x26: {  	[spmem:s8] =	stream.linear.scatter [tilespmem:s20], [sflag:$0x3], $0x2000, $0x38;
	[tilespmem:$0x1CC00] =	vst v63  }
0x27: {  	_ =	swait.ge [sflag:s19], $0x2000  }
0x28: {  	[sflag:s19] =	ssyncset.done $0x0  }
0x29: {  	[sflag:s19] =	ssyncadd.s32 $0xFFFFE000  }
0x2a: {  	[spmem:s9] =	stream.linear.scatter [tilespmem:s20], [sflag:$0x3], $0x2000, $0x38;
	[tilespmem:$0x1CC00] =	vst v63  }
0x2b: {  	_ =	swait.ge [sflag:s19], $0x2000  }
0x2c: {  	[sflag:s19] =	ssyncset.done $0x0  }
0x2d: {  	[sflag:s19] =	ssyncadd.s32 $0xFFFFE000  }
0x2e: {  	[spmem:s10] =	stream.linear.scatter [tilespmem:s20], [sflag:$0x3], $0x2000, $0x38;
	[tilespmem:$0x1CC00] =	vst v63  }
0x2f: {  	_ =	swait.ge [sflag:s19], $0x2000  }
0x30: {  	[sflag:s19] =	ssyncset.done $0x0  }
0x31: {  	[sflag:s19] =	ssyncadd.s32 $0xFFFFE000  }
0x32: {  	[spmem:s11] =	stream.linear.scatter [tilespmem:s20], [sflag:$0x3], $0x1E00, $0x38;
	[tilespmem:$0x1CC00] =	vst v63  }
0x33: {  	_ =	swait.ge [sflag:s19], $0x1E00  }
0x34: {  	[sflag:s19] =	ssyncset.done $0x0  }
0x35: {  	[sflag:s19] =	ssyncadd.s32 $0xFFFFE200  }
0x36: {  	s0 =	simm.s32 $0x0;
	[bflag:$0x0] =	sbarrier.arrive $0xFFFF  }
0x37: {  	[tilespmem:s21], [sflag:$0x3] =	stream.linear.gather [hbm4b:s12+s0], $0x2800, $0x38;
	[tilespmem:$0x1CC00] =	vst v63  }
0x38: {  	_ =	swait.ge [sflag:s19], $0x2800  }
0x39: {  	[sflag:s19] =	ssyncset.done $0x0  }
0x3a: {  	[sflag:s19] =	ssyncadd.s32 $0xFFFFD800  }
0x3b: {  	[tilespmem:s22], [sflag:$0x3] =	stream.linear.gather [hbm4b:s13+s0], $0x2800, $0x38;
	[tilespmem:$0x1CC00] =	vst v63  }
0x3c: {  	_ =	swait.ge [sflag:s19], $0x2800  }
0x3d: {  	[sflag:s19] =	ssyncset.done $0x0  }
0x3e: {  	[sflag:s19] =	ssyncadd.s32 $0xFFFFD800  }
0x3f: {  	[tilespmem:s20], [sflag:$0x1] =	stream.indirect.gather [spmem:s2], $0x40, s21, s23, $0xb8;
	[tilespmem:$0x1CC00] =	vst v63  }
0x40: {  	_ = 	snop  }
0x41: {  	[tilespmem:s25], [sflag:$0x2] =	stream.indirect.gather [spmem:s2], $0x40, s24, s23, $0xb8;
	[tilespmem:$0x1CC00] =	vst v63  }
0x42: {  	_ =	swait.ge [sflag:s26], $0x2000  }
0x43: {  	[sflag:s26] =	ssyncset.done $0x0  }
0x44: {  	s1 =	simm.s32 $0x16400;
	[sflag:s26] =	ssyncadd.s32 $0xFFFFE000  }
0x45: {  	[spmem:s3] =	stream.indirect.scatter.add.f32 [tilespmem:s20], [sflag:$0x3], $0x40, s1, s23, $0xb8;
	[tilespmem:$0x1CC00] =	vst v63  }
0x46: {  	_ =	swait.ge [sflag:s19], $0x2000  }
0x47: {  	[sflag:s19] =	ssyncset.done $0x0  }
0x48: {  	s1 =	simm.s32 $0x13D00;
	[sflag:s19] =	ssyncadd.s32 $0xFFFFE000  }
0x49: {  	[tilespmem:s20], [sflag:$0x1] =	stream.indirect.gather [spmem:s2], $0x40, s1, s23, $0xb8;
	[tilespmem:$0x1CC00] =	vst v63  }
0x4a: {  	_ =	swait.ge [sflag:s28], $0x2000  }
0x4b: {  	[sflag:s28] =	ssyncset.done $0x0  }
0x4c: {  	s1 =	simm.s32 $0x16480;
	[sflag:s28] =	ssyncadd.s32 $0xFFFFE000  }
0x4d: {  	[spmem:s3] =	stream.indirect.scatter.add.f32 [tilespmem:s25], [sflag:$0x3], $0x40, s1, s23, $0xb8;
	[tilespmem:$0x1CC00] =	vst v63  }
0x4e: {  	_ =	swait.ge [sflag:s19], $0x2000  }
0x4f: {  	[sflag:s19] =	ssyncset.done $0x0  }
0x50: {  	s31 =	simm.s32 $0x400;
	s0 =	simm.s32 $0x13D80;
	[sflag:s19] =	ssyncadd.s32 $0xFFFFE000  }
.LBB2_4:
0x51: {  	[tilespmem:s25], [sflag:$0x2] =	stream.indirect.gather [spmem:s2], $0x40, s0, s23, $0xb8;
	[tilespmem:$0x1CC00] =	vst v63  }
0x52: {  	s0 =	smov.u32 s31  }
0x53: {  	p0 =	sne.s32 s31, $0x9800;
	s31 =	sadd.s32 $0x400, s31;
	_ =	swait.ge [sflag:s26], $0x2000  }
0x54: {  	s0 =	sshra.s32 s0, $0x2;
	[sflag:s26] =	ssyncset.done $0x0  }
0x55: {  	s1 =	sadd.s32 $0x16400, s0;
	[sflag:s26] =	ssyncadd.s32 $0xFFFFE000  }
0x56: {  	[spmem:s3] =	stream.indirect.scatter.add.f32 [tilespmem:s20], [sflag:$0x3], $0x40, s1, s23, $0xb8;
	[tilespmem:$0x1CC00] =	vst v63  }
0x57: {  	_ =	swait.ge [sflag:s19], $0x2000  }
0x58: {  	[sflag:s19] =	ssyncset.done $0x0  }
0x59: {  	s1 =	sadd.s32 $0x13D00, s0;
	[sflag:s19] =	ssyncadd.s32 $0xFFFFE000  }
0x5a: {  	[tilespmem:s20], [sflag:$0x1] =	stream.indirect.gather [spmem:s2], $0x40, s1, s23, $0xb8;
	[tilespmem:$0x1CC00] =	vst v63  }
0x5b: {  	_ =	swait.ge [sflag:s28], $0x2000  }
0x5c: {  	[sflag:s28] =	ssyncset.done $0x0  }
.Ltmp1:
0x5d: {  	s1 =	sadd.s32 $0x16480, s0;
	[sflag:s28] =	ssyncadd.s32 $0xFFFFE000;
	(pc) =	sbr.rel @p0 .LBB2_4-.Ltmp1, $4  }
0x5e: {  	[spmem:s3] =	stream.indirect.scatter.add.f32 [tilespmem:s25], [sflag:$0x3], $0x40, s1, s23, $0xb8;
	[tilespmem:$0x1CC00] =	vst v63  }
0x5f: {  	_ =	swait.ge [sflag:s19], $0x2000  }
0x60: {  	[sflag:s19] =	ssyncset.done $0x0  }
0x61: {  	s0 =	sadd.s32 $0x13D80, s0;
	[sflag:s19] =	ssyncadd.s32 $0xFFFFE000  }
0x62: {  	[tilespmem:s25], [sflag:$0x2] =	stream.indirect.gather [spmem:s2], $0x40, s0, s23, $0xb8;
	[tilespmem:$0x1CC00] =	vst v63  }
0x63: {  	_ =	swait.ge [sflag:s26], $0x2000  }
0x64: {  	[sflag:s26] =	ssyncset.done $0x0  }
0x65: {  	[sflag:s26] =	ssyncadd.s32 $0xFFFFE000  }
0x66: {  	[spmem:s3] =	stream.indirect.scatter.add.f32 [tilespmem:s20], [sflag:$0x3], $0x40, s29, s23, $0xb8;
	[tilespmem:$0x1CC00] =	vst v63  }
0x67: {  	_ =	swait.ge [sflag:s19], $0x2000  }
0x68: {  	[sflag:s19] =	ssyncset.done $0x0  }
0x69: {  	[sflag:s19] =	ssyncadd.s32 $0xFFFFE000  }
0x6a: {  	_ =	swait.ge [sflag:s28], $0x2000  }
0x6b: {  	[sflag:s28] =	ssyncset.done $0x0  }
0x6c: {  	[sflag:s28] =	ssyncadd.s32 $0xFFFFE000  }
0x6d: {  	[spmem:s3] =	stream.indirect.scatter.add.f32 [tilespmem:s25], [sflag:$0x3], $0x40, s30, s23, $0xb8;
	[tilespmem:$0x1CC00] =	vst v63  }
0x6e: {  	_ =	swait.ge [sflag:s19], $0x2000  }
0x6f: {  	[sflag:s19] =	ssyncset.done $0x0  }
0x70: {  	s1 =	simm.s32 $0x0;
	[sflag:s19] =	ssyncadd.s32 $0xFFFFE000  }
0x71: {  	[tilespmem:s21], [sflag:$0x3] =	stream.linear.gather [hbm4b:s14+s1], $0x2800, $0x38;
	[tilespmem:$0x1CC00] =	vst v63  }
0x72: {  	_ =	swait.ge [sflag:s19], $0x2800  }
0x73: {  	[sflag:s19] =	ssyncset.done $0x0  }
0x74: {  	[sflag:s19] =	ssyncadd.s32 $0xFFFFD800  }
0x75: {  	[tilespmem:s22], [sflag:$0x3] =	stream.linear.gather [hbm4b:s15+s1], $0x2800, $0x38;
	[tilespmem:$0x1CC00] =	vst v63  }
0x76: {  	_ =	swait.ge [sflag:s19], $0x2800  }
0x77: {  	[sflag:s19] =	ssyncset.done $0x0  }
0x78: {  	[sflag:s19] =	ssyncadd.s32 $0xFFFFD800  }
0x79: {  	[tilespmem:s20], [sflag:$0x1] =	stream.indirect.gather [spmem:s2], $0x40, s21, s23, $0xb8;
	[tilespmem:$0x1CC00] =	vst v63  }
0x7a: {  	_ = 	snop  }
0x7b: {  	[tilespmem:s25], [sflag:$0x2] =	stream.indirect.gather [spmem:s2], $0x40, s24, s23, $0xb8;
	[tilespmem:$0x1CC00] =	vst v63  }
0x7c: {  	_ =	swait.ge [sflag:s26], $0x2000  }
0x7d: {  	[sflag:s26] =	ssyncset.done $0x0  }
0x7e: {  	s1 =	simm.s32 $0x16400;
	[sflag:s26] =	ssyncadd.s32 $0xFFFFE000  }
0x7f: {  	[spmem:s3] =	stream.indirect.scatter.add.f32 [tilespmem:s20], [sflag:$0x3], $0x40, s1, s23, $0xb8;
	[tilespmem:$0x1CC00] =	vst v63  }
0x80: {  	_ =	swait.ge [sflag:s19], $0x2000  }
0x81: {  	[sflag:s19] =	ssyncset.done $0x0  }
0x82: {  	s1 =	simm.s32 $0x13D00;
	[sflag:s19] =	ssyncadd.s32 $0xFFFFE000  }
0x83: {  	[tilespmem:s20], [sflag:$0x1] =	stream.indirect.gather [spmem:s2], $0x40, s1, s23, $0xb8;
	[tilespmem:$0x1CC00] =	vst v63  }
0x84: {  	_ =	swait.ge [sflag:s28], $0x2000  }
0x85: {  	[sflag:s28] =	ssyncset.done $0x0  }
0x86: {  	s1 =	simm.s32 $0x16480;
	[sflag:s28] =	ssyncadd.s32 $0xFFFFE000  }
0x87: {  	[spmem:s3] =	stream.indirect.scatter.add.f32 [tilespmem:s25], [sflag:$0x3], $0x40, s1, s23, $0xb8;
	[tilespmem:$0x1CC00] =	vst v63  }
0x88: {  	_ =	swait.ge [sflag:s19], $0x2000  }
0x89: {  	[sflag:s19] =	ssyncset.done $0x0  }
0x8a: {  	s31 =	simm.s32 $0x400;
	s0 =	simm.s32 $0x13D80;
	[sflag:s19] =	ssyncadd.s32 $0xFFFFE000  }
.LBB2_6:
0x8b: {  	[tilespmem:s25], [sflag:$0x2] =	stream.indirect.gather [spmem:s2], $0x40, s0, s23, $0xb8;
	[tilespmem:$0x1CC00] =	vst v63  }
0x8c: {  	s0 =	smov.u32 s31  }
0x8d: {  	p0 =	sne.s32 s31, $0x9800;
	s31 =	sadd.s32 $0x400, s31;
	_ =	swait.ge [sflag:s26], $0x2000  }
0x8e: {  	s0 =	sshra.s32 s0, $0x2;
	[sflag:s26] =	ssyncset.done $0x0  }
0x8f: {  	s1 =	sadd.s32 $0x16400, s0;
	[sflag:s26] =	ssyncadd.s32 $0xFFFFE000  }
0x90: {  	[spmem:s3] =	stream.indirect.scatter.add.f32 [tilespmem:s20], [sflag:$0x3], $0x40, s1, s23, $0xb8;
	[tilespmem:$0x1CC00] =	vst v63  }
0x91: {  	_ =	swait.ge [sflag:s19], $0x2000  }
0x92: {  	[sflag:s19] =	ssyncset.done $0x0  }
0x93: {  	s1 =	sadd.s32 $0x13D00, s0;
	[sflag:s19] =	ssyncadd.s32 $0xFFFFE000  }
0x94: {  	[tilespmem:s20], [sflag:$0x1] =	stream.indirect.gather [spmem:s2], $0x40, s1, s23, $0xb8;
	[tilespmem:$0x1CC00] =	vst v63  }
0x95: {  	_ =	swait.ge [sflag:s28], $0x2000  }
0x96: {  	[sflag:s28] =	ssyncset.done $0x0  }
.Ltmp2:
0x97: {  	s1 =	sadd.s32 $0x16480, s0;
	[sflag:s28] =	ssyncadd.s32 $0xFFFFE000;
	(pc) =	sbr.rel @p0 .LBB2_6-.Ltmp2, $4  }
0x98: {  	[spmem:s3] =	stream.indirect.scatter.add.f32 [tilespmem:s25], [sflag:$0x3], $0x40, s1, s23, $0xb8;
	[tilespmem:$0x1CC00] =	vst v63  }
0x99: {  	_ =	swait.ge [sflag:s19], $0x2000  }
0x9a: {  	[sflag:s19] =	ssyncset.done $0x0  }
0x9b: {  	s0 =	sadd.s32 $0x13D80, s0;
	[sflag:s19] =	ssyncadd.s32 $0xFFFFE000  }
0x9c: {  	[tilespmem:s25], [sflag:$0x2] =	stream.indirect.gather [spmem:s2], $0x40, s0, s23, $0xb8;
	[tilespmem:$0x1CC00] =	vst v63  }
0x9d: {  	_ =	swait.ge [sflag:s26], $0x2000  }
0x9e: {  	[sflag:s26] =	ssyncset.done $0x0  }
0x9f: {  	[sflag:s26] =	ssyncadd.s32 $0xFFFFE000  }
0xa0: {  	[spmem:s3] =	stream.indirect.scatter.add.f32 [tilespmem:s20], [sflag:$0x3], $0x40, s29, s23, $0xb8;
	[tilespmem:$0x1CC00] =	vst v63  }
0xa1: {  	_ =	swait.ge [sflag:s19], $0x2000  }
0xa2: {  	[sflag:s19] =	ssyncset.done $0x0  }
0xa3: {  	[sflag:s19] =	ssyncadd.s32 $0xFFFFE000  }
0xa4: {  	_ =	swait.ge [sflag:s28], $0x2000  }
0xa5: {  	[sflag:s28] =	ssyncset.done $0x0  }
0xa6: {  	[sflag:s28] =	ssyncadd.s32 $0xFFFFE000  }
0xa7: {  	[spmem:s3] =	stream.indirect.scatter.add.f32 [tilespmem:s25], [sflag:$0x3], $0x40, s30, s23, $0xb8;
	[tilespmem:$0x1CC00] =	vst v63  }
0xa8: {  	_ =	swait.ge [sflag:s19], $0x2000  }
0xa9: {  	s4 =	sadd.s32 $0x1, s4;
	[sflag:s19] =	ssyncset.done $0x0  }
0xaa: {  	p0 =	sne.s32 s4, s17;
	[sflag:s19] =	ssyncadd.s32 $0xFFFFE000  }
.Ltmp3:
0xab: {  	s31 =	sshrl.u32 s7, $0x3;
	[bflag:$0x0] =	sbarrier.arrive $0xFFFF;
	(pc) =	sbr.rel @p0 .LBB2_1-.Ltmp3, $4  }
0xac: {  	[hbm:s16], [sflag:s6] =	dma.local [spmem:s31], $0x13C0  }
0xad: {  	_ =	swait.ge [sflag:s19], $0x13C0  }
0xae: {  	[sflag:s19] =	ssyncset.done $0x0  }
0xaf: {  	[sflag:s19] =	ssyncadd.s32 $0xFFFFEC40  }
0xb0: {  	_ =	sfence.sel $0x180000  }
0xb1: {  	[bflag:$0x0] =	sbarrier.arrive $0xFFFF  }
0xb2: {  	_ =	strace $0x9000004A  }
0xb3: {  	s0 =	stileid.u32;
	[bflag:$0x2] =	sbarrier.arrive $0xFFFF  }
0xb4: {  	p0 =	sne.s32 s0, $0x0;
	s0 =	rddreg [dreg:$0x3]  }
0xb5: {  	s0 =	sadd.s32 @!p0 $0x100000, s0  }
0xb6: {  	[sflag:s0] =	ssyncadd.tile.s32 @!p0 $0x1;
	_ =	shalt  }
.Lfunc_end2:
_tile_overlayer_lowered:
.L_overlay_start_2:
0xb7: {  	(tag) =	ssettag $0x2  }
0xb8: {  	s0 =	rddreg [dreg:$0x0];
	s2 =	stileid.u32  }
0xb9: {  	s1 =	rddreg [dreg:$0x1];
	p0 =	sne.s32 s2, $0x0  }
0xba: {  	s3 =	rddreg [dreg:$0x2];
	[bflag:$0x3] =	sbarrier.arrive $0xFFFF;
	s2 =	simm.s32 @!p0 $0x1C03  }
0xbb: {  	[timem:s3], [sflag:s2] =	dma.local @!p0 [hbm:s0], s1  }
0xbc: {  	s0 =	simm.s32 @!p0 $0x3  }
0xbd: {  	_ =	swait.ge @!p0 [sflag:s0], s1  }
0xbe: {  	s1 =	ssub.s32 @!p0 $0x0, s1;
	[sflag:s0] =	ssyncset.done @!p0 $0x0  }
0xbf: {  	[sflag:s0] =	ssyncadd.s32 @!p0 s1  }
0xc0: {  	[bflag:$0x3] =	sbarrier.arrive $0xFFFF  }
0xc1: {  	_ =	shalt  }

// kernel: kernel.16.cloned.1.call-start
scs
__scs_entry_jumppad:
0x0: {  	(pc) =	sbr.rel $0x88, $3  }
0x1: {  	(tag) =	ssettag $0x0;
	lr =	simm.s32 $0x1  }
0x2: {  	[smem:$0x3F93] =	sst lr;
	_ =	strace $0xD0000000  }
0x3: {  	_ = 	snop  }
0x4: {  	_ = 	snop  }
0x5: {  	_ = 	snop  }
0x6: {  	_ = 	snop  }
0x7: {  	_ = 	snop  }
__scs_overlays_trampoline_lowered:
0x8: {  	[smem:$0x3FA2] =	sst s0  }
0x9: {  	[smem:$0x3FA3] =	sst s1  }
0xa: {  	[smem:$0x3FA4] =	sst s2  }
0xb: {  	[smem:$0x3FA5] =	sst s3  }
0xc: {  	[smem:$0x3FA6] =	sst s4  }
0xd: {  	[smem:$0x3FA7] =	sst s5  }
0xe: {  	[smem:$0x3FA8] =	sst s6  }
0xf: {  	[smem:$0x3FA9] =	sst s7  }
0x10: {  	[smem:$0x3FAA] =	sst s8  }
0x11: {  	[smem:$0x3FAB] =	sst s9;
	s0 =	simm.s32 @!p0 $0x0  }
0x12: {  	s1 =	sld [smem:$0x3F91];
	s0 =	simm.s32 @p0 $0x1  }
0x13: {  	[smem:$0x3FAC] =	sst s0;
	s0 =	simm.s32 @!p1 $0x0  }
0x14: {  	s2 =	sld [smem:$0x3F90];
	s0 =	simm.s32 @p1 $0x1  }
0x15: {  	[smem:$0x3FAD] =	sst s0;
	s0 =	simm.s32 @!p2 $0x0  }
0x16: {  	s3 =	sld [smem:$0x3FDB];
	s0 =	simm.s32 @p2 $0x1  }
0x17: {  	s4 =	simm.s32 $0x1BF5;
	[smem:$0x3FAF] =	sst s0  }
0x18: {  	s0 =	sld [smem:$0x3F92];
	_ =	swait.ge [sflag:s4], $0x0  }
0x19: {  	s7 =	sld [smem:$0x3F93]  }
0x1a: {  	s8 =	sadd.s32 $0xFFFFE003, lr  }
0x1b: {  	s9 =	sadd.s32 $0xFFFFFEF7, lr;
	s5 =	simm.s32 $0xFFFFFFFF;
	p2 =	slt.u32 s8, $0xFFFFF086  }
0x1c: {  	p1 =	slt.u32 s9, $0xF7A;
	s5 =	simm.s32 @!p2 $0x0  }
0x1d: {  	s5 =	simm.s32 @p1 $0x1;
	p0 =	seq.s32 s7, s2  }
0x1e: {  	s7 =	smul.u32 @!p0 $0xF7A, s2;
	p2 =	seq.s32 @!p0 s5, $0x0  }
0x1f: {  	s9 =	smul.u32 $0xF7A, s1;
	s8 =	simm.s32 @!p0 $0x1BF5;
	p2 =	por !p2, p0  }
0x20: {  	[sflag:s8] =	ssyncset.s32 @!p0 $0xFFFFF086;
	s6 =	sadd.s32 @!p0 s3, s7;
	s7 =	simm.s32 @!p0 $0x108  }
0x21: {  	s3 =	sadd.s32 s3, s9;
	s6 =	sadd.s32 @!p0 $0x88, s6;
	s7 =	simm.s32 @p2 $0x1082  }
0x22: {  	[simem:s7], [sflag:s8] =	dma.local @!p0 [hbm:s6], $0xF7A  }
0x23: {  	s9 =	sor.u32 $0xD0000000, s2;
	s6 =	simm.s32 $0x108;
	_ =	swait.ge @!p0 [sflag:s8], $0x0  }
0x24: {  	s3 =	sadd.s32 $0x88, s3;
	s6 =	simm.s32 @!p1 $0x1082;
	[sflag:s4] =	ssyncset.s32 $0xFFFFF086  }
0x25: {  	[simem:s6], [sflag:s4] =	dma.local [hbm:s3], $0xF7A  }
0x26: {  	[smem:$0x3F93] =	sst s1;
	(tag) =	ssettag s2;
	_ =	strace s9  }
0x27: {  	s1 =	sld [smem:$0x3FA3]  }
0x28: {  	s2 =	sld [smem:$0x3FA4]  }
0x29: {  	s4 =	sld [smem:$0x3FA6]  }
0x2a: {  	p0 =	seq.s32 s5, $0x0;
	s5 =	sld [smem:$0x3FA7]  }
0x2b: {  	s6 =	sld [smem:$0x3FA8]  }
0x2c: {  	s7 =	sld [smem:$0x3FA9]  }
0x2d: {  	s3 =	simm.s32 $0x108;
	s8 =	sld [smem:$0x3FAA]  }
0x2e: {  	s3 =	simm.s32 @!p0 $0x1082;
	s9 =	sld [smem:$0x3FAB]  }
0x2f: {  	lr =	sadd.s32 s0, s3;
	s0 =	sld [smem:$0x3FA2]  }
0x30: {  	s3 =	sld [smem:$0x3FA5]  }
0x31: {  	[smem:$0x3FAE] =	sst s10  }
0x32: {  	s10 =	sld [smem:$0x3FAC];
	_ =	sdelay $0x3  }
0x33: {  	p0 =	seq.s32 s10, $0x1;
	s10 =	sld [smem:$0x3FAE];
	_ =	sdelay $0x3  }
0x34: {  	[smem:$0x3FAE] =	sst s10  }
0x35: {  	s10 =	sld [smem:$0x3FAD];
	_ =	sdelay $0x3  }
0x36: {  	p1 =	seq.s32 s10, $0x1;
	s10 =	sld [smem:$0x3FAE];
	_ =	sdelay $0x3  }
0x37: {  	[smem:$0x3FAE] =	sst s10  }
0x38: {  	s10 =	sld [smem:$0x3FAF]  }
0x39: {  	_ = 	snop;
	(pc) =	sbr.ind lr, $3  }
0x3a: {  	_ = 	snop  }
0x3b: {  	_ = 	snop  }
0x3c: {  	p2 =	seq.s32 s10, $0x1;
	s10 =	sld [smem:$0x3FAE]  }
0x3d: {  	_ =	shalt  }
0x3e: {  	_ =	shalt  }
0x3f: {  	_ =	shalt  }
0x40: {  	_ =	shalt  }
0x41: {  	_ =	shalt  }
0x42: {  	_ =	shalt  }
0x43: {  	_ =	shalt  }
0x44: {  	_ =	shalt  }
0x45: {  	_ =	shalt  }
0x46: {  	_ =	shalt  }
0x47: {  	_ =	shalt  }
0x48: {  	_ =	shalt  }
0x49: {  	_ =	shalt  }
0x4a: {  	_ =	shalt  }
0x4b: {  	_ =	shalt  }
0x4c: {  	_ =	shalt  }
0x4d: {  	_ =	shalt  }
0x4e: {  	_ =	shalt  }
0x4f: {  	_ =	shalt  }
0x50: {  	_ =	shalt  }
0x51: {  	_ =	shalt  }
0x52: {  	_ =	shalt  }
0x53: {  	_ =	shalt  }
0x54: {  	_ =	shalt  }
0x55: {  	_ =	shalt  }
0x56: {  	_ =	shalt  }
0x57: {  	_ =	shalt  }
0x58: {  	_ =	shalt  }
0x59: {  	_ =	shalt  }
0x5a: {  	_ =	shalt  }
0x5b: {  	_ =	shalt  }
0x5c: {  	_ =	shalt  }
0x5d: {  	_ =	shalt  }
0x5e: {  	_ =	shalt  }
0x5f: {  	_ =	shalt  }
0x60: {  	_ =	shalt  }
0x61: {  	_ =	shalt  }
0x62: {  	_ =	shalt  }
0x63: {  	_ =	shalt  }
0x64: {  	_ =	shalt  }
0x65: {  	_ =	shalt  }
0x66: {  	_ =	shalt  }
0x67: {  	_ =	shalt  }
0x68: {  	_ =	shalt  }
0x69: {  	_ =	shalt  }
0x6a: {  	_ =	shalt  }
0x6b: {  	_ =	shalt  }
0x6c: {  	_ =	shalt  }
0x6d: {  	_ =	shalt  }
0x6e: {  	_ =	shalt  }
0x6f: {  	_ =	shalt  }
0x70: {  	_ =	shalt  }
0x71: {  	_ =	shalt  }
0x72: {  	_ =	shalt  }
0x73: {  	_ =	shalt  }
0x74: {  	_ =	shalt  }
0x75: {  	_ =	shalt  }
0x76: {  	_ =	shalt  }
0x77: {  	_ =	shalt  }
0x78: {  	_ =	shalt  }
0x79: {  	_ =	shalt  }
0x7a: {  	_ =	shalt  }
0x7b: {  	_ =	shalt  }
0x7c: {  	_ =	shalt  }
0x7d: {  	_ =	shalt  }
0x7e: {  	_ =	shalt  }
0x7f: {  	_ =	shalt  }
0x80: {  	_ =	shalt  }
0x81: {  	_ =	shalt  }
0x82: {  	_ =	shalt  }
0x83: {  	_ =	shalt  }
0x84: {  	_ =	shalt  }
0x85: {  	_ =	shalt  }
0x86: {  	_ =	shalt  }
0x87: {  	_ =	shalt  }
.Lfunc_end0:
.L_simem_size_0:
called_computation.2_lowered:
.L_overlay_start_0:
0x88: {  	s2 =	sld [smem:$0x3FD9]  }
0x89: {  	s3 =	sld [smem:$0x3FFE];
	_ =	sdelay $0x1  }
0x8a: {  	s1 =	srdreg.scid  }
0x8b: {  	s0 =	sand.u32 $0x1, s1  }
0x8c: {  	s16 =	sshll.u32 s0, $0xA;
	s2 =	sadd.s32 s3, s2  }
0x8d: {  	s2 =	sadd.s32 s2, s16  }
0x8e: {  	[smem:$0x3FBA] =	sst s2  }
0x8f: {  	_ = 	snop  }
0x90: {  	(tm) =	ssettm $0x1  }
0x91: {  	s17 =	sld [smem:$0x3FFB];
	_ =	sdelay $0x3  }
0x92: {  	_ =	strace s17  }
0x93: {  	s2 =	sld [smem:$0x3FFC];
	_ =	sdelay $0x3  }
0x94: {  	_ =	strace s2  }
0x95: {  	s2 =	sld [smem:$0x3FFD];
	_ =	sdelay $0x3  }
0x96: {  	_ =	strace s2  }
0x97: {  	_ =	strace $0x8FFFFFFF  }
0x98: {  	s18 =	sld [smem:$0x3FDB];
	_ =	sdelay $0x1  }
0x99: {  	s19 =	simm.s32 $_scs_section_size  }
0x9a: {  	s4 =	simm.s32 $_size__tile_overlayer_lowered;
	s5 =	simm.s32 $_tile_overlayer_lowered  }
0x9b: {  	s22 =	simm.s32 $0x1BFF;
	s21 =	sshll.u32 s5, $0x1;
	s2 =	sadd.s32 s19, s18  }
0x9c: {  	s6 =	simm.s32 $0x0;
	s20 =	sshll.u32 s4, $0x1;
	s4 =	sadd.s32 s21, s2  }
0x9d: {  	[timem:s6], [sflag:s22] =	dma.local [hbm:s4], s20  }
0x9e: {  	_ =	swait.ge [sflag:s22], s20  }
0x9f: {  	s3 =	ssub.s32 $0x0, s20;
	[sflag:s22] =	ssyncset.done $0x0  }
0xa0: {  	[sflag:s22] =	ssyncadd.s32 s3;
	_ =	sdelay $0x1  }
0xa1: {  	s23 =	simm.s32 $0x1B8B  }
0xa2: {  	_ =	swait.ge [sflag:s23], $0x1  }
0xa3: {  	[sflag:s23] =	ssyncset.done $0x0  }
0xa4: {  	s25 =	simm.s32 $0x1B8E;
	s24 =	sld [smem:$0x3FFE];
	[sflag:s23] =	ssyncadd.s32 $0xFFFFFFFF  }
0xa5: {  	s26 =	simm.s32 $execute0_lowered;
	[smem:$0x3FD2] =	sst s25  }
0xa6: {  	s4 =	sshll.u32 s26, $0x1;
	_ =	strace $0x8000004C;
	[dreg:$0x1] =	wrdreg $0xFFFFFFFF  }
0xa7: {  	s28 =	simm.s32 $_size_execute0_lowered;
	s2 =	sadd.s32 s2, s4;
	[dreg:$0x0] =	wrdreg $0x0  }
0xa8: {  	s4 =	sshll.u32 s28, $0x1;
	[dreg:$0x2] =	wrdreg s2  }
0xa9: {  	[dreg:$0x3] =	wrdreg s4  }
0xaa: {  	[dreg:$0x4] =	wrdreg $0xC0  }
0xab: {  	_ =	task [dreg:s6], $0x5FFFF  }
0xac: {  	[dreg:$0x1] =	wrdreg $0xFFFFFFFF  }
0xad: {  	[dreg:$0x0] =	wrdreg $0x60  }
0xae: {  	[dreg:$0x2] =	wrdreg s24  }
0xaf: {  	[dreg:$0x3] =	wrdreg $0x0  }
0xb0: {  	[dreg:$0x4] =	wrdreg $0x9E000  }
0xb1: {  	[dreg:$0x5] =	wrdreg $0x9  }
0xb2: {  	_ =	task.clear_ibuf [dreg:s6], $0x6FFFF;
	_ =	strace $0x9000004C  }
0xb3: {  	s29 =	simm.s32 $0x9;
	_ =	strace $0x8000004E  }
0xb4: {  	_ =	swait.ge [sflag:s29], $0x1  }
0xb5: {  	[sflag:s29] =	ssyncadd.s32 $0xFFFFFFFF  }
0xb6: {  	_ =	strace $0x9000004E  }
0xb7: {  	_ =	sfence  }
0xb8: {  	s30 =	sld [smem:$0x0];
	_ =	sdelay $0x2  }
0xb9: {  	s31 =	sshll.u32 s1, $0xD;
	s1 =	sshrl.u32 s1, $0x2  }
0xba: {  	s3 =	sand.u32 $0x4000, s31;
	s1 =	sadd.s32 s1, s30  }
0xbb: {  	s0 =	sor.u32 s3, s0;
	s1 =	sshll.u32 s1, $0x11  }
0xbc: {  	s0 =	sor.u32 s1, s0  }
0xbd: {  	s0 =	sadd.s32 $0x8F2B, s0  }
0xbe: {  	[sflag:s0] =	ssyncadd.remote.s32 $0x1  }
0xbf: {  	_ =	sfence.sel $0xFFFF  }
0xc0: {  	[dreg:$0x0] =	wrdreg $0xFFFFFFFF;
	(pc) =	sbr.abs _section_cstart, $3  }
0xc1: {  	[dreg:$0x1] =	wrdreg $0xFFFFFFFF  }
0xc2: {  	_ =	task.clear_ibuf [dreg:s6], $0x2FFFF;
	_ =	strace $0x9FFFFFFF  }
0xc3: {  	(tm) =	ssettm $0x7FFFFFFF  }
tec
execute0_lowered:
.L_overlay_start_1:
0x0: {  	(tag) =	ssettag $0x1  }
0x1: {  	s0 =	rddreg [dreg:$0x0]  }
0x2: {  	s2 =	rddreg [dreg:$0x1]  }
0x3: {  	s3 =	rddreg [dreg:$0x2]  }
0x4: {  	s5 =	srdreg.scid;
	s1 =	stileid.u32  }
0x5: {  	s4 =	simm.s32 $0x0;
	s19 =	simm.s32 $0x3;
	s20 =	simm.s32 $0x18C00  }
0x6: {  	s21 =	simm.s32 $0x13C00;
	s22 =	simm.s32 $0x16400;
	s23 =	simm.s32 $0x80  }
0x7: {  	s24 =	simm.s32 $0x13C80;
	s25 =	simm.s32 $0x1AC00;
	s28 =	simm.s32 $0x2  }
0x8: {  	s29 =	simm.s32 $0x18B00;
	s30 =	simm.s32 $0x18B80;
	s7 =	smul.u32 $0x9E00, s1  }
0x9: {  	s5 =	sand.u32 $0x1, s5;
	[smem:$0x7FF] =	sst s4;
	s9 =	smul.u32 $0x27800, s1  }
0xa: {  	s14 =	sadd.s32 $0x34600, s0;
	s15 =	sadd.s32 $0x2A600, s0;
	s10 =	smul.u32 $0x5000, s1  }
0xb: {  	s31 =	sshll.u32 s1, $0x6;
	s6 =	smul.u32 $0x9E000, s5;
	s5 =	ssub.s32 $0x2, s5  }
0xc: {  	s13 =	smul.u32 $0xA00, s1;
	_ =	strace $0x8000004D;
	s8 =	sshrl.u32 s5, $0x1  }
0xd: {  	s18 =	sadd.s32 s7, s2;
	s26 =	sshrl.u32 s9, $0x2;
	s12 =	sshrl.u32 s10, $0x3  }
0xe: {  	s6 =	sadd.s32 s7, s6;
	s17 =	ssub.s32 s5, s8;
	s11 =	sadd.s32 s26, s3  }
0xf: {  	s7 =	sadd.s32 s7, s3;
	s16 =	sadd.s32 $0x500, s12;
	s12 =	sadd.s32 s14, s13  }
0x10: {  	s13 =	sadd.s32 s15, s13;
	s18 =	sshrl.u32 s18, $0x3;
	s26 =	simm.s32 $0x1  }
0x11: {  	s6 =	sshrl.u32 s6, $0x3;
	s8 =	sadd.s32 $0x2000, s11;
	s9 =	sadd.s32 $0x4000, s11  }
0x12: {  	s10 =	sadd.s32 $0x6000, s11;
	s11 =	sadd.s32 $0x8000, s11;
	s14 =	sadd.s32 s14, s16  }
0x13: {  	s15 =	sadd.s32 s15, s16;
	s17 =	smax.u32 s17, $0x1;
	s0 =	sadd.s32 s6, s0  }
0x14: {  	v0 =	vimm.f32 $0.0e+00;
	s6 =	sor.u32 $0x1C03, s31;
	s5 =	sadd.s32 $0x2E00, s0;
	s16 =	sadd.s32 $0x3E600, s0  }
.LBB2_1:
0x15: {  	[spmem:s18], [sflag:s6] =	dma.local [hbm:s5], $0x13C0  }
0x16: {  	_ =	swait.ge [sflag:s19], $0x13C0  }
0x17: {  	[sflag:s19] =	ssyncset.done $0x0  }
0x18: {  	s0 =	simm.s32 $0x100;
	s31 =	simm.s32 $0x0;
	[sflag:s19] =	ssyncadd.s32 $0xFFFFEC40  }
.LBB2_2:
0x19: {  	p0 =	sne.s32 s0, $0x7F00;
	[tilespmem:s31+$0x18C30] =	vst v0;
	s1 =	smov.u32 s0;
	s0 =	sadd.s32 $0x100, s0  }
.Ltmp0:
0x1a: {  	[tilespmem:s31+$0x18C20] =	vst v0;
	(pc) =	sbr.rel @p0 .LBB2_2-.Ltmp0, $3  }
0x1b: {  	[tilespmem:s31+$0x18C00] =	vst v0  }
0x1c: {  	[tilespmem:s31+$0x18C10] =	vst v0;
	_ =	sdelay $0x1  }
0x1d: {  	s31 =	sshra.s32 s1, $0x2  }
0x1e: {  	[tilespmem:s31+$0x18C30] =	vst v0  }
0x1f: {  	[tilespmem:s31+$0x18C20] =	vst v0  }
0x20: {  	[tilespmem:s31+$0x18C00] =	vst v0  }
0x21: {  	[tilespmem:s31+$0x18C10] =	vst v0  }
0x22: {  	[spmem:s7] =	stream.linear.scatter [tilespmem:s20], [sflag:$0x3], $0x2000, $0x38;
	[tilespmem:$0x1CC00] =	vst v63  }
0x23: {  	_ =	swait.ge [sflag:s19], $0x2000  }
0x24: {  	[sflag:s19] =	ssyncset.done $0x0  }
0x25: {  	[sflag:s19] =	ssyncadd.s32 $0xFFFFE000  }
0x26: {  	[spmem:s8] =	stream.linear.scatter [tilespmem:s20], [sflag:$0x3], $0x2000, $0x38;
	[tilespmem:$0x1CC00] =	vst v63  }
0x27: {  	_ =	swait.ge [sflag:s19], $0x2000  }
0x28: {  	[sflag:s19] =	ssyncset.done $0x0  }
0x29: {  	[sflag:s19] =	ssyncadd.s32 $0xFFFFE000  }
0x2a: {  	[spmem:s9] =	stream.linear.scatter [tilespmem:s20], [sflag:$0x3], $0x2000, $0x38;
	[tilespmem:$0x1CC00] =	vst v63  }
0x2b: {  	_ =	swait.ge [sflag:s19], $0x2000  }
0x2c: {  	[sflag:s19] =	ssyncset.done $0x0  }
0x2d: {  	[sflag:s19] =	ssyncadd.s32 $0xFFFFE000  }
0x2e: {  	[spmem:s10] =	stream.linear.scatter [tilespmem:s20], [sflag:$0x3], $0x2000, $0x38;
	[tilespmem:$0x1CC00] =	vst v63  }
0x2f: {  	_ =	swait.ge [sflag:s19], $0x2000  }
0x30: {  	[sflag:s19] =	ssyncset.done $0x0  }
0x31: {  	[sflag:s19] =	ssyncadd.s32 $0xFFFFE000  }
0x32: {  	[spmem:s11] =	stream.linear.scatter [tilespmem:s20], [sflag:$0x3], $0x1E00, $0x38;
	[tilespmem:$0x1CC00] =	vst v63  }
0x33: {  	_ =	swait.ge [sflag:s19], $0x1E00  }
0x34: {  	[sflag:s19] =	ssyncset.done $0x0  }
0x35: {  	[sflag:s19] =	ssyncadd.s32 $0xFFFFE200  }
0x36: {  	s0 =	simm.s32 $0x0;
	[bflag:$0x0] =	sbarrier.arrive $0xFFFF  }
0x37: {  	[tilespmem:s21], [sflag:$0x3] =	stream.linear.gather [hbm4b:s12+s0], $0x2800, $0x38;
	[tilespmem:$0x1CC00] =	vst v63  }
0x38: {  	_ =	swait.ge [sflag:s19], $0x2800  }
0x39: {  	[sflag:s19] =	ssyncset.done $0x0  }
0x3a: {  	[sflag:s19] =	ssyncadd.s32 $0xFFFFD800  }
0x3b: {  	[tilespmem:s22], [sflag:$0x3] =	stream.linear.gather [hbm4b:s13+s0], $0x2800, $0x38;
	[tilespmem:$0x1CC00] =	vst v63  }
0x3c: {  	_ =	swait.ge [sflag:s19], $0x2800  }
0x3d: {  	[sflag:s19] =	ssyncset.done $0x0  }
0x3e: {  	[sflag:s19] =	ssyncadd.s32 $0xFFFFD800  }
0x3f: {  	[tilespmem:s20], [sflag:$0x1] =	stream.indirect.gather [spmem:s2], $0x40, s21, s23, $0xb8;
	[tilespmem:$0x1CC00] =	vst v63  }
0x40: {  	_ = 	snop  }
0x41: {  	[tilespmem:s25], [sflag:$0x2] =	stream.indirect.gather [spmem:s2], $0x40, s24, s23, $0xb8;
	[tilespmem:$0x1CC00] =	vst v63  }
0x42: {  	_ =	swait.ge [sflag:s26], $0x2000  }
0x43: {  	[sflag:s26] =	ssyncset.done $0x0  }
0x44: {  	s1 =	simm.s32 $0x16400;
	[sflag:s26] =	ssyncadd.s32 $0xFFFFE000  }
0x45: {  	[spmem:s3] =	stream.indirect.scatter.add.f32 [tilespmem:s20], [sflag:$0x3], $0x40, s1, s23, $0xb8;
	[tilespmem:$0x1CC00] =	vst v63  }
0x46: {  	_ =	swait.ge [sflag:s19], $0x2000  }
0x47: {  	[sflag:s19] =	ssyncset.done $0x0  }
0x48: {  	s1 =	simm.s32 $0x13D00;
	[sflag:s19] =	ssyncadd.s32 $0xFFFFE000  }
0x49: {  	[tilespmem:s20], [sflag:$0x1] =	stream.indirect.gather [spmem:s2], $0x40, s1, s23, $0xb8;
	[tilespmem:$0x1CC00] =	vst v63  }
0x4a: {  	_ =	swait.ge [sflag:s28], $0x2000  }
0x4b: {  	[sflag:s28] =	ssyncset.done $0x0  }
0x4c: {  	s1 =	simm.s32 $0x16480;
	[sflag:s28] =	ssyncadd.s32 $0xFFFFE000  }
0x4d: {  	[spmem:s3] =	stream.indirect.scatter.add.f32 [tilespmem:s25], [sflag:$0x3], $0x40, s1, s23, $0xb8;
	[tilespmem:$0x1CC00] =	vst v63  }
0x4e: {  	_ =	swait.ge [sflag:s19], $0x2000  }
0x4f: {  	[sflag:s19] =	ssyncset.done $0x0  }
0x50: {  	s31 =	simm.s32 $0x400;
	s0 =	simm.s32 $0x13D80;
	[sflag:s19] =	ssyncadd.s32 $0xFFFFE000  }
.LBB2_4:
0x51: {  	[tilespmem:s25], [sflag:$0x2] =	stream.indirect.gather [spmem:s2], $0x40, s0, s23, $0xb8;
	[tilespmem:$0x1CC00] =	vst v63  }
0x52: {  	s0 =	smov.u32 s31  }
0x53: {  	p0 =	sne.s32 s31, $0x9800;
	s31 =	sadd.s32 $0x400, s31;
	_ =	swait.ge [sflag:s26], $0x2000  }
0x54: {  	s0 =	sshra.s32 s0, $0x2;
	[sflag:s26] =	ssyncset.done $0x0  }
0x55: {  	s1 =	sadd.s32 $0x16400, s0;
	[sflag:s26] =	ssyncadd.s32 $0xFFFFE000  }
0x56: {  	[spmem:s3] =	stream.indirect.scatter.add.f32 [tilespmem:s20], [sflag:$0x3], $0x40, s1, s23, $0xb8;
	[tilespmem:$0x1CC00] =	vst v63  }
0x57: {  	_ =	swait.ge [sflag:s19], $0x2000  }
0x58: {  	[sflag:s19] =	ssyncset.done $0x0  }
0x59: {  	s1 =	sadd.s32 $0x13D00, s0;
	[sflag:s19] =	ssyncadd.s32 $0xFFFFE000  }
0x5a: {  	[tilespmem:s20], [sflag:$0x1] =	stream.indirect.gather [spmem:s2], $0x40, s1, s23, $0xb8;
	[tilespmem:$0x1CC00] =	vst v63  }
0x5b: {  	_ =	swait.ge [sflag:s28], $0x2000  }
0x5c: {  	[sflag:s28] =	ssyncset.done $0x0  }
.Ltmp1:
0x5d: {  	s1 =	sadd.s32 $0x16480, s0;
	[sflag:s28] =	ssyncadd.s32 $0xFFFFE000;
	(pc) =	sbr.rel @p0 .LBB2_4-.Ltmp1, $4  }
0x5e: {  	[spmem:s3] =	stream.indirect.scatter.add.f32 [tilespmem:s25], [sflag:$0x3], $0x40, s1, s23, $0xb8;
	[tilespmem:$0x1CC00] =	vst v63  }
0x5f: {  	_ =	swait.ge [sflag:s19], $0x2000  }
0x60: {  	[sflag:s19] =	ssyncset.done $0x0  }
0x61: {  	s0 =	sadd.s32 $0x13D80, s0;
	[sflag:s19] =	ssyncadd.s32 $0xFFFFE000  }
0x62: {  	[tilespmem:s25], [sflag:$0x2] =	stream.indirect.gather [spmem:s2], $0x40, s0, s23, $0xb8;
	[tilespmem:$0x1CC00] =	vst v63  }
0x63: {  	_ =	swait.ge [sflag:s26], $0x2000  }
0x64: {  	[sflag:s26] =	ssyncset.done $0x0  }
0x65: {  	[sflag:s26] =	ssyncadd.s32 $0xFFFFE000  }
0x66: {  	[spmem:s3] =	stream.indirect.scatter.add.f32 [tilespmem:s20], [sflag:$0x3], $0x40, s29, s23, $0xb8;
	[tilespmem:$0x1CC00] =	vst v63  }
0x67: {  	_ =	swait.ge [sflag:s19], $0x2000  }
0x68: {  	[sflag:s19] =	ssyncset.done $0x0  }
0x69: {  	[sflag:s19] =	ssyncadd.s32 $0xFFFFE000  }
0x6a: {  	_ =	swait.ge [sflag:s28], $0x2000  }
0x6b: {  	[sflag:s28] =	ssyncset.done $0x0  }
0x6c: {  	[sflag:s28] =	ssyncadd.s32 $0xFFFFE000  }
0x6d: {  	[spmem:s3] =	stream.indirect.scatter.add.f32 [tilespmem:s25], [sflag:$0x3], $0x40, s30, s23, $0xb8;
	[tilespmem:$0x1CC00] =	vst v63  }
0x6e: {  	_ =	swait.ge [sflag:s19], $0x2000  }
0x6f: {  	[sflag:s19] =	ssyncset.done $0x0  }
0x70: {  	s1 =	simm.s32 $0x0;
	[sflag:s19] =	ssyncadd.s32 $0xFFFFE000  }
0x71: {  	[tilespmem:s21], [sflag:$0x3] =	stream.linear.gather [hbm4b:s14+s1], $0x2800, $0x38;
	[tilespmem:$0x1CC00] =	vst v63  }
0x72: {  	_ =	swait.ge [sflag:s19], $0x2800  }
0x73: {  	[sflag:s19] =	ssyncset.done $0x0  }
0x74: {  	[sflag:s19] =	ssyncadd.s32 $0xFFFFD800  }
0x75: {  	[tilespmem:s22], [sflag:$0x3] =	stream.linear.gather [hbm4b:s15+s1], $0x2800, $0x38;
	[tilespmem:$0x1CC00] =	vst v63  }
0x76: {  	_ =	swait.ge [sflag:s19], $0x2800  }
0x77: {  	[sflag:s19] =	ssyncset.done $0x0  }
0x78: {  	[sflag:s19] =	ssyncadd.s32 $0xFFFFD800  }
0x79: {  	[tilespmem:s20], [sflag:$0x1] =	stream.indirect.gather [spmem:s2], $0x40, s21, s23, $0xb8;
	[tilespmem:$0x1CC00] =	vst v63  }
0x7a: {  	_ = 	snop  }
0x7b: {  	[tilespmem:s25], [sflag:$0x2] =	stream.indirect.gather [spmem:s2], $0x40, s24, s23, $0xb8;
	[tilespmem:$0x1CC00] =	vst v63  }
0x7c: {  	_ =	swait.ge [sflag:s26], $0x2000  }
0x7d: {  	[sflag:s26] =	ssyncset.done $0x0  }
0x7e: {  	s1 =	simm.s32 $0x16400;
	[sflag:s26] =	ssyncadd.s32 $0xFFFFE000  }
0x7f: {  	[spmem:s3] =	stream.indirect.scatter.add.f32 [tilespmem:s20], [sflag:$0x3], $0x40, s1, s23, $0xb8;
	[tilespmem:$0x1CC00] =	vst v63  }
0x80: {  	_ =	swait.ge [sflag:s19], $0x2000  }
0x81: {  	[sflag:s19] =	ssyncset.done $0x0  }
0x82: {  	s1 =	simm.s32 $0x13D00;
	[sflag:s19] =	ssyncadd.s32 $0xFFFFE000  }
0x83: {  	[tilespmem:s20], [sflag:$0x1] =	stream.indirect.gather [spmem:s2], $0x40, s1, s23, $0xb8;
	[tilespmem:$0x1CC00] =	vst v63  }
0x84: {  	_ =	swait.ge [sflag:s28], $0x2000  }
0x85: {  	[sflag:s28] =	ssyncset.done $0x0  }
0x86: {  	s1 =	simm.s32 $0x16480;
	[sflag:s28] =	ssyncadd.s32 $0xFFFFE000  }
0x87: {  	[spmem:s3] =	stream.indirect.scatter.add.f32 [tilespmem:s25], [sflag:$0x3], $0x40, s1, s23, $0xb8;
	[tilespmem:$0x1CC00] =	vst v63  }
0x88: {  	_ =	swait.ge [sflag:s19], $0x2000  }
0x89: {  	[sflag:s19] =	ssyncset.done $0x0  }
0x8a: {  	s31 =	simm.s32 $0x400;
	s0 =	simm.s32 $0x13D80;
	[sflag:s19] =	ssyncadd.s32 $0xFFFFE000  }
.LBB2_6:
0x8b: {  	[tilespmem:s25], [sflag:$0x2] =	stream.indirect.gather [spmem:s2], $0x40, s0, s23, $0xb8;
	[tilespmem:$0x1CC00] =	vst v63  }
0x8c: {  	s0 =	smov.u32 s31  }
0x8d: {  	p0 =	sne.s32 s31, $0x9800;
	s31 =	sadd.s32 $0x400, s31;
	_ =	swait.ge [sflag:s26], $0x2000  }
0x8e: {  	s0 =	sshra.s32 s0, $0x2;
	[sflag:s26] =	ssyncset.done $0x0  }
0x8f: {  	s1 =	sadd.s32 $0x16400, s0;
	[sflag:s26] =	ssyncadd.s32 $0xFFFFE000  }
0x90: {  	[spmem:s3] =	stream.indirect.scatter.add.f32 [tilespmem:s20], [sflag:$0x3], $0x40, s1, s23, $0xb8;
	[tilespmem:$0x1CC00] =	vst v63  }
0x91: {  	_ =	swait.ge [sflag:s19], $0x2000  }
0x92: {  	[sflag:s19] =	ssyncset.done $0x0  }
0x93: {  	s1 =	sadd.s32 $0x13D00, s0;
	[sflag:s19] =	ssyncadd.s32 $0xFFFFE000  }
0x94: {  	[tilespmem:s20], [sflag:$0x1] =	stream.indirect.gather [spmem:s2], $0x40, s1, s23, $0xb8;
	[tilespmem:$0x1CC00] =	vst v63  }
0x95: {  	_ =	swait.ge [sflag:s28], $0x2000  }
0x96: {  	[sflag:s28] =	ssyncset.done $0x0  }
.Ltmp2:
0x97: {  	s1 =	sadd.s32 $0x16480, s0;
	[sflag:s28] =	ssyncadd.s32 $0xFFFFE000;
	(pc) =	sbr.rel @p0 .LBB2_6-.Ltmp2, $4  }
0x98: {  	[spmem:s3] =	stream.indirect.scatter.add.f32 [tilespmem:s25], [sflag:$0x3], $0x40, s1, s23, $0xb8;
	[tilespmem:$0x1CC00] =	vst v63  }
0x99: {  	_ =	swait.ge [sflag:s19], $0x2000  }
0x9a: {  	[sflag:s19] =	ssyncset.done $0x0  }
0x9b: {  	s0 =	sadd.s32 $0x13D80, s0;
	[sflag:s19] =	ssyncadd.s32 $0xFFFFE000  }
0x9c: {  	[tilespmem:s25], [sflag:$0x2] =	stream.indirect.gather [spmem:s2], $0x40, s0, s23, $0xb8;
	[tilespmem:$0x1CC00] =	vst v63  }
0x9d: {  	_ =	swait.ge [sflag:s26], $0x2000  }
0x9e: {  	[sflag:s26] =	ssyncset.done $0x0  }
0x9f: {  	[sflag:s26] =	ssyncadd.s32 $0xFFFFE000  }
0xa0: {  	[spmem:s3] =	stream.indirect.scatter.add.f32 [tilespmem:s20], [sflag:$0x3], $0x40, s29, s23, $0xb8;
	[tilespmem:$0x1CC00] =	vst v63  }
0xa1: {  	_ =	swait.ge [sflag:s19], $0x2000  }
0xa2: {  	[sflag:s19] =	ssyncset.done $0x0  }
0xa3: {  	[sflag:s19] =	ssyncadd.s32 $0xFFFFE000  }
0xa4: {  	_ =	swait.ge [sflag:s28], $0x2000  }
0xa5: {  	[sflag:s28] =	ssyncset.done $0x0  }
0xa6: {  	[sflag:s28] =	ssyncadd.s32 $0xFFFFE000  }
0xa7: {  	[spmem:s3] =	stream.indirect.scatter.add.f32 [tilespmem:s25], [sflag:$0x3], $0x40, s30, s23, $0xb8;
	[tilespmem:$0x1CC00] =	vst v63  }
0xa8: {  	_ =	swait.ge [sflag:s19], $0x2000  }
0xa9: {  	s4 =	sadd.s32 $0x1, s4;
	[sflag:s19] =	ssyncset.done $0x0  }
0xaa: {  	p0 =	sne.s32 s4, s17;
	[sflag:s19] =	ssyncadd.s32 $0xFFFFE000  }
.Ltmp3:
0xab: {  	s31 =	sshrl.u32 s7, $0x3;
	[bflag:$0x0] =	sbarrier.arrive $0xFFFF;
	(pc) =	sbr.rel @p0 .LBB2_1-.Ltmp3, $4  }
0xac: {  	[hbm:s16], [sflag:s6] =	dma.local [spmem:s31], $0x13C0  }
0xad: {  	_ =	swait.ge [sflag:s19], $0x13C0  }
0xae: {  	[sflag:s19] =	ssyncset.done $0x0  }
0xaf: {  	[sflag:s19] =	ssyncadd.s32 $0xFFFFEC40  }
0xb0: {  	_ =	sfence.sel $0x180000  }
0xb1: {  	[bflag:$0x0] =	sbarrier.arrive $0xFFFF  }
0xb2: {  	_ =	strace $0x9000004D  }
0xb3: {  	s0 =	stileid.u32;
	[bflag:$0x2] =	sbarrier.arrive $0xFFFF  }
0xb4: {  	p0 =	sne.s32 s0, $0x0;
	s0 =	rddreg [dreg:$0x3]  }
0xb5: {  	s0 =	sadd.s32 @!p0 $0x100000, s0  }
0xb6: {  	[sflag:s0] =	ssyncadd.tile.s32 @!p0 $0x1;
	_ =	shalt  }
.Lfunc_end2:
_tile_overlayer_lowered:
.L_overlay_start_2:
0xb7: {  	(tag) =	ssettag $0x2  }
0xb8: {  	s0 =	rddreg [dreg:$0x0];
	s2 =	stileid.u32  }
0xb9: {  	s1 =	rddreg [dreg:$0x1];
	p0 =	sne.s32 s2, $0x0  }
0xba: {  	s3 =	rddreg [dreg:$0x2];
	[bflag:$0x3] =	sbarrier.arrive $0xFFFF;
	s2 =	simm.s32 @!p0 $0x1C03  }
0xbb: {  	[timem:s3], [sflag:s2] =	dma.local @!p0 [hbm:s0], s1  }
0xbc: {  	s0 =	simm.s32 @!p0 $0x3  }
0xbd: {  	_ =	swait.ge @!p0 [sflag:s0], s1  }
0xbe: {  	s1 =	ssub.s32 @!p0 $0x0, s1;
	[sflag:s0] =	ssyncset.done @!p0 $0x0  }
0xbf: {  	[sflag:s0] =	ssyncadd.s32 @!p0 s1  }
0xc0: {  	[bflag:$0x3] =	sbarrier.arrive $0xFFFF  }
0xc1: {  	_ =	shalt  }

</sc_bundles>
